<compile_context>
chip_gen: v7x
topology: tpu7x:2x2x1
jax: 0.10.2.dev20260603
libtpu: 0.0.44.dev20260713+nightly
codegen_flags: <defaults>
</compile_context>

<pallas_src>
import jax
import jax.numpy as jnp
from jax import lax
from jax.experimental import pallas as pl
from jax.experimental.pallas import tpu as pltpu
from jax.experimental.pallas import tpu_sc as plsc

BATCH = 16384
NF = 16
QTR = BATCH // 4
L = 16
NROW = 17
SLICE = QTR // 16


def _gather_quarter(row_v, idx_v, dst_v):
    def chunk(j, carry):
        iv = idx_v[pl.ds(j * L, L)]
        dst_v[pl.ds(j * L, L)] = plsc.load_gather(row_v, [iv])
        return carry
    lax.fori_loop(0, QTR // L, chunk, 0)


def _sc_body(pq_hbm, tab_hbm, bias_hbm, out_hbm,
             row_v, idx_v, gath_v, red_v, exch, sem):
    c = lax.axis_index("c")
    s = lax.axis_index("s")
    t = lax.rem(s, 2)
    f = c * 8 + s // 2
    row = t * NF + f

    pltpu.sync_copy(tab_hbm.at[row], row_v)

    for h in range(4):
        buf = (h % 2) * (NROW * QTR)

        pltpu.sync_copy(pq_hbm.at[pl.ds(t * BATCH + h * QTR, QTR)], idx_v)
        _gather_quarter(row_v, idx_v, gath_v)
        pltpu.sync_copy(gath_v, exch.at[pl.ds(buf + s * QTR, QTR)])

        plsc.subcore_barrier()

        base = s * SLICE
        copies = [
            pltpu.async_copy(exch.at[pl.ds(buf + r * QTR + base, SLICE)],
                             red_v.at[pl.ds(r * SLICE, SLICE)], sem)
            for r in range(NROW - 1)
        ]
        pltpu.sync_copy(bias_hbm.at[pl.ds(c * BATCH + h * QTR + base, SLICE)],
                        red_v.at[pl.ds(16 * SLICE, SLICE)])
        for cp in copies:
            cp.wait()

        def acc_chunk(j, carry):
            x = red_v[pl.ds(16 * SLICE + j * L, L)]
            for fl in range(8):
                a = red_v[pl.ds((2 * fl) * SLICE + j * L, L)]
                b = red_v[pl.ds((2 * fl + 1) * SLICE + j * L, L)]
                x = x + a * b
            red_v[pl.ds(16 * SLICE + j * L, L)] = x
            return carry
        lax.fori_loop(0, SLICE // L, acc_chunk, 0)
        pltpu.sync_copy(red_v.at[pl.ds(16 * SLICE, SLICE)],
                        out_hbm.at[pl.ds(c * BATCH + h * QTR + base, SLICE)])


@jax.jit
def _run(pq, tab, bias):
    mesh = plsc.VectorSubcoreMesh(core_axis_name="c", subcore_axis_name="s")
    f = pl.kernel(
        _sc_body,
        out_type=jax.ShapeDtypeStruct((2 * BATCH,), jnp.float32),
        mesh=mesh,
        compiler_params=pltpu.CompilerParams(use_tc_tiling_on_sc=True,
                                             needs_layout_passes=False),
        scratch_types=[
            pltpu.VMEM((100000,), jnp.float32),
            pltpu.VMEM((QTR,), jnp.int32),
            pltpu.VMEM((QTR,), jnp.float32),
            pltpu.VMEM((NROW * SLICE,), jnp.float32),
            pltpu.VMEM_SHARED((2 * NROW * QTR,), jnp.float32),
            pltpu.SemaphoreType.DMA,
        ],
    )
    parts = f(pq, tab, bias)
    return jax.nn.sigmoid(parts[:BATCH] + parts[BATCH:])


def kernel(p, poll, p_embed, poll_embed, p_bias, poll_bias):
    p32 = p.astype(jnp.int32)
    q32 = poll.astype(jnp.int32)
    pq = jnp.concatenate([p32, q32])
    bias_cat = jnp.concatenate([p_bias.reshape(-1, 1), poll_bias.reshape(-1, 1)])
    bias_idx = pq + jnp.concatenate([jnp.zeros((BATCH,), jnp.int32),
                                     jnp.full((BATCH,), bias_cat.shape[0] // 2, jnp.int32)])
    bias = jnp.take_along_axis(
        bias_cat, bias_idx[:, None], axis=0,
        mode="promise_in_bounds").reshape(-1)
    tab = jnp.concatenate([p_embed, poll_embed], axis=1).T
    return _run(pq, tab, bias)

# --- scband reference (transcript-rebuilt; emitter-appended) ---
"""Pipeline reference for scband-politician-embedding-model-30159260352745 (READ-ONLY COPY).

The authoritative reference and input builder live on the scoring server;
editing this copy changes nothing except your own understanding.
"""

import jax, jax.numpy as jnp
import numpy as np

N_POLITICIANS = 100000
N_POLLS = 100000
N_FACTORS = 16
BATCH = 16384


def setup_inputs(seed: int = 0) -> dict:
    key = jax.random.key(seed)
    k1, k2, k3, k4 = jax.random.split(key, 4)
    p = jax.random.randint(k1, (BATCH,), 0, N_POLITICIANS, dtype=jnp.int64 if jax.config.jax_enable_x64 else jnp.int32)
    poll = jax.random.randint(k2, (BATCH,), 0, N_POLLS, dtype=jnp.int64 if jax.config.jax_enable_x64 else jnp.int32)
    # xavier_uniform-ish init for embedding tables
    limit_p = float(np.sqrt(6.0 / (N_POLITICIANS + N_FACTORS)))
    limit_poll = float(np.sqrt(6.0 / (N_POLLS + N_FACTORS)))
    p_embed = jax.random.uniform(k3, (N_POLITICIANS, N_FACTORS), dtype=jnp.float32, minval=-limit_p, maxval=limit_p)
    poll_embed = jax.random.uniform(k4, (N_POLLS, N_FACTORS), dtype=jnp.float32, minval=-limit_poll, maxval=limit_poll)
    p_bias = jnp.zeros((N_POLITICIANS, 1), dtype=jnp.float32)
    poll_bias = jnp.zeros((N_POLLS, 1), dtype=jnp.float32)
    return {"p": p, "poll": poll, "p_embed": p_embed, "poll_embed": poll_embed, "p_bias": p_bias, "poll_bias": poll_bias}


def reference(p, poll, p_embed, poll_embed, p_bias, poll_bias):
    pe = jnp.take(p_embed, p, axis=0)          # [B, n_factors]
    qe = jnp.take(poll_embed, poll, axis=0)    # [B, n_factors]
    dot = jnp.sum(pe * qe, axis=1)             # [B]
    pb = jnp.take(p_bias, p, axis=0).squeeze(-1)
    qb = jnp.take(poll_bias, poll, axis=0).squeeze(-1)
    res = dot + pb + qb
    return jax.nn.sigmoid(res)

if __name__ == "__main__":
    import jax
    _d = setup_inputs()
    print(jax.jit(kernel)(*tuple(_d.values())))

</pallas_src>

<mosaic_0001>
#map = affine_map<(d0, d1) -> (0)>
#map1 = affine_map<(d0, d1) -> (0, 0)>
module attributes {stable_mosaic.version = 14 : i64} {
  func.func @_sc_body(%arg0: i32, %arg1: i32, %arg2: memref<32768xi32, #tpu.memory_space<hbm>>, %arg3: memref<32x100000xf32, #tpu.memory_space<hbm>>, %arg4: memref<32768xf32, #tpu.memory_space<hbm>>, %arg5: memref<32768xf32, #tpu.memory_space<hbm>>, %arg6: memref<100000xf32, #tpu.memory_space<vmem>>, %arg7: memref<4096xi32, #tpu.memory_space<vmem>>, %arg8: memref<4096xf32, #tpu.memory_space<vmem>>, %arg9: memref<4352xf32, #tpu.memory_space<vmem>>, %arg10: memref<139264xf32, #tpu.memory_space<vmem_shared>>, %arg11: memref<!tpu.dma_semaphore, #tpu.memory_space<semaphore_mem>>) attributes {dimension_semantics = [#tpu.dimension_semantics<core_parallel>, #tpu.dimension_semantics<subcore_parallel>], iteration_bounds = array<i64: 2, 16>, scalar_prefetch = 0 : i64, scratch_operands = 6 : i64, tpu.core_type = #tpu.core_type<sc_vector_subcore>, window_params = [{transform_indices = #map}, {transform_indices = #map1}, {transform_indices = #map}, {transform_indices = #map}]} {
    %rem3A = arith.constant 2 : i32
    %rem3A_0 = arith.remsi %arg1, %rem3A : i32
    %mul3A = arith.constant 8 : i32
    %mul3A_1 = arith.muli %arg0, %mul3A : i32
    %jit3A = arith.constant 2 : i32
    %div3A = arith.divsi %arg1, %jit3A : i32
    %sign3A = arith.constant 0 : i32
    %sign3A_2 = arith.cmpi sgt, %arg1, %sign3A : i32
    %sign3A_3 = arith.extui %sign3A_2 : i1 to i32
    %sign3A_4 = arith.constant 0 : i32
    %sign3A_5 = arith.cmpi slt, %arg1, %sign3A_4 : i32
    %sign3A_6 = arith.extui %sign3A_5 : i1 to i32
    %sign3A_7 = arith.subi %sign3A_3, %sign3A_6 : i32
    %sign3A_8 = arith.constant 0 : i32
    %sign3A_9 = arith.cmpi sgt, %jit3A, %sign3A_8 : i32
    %sign3A_10 = arith.extui %sign3A_9 : i1 to i32
    %sign3A_11 = arith.constant 0 : i32
    %sign3A_12 = arith.cmpi slt, %jit3A, %sign3A_11 : i32
    %sign3A_13 = arith.extui %sign3A_12 : i1 to i32
    %sign3A_14 = arith.subi %sign3A_10, %sign3A_13 : i32
    %ne3A = arith.cmpi ne, %sign3A_7, %sign3A_14 : i32
    %rem3A_15 = arith.remsi %arg1, %jit3A : i32
    %ne3A_16 = arith.constant 0 : i32
    %ne3A_17 = arith.cmpi ne, %rem3A_15, %ne3A_16 : i32
    %and3A = arith.andi %ne3A, %ne3A_17 : i1
    %sub3A = arith.constant 1 : i32
    %sub3A_18 = arith.subi %div3A, %sub3A : i32
    %select_n3A = arith.select %and3A, %sub3A_18, %div3A : i32
    %add3A = arith.addi %mul3A_1, %select_n3A : i32
    %mul3A_19 = arith.constant 16 : i32
    %mul3A_20 = arith.muli %rem3A_0, %mul3A_19 : i32
    %add3A_21 = arith.addi %mul3A_20, %add3A : i32
    "tpu.region"() ({
      %run_scoped3A = tpu.sem_alloc : memref<!tpu.dma_semaphore, #tpu.memory_space<semaphore_mem>>
      %dma_start3A_1046 = arith.constant 0 : i32
      %dma_start3A_1047 = tpu.memref_slice %arg3[%add3A_21, %dma_start3A_1046] : memref<32x100000xf32, #tpu.memory_space<hbm>> -> memref<1x100000xf32, #tpu.memory_space<hbm>>
      %dma_start3A_1048 = tpu.memref_squeeze %dma_start3A_1047 : memref<1x100000xf32, #tpu.memory_space<hbm>> -> memref<100000xf32, #tpu.memory_space<hbm>>
      %dma_start3A_1049 = arith.constant 0 : i32
      %dma_start3A_1050 = tpu.memref_slice %arg3[%add3A_21, %dma_start3A_1049] : memref<32x100000xf32, #tpu.memory_space<hbm>> -> memref<1x100000xf32, #tpu.memory_space<hbm>>
      %dma_start3A_1051 = tpu.memref_squeeze %dma_start3A_1050 : memref<1x100000xf32, #tpu.memory_space<hbm>> -> memref<100000xf32, #tpu.memory_space<hbm>>
      tpu.enqueue_dma source(%dma_start3A_1051 : memref<100000xf32, #tpu.memory_space<hbm>>) target(%arg6 : memref<100000xf32, #tpu.memory_space<vmem>>) target_semaphore(%run_scoped3A : memref<!tpu.dma_semaphore, #tpu.memory_space<semaphore_mem>>)
      %dma_wait3A_1052 = arith.constant 0 : i32
      %dma_wait3A_1053 = tpu.memref_slice %arg3[%add3A_21, %dma_wait3A_1052] : memref<32x100000xf32, #tpu.memory_space<hbm>> -> memref<1x100000xf32, #tpu.memory_space<hbm>>
      %dma_wait3A_1054 = tpu.memref_squeeze %dma_wait3A_1053 : memref<1x100000xf32, #tpu.memory_space<hbm>> -> memref<100000xf32, #tpu.memory_space<hbm>>
      %dma_wait3A_1055 = arith.constant 0 : i32
      %dma_wait3A_1056 = tpu.memref_slice %arg3[%add3A_21, %dma_wait3A_1055] : memref<32x100000xf32, #tpu.memory_space<hbm>> -> memref<1x100000xf32, #tpu.memory_space<hbm>>
      %dma_wait3A_1057 = tpu.memref_squeeze %dma_wait3A_1056 : memref<1x100000xf32, #tpu.memory_space<hbm>> -> memref<100000xf32, #tpu.memory_space<hbm>>
      tpu.wait_dma2 semaphore(%run_scoped3A : memref<!tpu.dma_semaphore, #tpu.memory_space<semaphore_mem>>) src(%dma_wait3A_1057 : memref<100000xf32, #tpu.memory_space<hbm>>) dst(%arg6 : memref<100000xf32, #tpu.memory_space<vmem>>)
      tpu.yield
    }) : () -> ()
    %mul3A_22 = arith.constant 16384 : i32
    %mul3A_23 = arith.muli %rem3A_0, %mul3A_22 : i32
    %add3A_24 = arith.constant 0 : i32
    %add3A_25 = arith.addi %mul3A_23, %add3A_24 : i32
    "tpu.region"() ({
      %run_scoped3A = tpu.sem_alloc : memref<!tpu.dma_semaphore, #tpu.memory_space<semaphore_mem>>
      %dma_start3A_1046 = tpu.memref_slice %arg2[%add3A_25] : memref<32768xi32, #tpu.memory_space<hbm>> -> memref<4096xi32, #tpu.memory_space<hbm>>
      %dma_start3A_1047 = tpu.memref_slice %arg2[%add3A_25] : memref<32768xi32, #tpu.memory_space<hbm>> -> memref<4096xi32, #tpu.memory_space<hbm>>
      tpu.enqueue_dma source(%dma_start3A_1047 : memref<4096xi32, #tpu.memory_space<hbm>>) target(%arg7 : memref<4096xi32, #tpu.memory_space<vmem>>) target_semaphore(%run_scoped3A : memref<!tpu.dma_semaphore, #tpu.memory_space<semaphore_mem>>)
      %dma_wait3A_1048 = tpu.memref_slice %arg2[%add3A_25] : memref<32768xi32, #tpu.memory_space<hbm>> -> memref<4096xi32, #tpu.memory_space<hbm>>
      %dma_wait3A_1049 = tpu.memref_slice %arg2[%add3A_25] : memref<32768xi32, #tpu.memory_space<hbm>> -> memref<4096xi32, #tpu.memory_space<hbm>>
      tpu.wait_dma2 semaphore(%run_scoped3A : memref<!tpu.dma_semaphore, #tpu.memory_space<semaphore_mem>>) src(%dma_wait3A_1049 : memref<4096xi32, #tpu.memory_space<hbm>>) dst(%arg7 : memref<4096xi32, #tpu.memory_space<vmem>>)
      tpu.yield
    }) : () -> ()
    %scan3A = arith.constant 0 : i32
    %scan3A_26 = arith.constant 0 : i32
    %scan3A_27 = arith.constant 256 : i32
    %scan3A_28 = arith.addi %scan3A_26, %scan3A_27 : i32
    %scan3A_29 = arith.constant 1 : i32
    scf.for %scan3A_1046 = %scan3A_26 to %scan3A_28 step %scan3A_29  : i32 {
      %mul3A_1047 = arith.constant 16 : i32
      %mul3A_1048 = arith.muli %scan3A_1046, %mul3A_1047 : i32
      %get3A = arith.index_cast %mul3A_1048 : i32 to index
      %get3A_1049 = tpu.vector_load %arg7[%get3A] {strides = array<i32>} : memref<4096xi32, #tpu.memory_space<vmem>>, vector<16xi32>,
      %gather3A = tpu.vector_load_idx %arg6[%get3A_1049] : memref<100000xf32, #tpu.memory_space<vmem>>[vector<16xi32>], vector<16xf32>,
      %mul3A_1050 = arith.constant 16 : i32
      %mul3A_1051 = arith.muli %scan3A_1046, %mul3A_1050 : i32
      %swap3A = arith.index_cast %mul3A_1051 : i32 to index
      %swap3A_1052 = tpu.vector_load %arg8[%swap3A] {strides = array<i32>} : memref<4096xf32, #tpu.memory_space<vmem>>, vector<16xf32>,
      tpu.vector_store %arg8[%swap3A], %gather3A {strides = array<i32>} : memref<4096xf32, #tpu.memory_space<vmem>>, vector<16xf32>,
    }
    %scan3A_30 = arith.constant 256 : i32
    %mul3A_31 = arith.constant 4096 : i32
    %mul3A_32 = arith.muli %arg1, %mul3A_31 : i32
    %add3A_33 = arith.constant 0 : i32
    %add3A_34 = arith.addi %add3A_33, %mul3A_32 : i32
    "tpu.region"() ({
      %run_scoped3A = tpu.sem_alloc : memref<!tpu.dma_semaphore, #tpu.memory_space<semaphore_mem>>
      %dma_start3A_1046 = tpu.memref_slice %arg10[%add3A_34] : memref<139264xf32, #tpu.memory_space<vmem_shared>> -> memref<4096xf32, #tpu.memory_space<vmem_shared>>
      %dma_start3A_1047 = tpu.memref_slice %arg10[%add3A_34] : memref<139264xf32, #tpu.memory_space<vmem_shared>> -> memref<4096xf32, #tpu.memory_space<vmem_shared>>
      tpu.enqueue_dma source(%arg8 : memref<4096xf32, #tpu.memory_space<vmem>>) target(%dma_start3A_1047 : memref<4096xf32, #tpu.memory_space<vmem_shared>>) target_semaphore(%run_scoped3A : memref<!tpu.dma_semaphore, #tpu.memory_space<semaphore_mem>>)
      %dma_wait3A_1048 = tpu.memref_slice %arg10[%add3A_34] : memref<139264xf32, #tpu.memory_space<vmem_shared>> -> memref<4096xf32, #tpu.memory_space<vmem_shared>>
      %dma_wait3A_1049 = tpu.memref_slice %arg10[%add3A_34] : memref<139264xf32, #tpu.memory_space<vmem_shared>> -> memref<4096xf32, #tpu.memory_space<vmem_shared>>
      tpu.wait_dma2 semaphore(%run_scoped3A : memref<!tpu.dma_semaphore, #tpu.memory_space<semaphore_mem>>) src(%arg8 : memref<4096xf32, #tpu.memory_space<vmem>>) dst(%dma_wait3A_1049 : memref<4096xf32, #tpu.memory_space<vmem_shared>>)
      tpu.yield
    }) : () -> ()
    %barrier3A = arith.constant 0 : index
    tpu.barrier barrier_id(%barrier3A)
    %mul3A_35 = arith.constant 256 : i32
    %mul3A_36 = arith.muli %arg1, %mul3A_35 : i32
    %add3A_37 = arith.constant 0 : i32
    %add3A_38 = arith.addi %add3A_37, %mul3A_36 : i32
    %dma_start3A = arith.constant 0 : i32
    %dma_start3A_39 = tpu.memref_slice %arg9[%dma_start3A] : memref<4352xf32, #tpu.memory_space<vmem>> -> memref<256xf32, #tpu.memory_space<vmem>>
    %dma_start3A_40 = tpu.memref_slice %arg10[%add3A_38] : memref<139264xf32, #tpu.memory_space<vmem_shared>> -> memref<256xf32, #tpu.memory_space<vmem_shared>>
    %dma_start3A_41 = arith.constant 0 : i32
    %dma_start3A_42 = tpu.memref_slice %arg9[%dma_start3A_41] : memref<4352xf32, #tpu.memory_space<vmem>> -> memref<256xf32, #tpu.memory_space<vmem>>
    %dma_start3A_43 = tpu.memref_slice %arg10[%add3A_38] : memref<139264xf32, #tpu.memory_space<vmem_shared>> -> memref<256xf32, #tpu.memory_space<vmem_shared>>
    tpu.enqueue_dma source(%dma_start3A_43 : memref<256xf32, #tpu.memory_space<vmem_shared>>) target(%dma_start3A_42 : memref<256xf32, #tpu.memory_space<vmem>>) target_semaphore(%arg11 : memref<!tpu.dma_semaphore, #tpu.memory_space<semaphore_mem>>)
    %add3A_44 = arith.constant 4096 : i32
    %add3A_45 = arith.addi %add3A_44, %mul3A_36 : i32
    %dma_start3A_46 = arith.constant 256 : i32
    %dma_start3A_47 = tpu.memref_slice %arg9[%dma_start3A_46] : memref<4352xf32, #tpu.memory_space<vmem>> -> memref<256xf32, #tpu.memory_space<vmem>>
    %dma_start3A_48 = tpu.memref_slice %arg10[%add3A_45] : memref<139264xf32, #tpu.memory_space<vmem_shared>> -> memref<256xf32, #tpu.memory_space<vmem_shared>>
    %dma_start3A_49 = arith.constant 256 : i32
    %dma_start3A_50 = tpu.memref_slice %arg9[%dma_start3A_49] : memref<4352xf32, #tpu.memory_space<vmem>> -> memref<256xf32, #tpu.memory_space<vmem>>
    %dma_start3A_51 = tpu.memref_slice %arg10[%add3A_45] : memref<139264xf32, #tpu.memory_space<vmem_shared>> -> memref<256xf32, #tpu.memory_space<vmem_shared>>
    tpu.enqueue_dma source(%dma_start3A_51 : memref<256xf32, #tpu.memory_space<vmem_shared>>) target(%dma_start3A_50 : memref<256xf32, #tpu.memory_space<vmem>>) target_semaphore(%arg11 : memref<!tpu.dma_semaphore, #tpu.memory_space<semaphore_mem>>)
    %add3A_52 = arith.constant 8192 : i32
    %add3A_53 = arith.addi %add3A_52, %mul3A_36 : i32
    %dma_start3A_54 = arith.constant 512 : i32
    %dma_start3A_55 = tpu.memref_slice %arg9[%dma_start3A_54] : memref<4352xf32, #tpu.memory_space<vmem>> -> memref<256xf32, #tpu.memory_space<vmem>>
    %dma_start3A_56 = tpu.memref_slice %arg10[%add3A_53] : memref<139264xf32, #tpu.memory_space<vmem_shared>> -> memref<256xf32, #tpu.memory_space<vmem_shared>>
    %dma_start3A_57 = arith.constant 512 : i32
    %dma_start3A_58 = tpu.memref_slice %arg9[%dma_start3A_57] : memref<4352xf32, #tpu.memory_space<vmem>> -> memref<256xf32, #tpu.memory_space<vmem>>
    %dma_start3A_59 = tpu.memref_slice %arg10[%add3A_53] : memref<139264xf32, #tpu.memory_space<vmem_shared>> -> memref<256xf32, #tpu.memory_space<vmem_shared>>
    tpu.enqueue_dma source(%dma_start3A_59 : memref<256xf32, #tpu.memory_space<vmem_shared>>) target(%dma_start3A_58 : memref<256xf32, #tpu.memory_space<vmem>>) target_semaphore(%arg11 : memref<!tpu.dma_semaphore, #tpu.memory_space<semaphore_mem>>)
    %add3A_60 = arith.constant 12288 : i32
    %add3A_61 = arith.addi %add3A_60, %mul3A_36 : i32
    %dma_start3A_62 = arith.constant 768 : i32
    %dma_start3A_63 = tpu.memref_slice %arg9[%dma_start3A_62] : memref<4352xf32, #tpu.memory_space<vmem>> -> memref<256xf32, #tpu.memory_space<vmem>>
    %dma_start3A_64 = tpu.memref_slice %arg10[%add3A_61] : memref<139264xf32, #tpu.memory_space<vmem_shared>> -> memref<256xf32, #tpu.memory_space<vmem_shared>>
    %dma_start3A_65 = arith.constant 768 : i32
    %dma_start3A_66 = tpu.memref_slice %arg9[%dma_start3A_65] : memref<4352xf32, #tpu.memory_space<vmem>> -> memref<256xf32, #tpu.memory_space<vmem>>
    %dma_start3A_67 = tpu.memref_slice %arg10[%add3A_61] : memref<139264xf32, #tpu.memory_space<vmem_shared>> -> memref<256xf32, #tpu.memory_space<vmem_shared>>
    tpu.enqueue_dma source(%dma_start3A_67 : memref<256xf32, #tpu.memory_space<vmem_shared>>) target(%dma_start3A_66 : memref<256xf32, #tpu.memory_space<vmem>>) target_semaphore(%arg11 : memref<!tpu.dma_semaphore, #tpu.memory_space<semaphore_mem>>)
    %add3A_68 = arith.constant 16384 : i32
    %add3A_69 = arith.addi %add3A_68, %mul3A_36 : i32
    %dma_start3A_70 = arith.constant 1024 : i32
    %dma_start3A_71 = tpu.memref_slice %arg9[%dma_start3A_70] : memref<4352xf32, #tpu.memory_space<vmem>> -> memref<256xf32, #tpu.memory_space<vmem>>
    %dma_start3A_72 = tpu.memref_slice %arg10[%add3A_69] : memref<139264xf32, #tpu.memory_space<vmem_shared>> -> memref<256xf32, #tpu.memory_space<vmem_shared>>
    %dma_start3A_73 = arith.constant 1024 : i32
    %dma_start3A_74 = tpu.memref_slice %arg9[%dma_start3A_73] : memref<4352xf32, #tpu.memory_space<vmem>> -> memref<256xf32, #tpu.memory_space<vmem>>
    %dma_start3A_75 = tpu.memref_slice %arg10[%add3A_69] : memref<139264xf32, #tpu.memory_space<vmem_shared>> -> memref<256xf32, #tpu.memory_space<vmem_shared>>
    tpu.enqueue_dma source(%dma_start3A_75 : memref<256xf32, #tpu.memory_space<vmem_shared>>) target(%dma_start3A_74 : memref<256xf32, #tpu.memory_space<vmem>>) target_semaphore(%arg11 : memref<!tpu.dma_semaphore, #tpu.memory_space<semaphore_mem>>)
    %add3A_76 = arith.constant 20480 : i32
    %add3A_77 = arith.addi %add3A_76, %mul3A_36 : i32
    %dma_start3A_78 = arith.constant 1280 : i32
    %dma_start3A_79 = tpu.memref_slice %arg9[%dma_start3A_78] : memref<4352xf32, #tpu.memory_space<vmem>> -> memref<256xf32, #tpu.memory_space<vmem>>
    %dma_start3A_80 = tpu.memref_slice %arg10[%add3A_77] : memref<139264xf32, #tpu.memory_space<vmem_shared>> -> memref<256xf32, #tpu.memory_space<vmem_shared>>
    %dma_start3A_81 = arith.constant 1280 : i32
    %dma_start3A_82 = tpu.memref_slice %arg9[%dma_start3A_81] : memref<4352xf32, #tpu.memory_space<vmem>> -> memref<256xf32, #tpu.memory_space<vmem>>
    %dma_start3A_83 = tpu.memref_slice %arg10[%add3A_77] : memref<139264xf32, #tpu.memory_space<vmem_shared>> -> memref<256xf32, #tpu.memory_space<vmem_shared>>
    tpu.enqueue_dma source(%dma_start3A_83 : memref<256xf32, #tpu.memory_space<vmem_shared>>) target(%dma_start3A_82 : memref<256xf32, #tpu.memory_space<vmem>>) target_semaphore(%arg11 : memref<!tpu.dma_semaphore, #tpu.memory_space<semaphore_mem>>)
    %add3A_84 = arith.constant 24576 : i32
    %add3A_85 = arith.addi %add3A_84, %mul3A_36 : i32
    %dma_start3A_86 = arith.constant 1536 : i32
    %dma_start3A_87 = tpu.memref_slice %arg9[%dma_start3A_86] : memref<4352xf32, #tpu.memory_space<vmem>> -> memref<256xf32, #tpu.memory_space<vmem>>
    %dma_start3A_88 = tpu.memref_slice %arg10[%add3A_85] : memref<139264xf32, #tpu.memory_space<vmem_shared>> -> memref<256xf32, #tpu.memory_space<vmem_shared>>
    %dma_start3A_89 = arith.constant 1536 : i32
    %dma_start3A_90 = tpu.memref_slice %arg9[%dma_start3A_89] : memref<4352xf32, #tpu.memory_space<vmem>> -> memref<256xf32, #tpu.memory_space<vmem>>
    %dma_start3A_91 = tpu.memref_slice %arg10[%add3A_85] : memref<139264xf32, #tpu.memory_space<vmem_shared>> -> memref<256xf32, #tpu.memory_space<vmem_shared>>
    tpu.enqueue_dma source(%dma_start3A_91 : memref<256xf32, #tpu.memory_space<vmem_shared>>) target(%dma_start3A_90 : memref<256xf32, #tpu.memory_space<vmem>>) target_semaphore(%arg11 : memref<!tpu.dma_semaphore, #tpu.memory_space<semaphore_mem>>)
    %add3A_92 = arith.constant 28672 : i32
    %add3A_93 = arith.addi %add3A_92, %mul3A_36 : i32
    %dma_start3A_94 = arith.constant 1792 : i32
    %dma_start3A_95 = tpu.memref_slice %arg9[%dma_start3A_94] : memref<4352xf32, #tpu.memory_space<vmem>> -> memref<256xf32, #tpu.memory_space<vmem>>
    %dma_start3A_96 = tpu.memref_slice %arg10[%add3A_93] : memref<139264xf32, #tpu.memory_space<vmem_shared>> -> memref<256xf32, #tpu.memory_space<vmem_shared>>
    %dma_start3A_97 = arith.constant 1792 : i32
    %dma_start3A_98 = tpu.memref_slice %arg9[%dma_start3A_97] : memref<4352xf32, #tpu.memory_space<vmem>> -> memref<256xf32, #tpu.memory_space<vmem>>
    %dma_start3A_99 = tpu.memref_slice %arg10[%add3A_93] : memref<139264xf32, #tpu.memory_space<vmem_shared>> -> memref<256xf32, #tpu.memory_space<vmem_shared>>
    tpu.enqueue_dma source(%dma_start3A_99 : memref<256xf32, #tpu.memory_space<vmem_shared>>) target(%dma_start3A_98 : memref<256xf32, #tpu.memory_space<vmem>>) target_semaphore(%arg11 : memref<!tpu.dma_semaphore, #tpu.memory_space<semaphore_mem>>)
    %add3A_100 = arith.constant 32768 : i32
    %add3A_101 = arith.addi %add3A_100, %mul3A_36 : i32
    %dma_start3A_102 = arith.constant 2048 : i32
    %dma_start3A_103 = tpu.memref_slice %arg9[%dma_start3A_102] : memref<4352xf32, #tpu.memory_space<vmem>> -> memref<256xf32, #tpu.memory_space<vmem>>
    %dma_start3A_104 = tpu.memref_slice %arg10[%add3A_101] : memref<139264xf32, #tpu.memory_space<vmem_shared>> -> memref<256xf32, #tpu.memory_space<vmem_shared>>
    %dma_start3A_105 = arith.constant 2048 : i32
    %dma_start3A_106 = tpu.memref_slice %arg9[%dma_start3A_105] : memref<4352xf32, #tpu.memory_space<vmem>> -> memref<256xf32, #tpu.memory_space<vmem>>
    %dma_start3A_107 = tpu.memref_slice %arg10[%add3A_101] : memref<139264xf32, #tpu.memory_space<vmem_shared>> -> memref<256xf32, #tpu.memory_space<vmem_shared>>
    tpu.enqueue_dma source(%dma_start3A_107 : memref<256xf32, #tpu.memory_space<vmem_shared>>) target(%dma_start3A_106 : memref<256xf32, #tpu.memory_space<vmem>>) target_semaphore(%arg11 : memref<!tpu.dma_semaphore, #tpu.memory_space<semaphore_mem>>)
    %add3A_108 = arith.constant 36864 : i32
    %add3A_109 = arith.addi %add3A_108, %mul3A_36 : i32
    %dma_start3A_110 = arith.constant 2304 : i32
    %dma_start3A_111 = tpu.memref_slice %arg9[%dma_start3A_110] : memref<4352xf32, #tpu.memory_space<vmem>> -> memref<256xf32, #tpu.memory_space<vmem>>
    %dma_start3A_112 = tpu.memref_slice %arg10[%add3A_109] : memref<139264xf32, #tpu.memory_space<vmem_shared>> -> memref<256xf32, #tpu.memory_space<vmem_shared>>
    %dma_start3A_113 = arith.constant 2304 : i32
    %dma_start3A_114 = tpu.memref_slice %arg9[%dma_start3A_113] : memref<4352xf32, #tpu.memory_space<vmem>> -> memref<256xf32, #tpu.memory_space<vmem>>
    %dma_start3A_115 = tpu.memref_slice %arg10[%add3A_109] : memref<139264xf32, #tpu.memory_space<vmem_shared>> -> memref<256xf32, #tpu.memory_space<vmem_shared>>
    tpu.enqueue_dma source(%dma_start3A_115 : memref<256xf32, #tpu.memory_space<vmem_shared>>) target(%dma_start3A_114 : memref<256xf32, #tpu.memory_space<vmem>>) target_semaphore(%arg11 : memref<!tpu.dma_semaphore, #tpu.memory_space<semaphore_mem>>)
    %add3A_116 = arith.constant 40960 : i32
    %add3A_117 = arith.addi %add3A_116, %mul3A_36 : i32
    %dma_start3A_118 = arith.constant 2560 : i32
    %dma_start3A_119 = tpu.memref_slice %arg9[%dma_start3A_118] : memref<4352xf32, #tpu.memory_space<vmem>> -> memref<256xf32, #tpu.memory_space<vmem>>
    %dma_start3A_120 = tpu.memref_slice %arg10[%add3A_117] : memref<139264xf32, #tpu.memory_space<vmem_shared>> -> memref<256xf32, #tpu.memory_space<vmem_shared>>
    %dma_start3A_121 = arith.constant 2560 : i32
    %dma_start3A_122 = tpu.memref_slice %arg9[%dma_start3A_121] : memref<4352xf32, #tpu.memory_space<vmem>> -> memref<256xf32, #tpu.memory_space<vmem>>
    %dma_start3A_123 = tpu.memref_slice %arg10[%add3A_117] : memref<139264xf32, #tpu.memory_space<vmem_shared>> -> memref<256xf32, #tpu.memory_space<vmem_shared>>
    tpu.enqueue_dma source(%dma_start3A_123 : memref<256xf32, #tpu.memory_space<vmem_shared>>) target(%dma_start3A_122 : memref<256xf32, #tpu.memory_space<vmem>>) target_semaphore(%arg11 : memref<!tpu.dma_semaphore, #tpu.memory_space<semaphore_mem>>)
    %add3A_124 = arith.constant 45056 : i32
    %add3A_125 = arith.addi %add3A_124, %mul3A_36 : i32
    %dma_start3A_126 = arith.constant 2816 : i32
    %dma_start3A_127 = tpu.memref_slice %arg9[%dma_start3A_126] : memref<4352xf32, #tpu.memory_space<vmem>> -> memref<256xf32, #tpu.memory_space<vmem>>
    %dma_start3A_128 = tpu.memref_slice %arg10[%add3A_125] : memref<139264xf32, #tpu.memory_space<vmem_shared>> -> memref<256xf32, #tpu.memory_space<vmem_shared>>
    %dma_start3A_129 = arith.constant 2816 : i32
    %dma_start3A_130 = tpu.memref_slice %arg9[%dma_start3A_129] : memref<4352xf32, #tpu.memory_space<vmem>> -> memref<256xf32, #tpu.memory_space<vmem>>
    %dma_start3A_131 = tpu.memref_slice %arg10[%add3A_125] : memref<139264xf32, #tpu.memory_space<vmem_shared>> -> memref<256xf32, #tpu.memory_space<vmem_shared>>
    tpu.enqueue_dma source(%dma_start3A_131 : memref<256xf32, #tpu.memory_space<vmem_shared>>) target(%dma_start3A_130 : memref<256xf32, #tpu.memory_space<vmem>>) target_semaphore(%arg11 : memref<!tpu.dma_semaphore, #tpu.memory_space<semaphore_mem>>)
    %add3A_132 = arith.constant 49152 : i32
    %add3A_133 = arith.addi %add3A_132, %mul3A_36 : i32
    %dma_start3A_134 = arith.constant 3072 : i32
    %dma_start3A_135 = tpu.memref_slice %arg9[%dma_start3A_134] : memref<4352xf32, #tpu.memory_space<vmem>> -> memref<256xf32, #tpu.memory_space<vmem>>
    %dma_start3A_136 = tpu.memref_slice %arg10[%add3A_133] : memref<139264xf32, #tpu.memory_space<vmem_shared>> -> memref<256xf32, #tpu.memory_space<vmem_shared>>
    %dma_start3A_137 = arith.constant 3072 : i32
    %dma_start3A_138 = tpu.memref_slice %arg9[%dma_start3A_137] : memref<4352xf32, #tpu.memory_space<vmem>> -> memref<256xf32, #tpu.memory_space<vmem>>
    %dma_start3A_139 = tpu.memref_slice %arg10[%add3A_133] : memref<139264xf32, #tpu.memory_space<vmem_shared>> -> memref<256xf32, #tpu.memory_space<vmem_shared>>
    tpu.enqueue_dma source(%dma_start3A_139 : memref<256xf32, #tpu.memory_space<vmem_shared>>) target(%dma_start3A_138 : memref<256xf32, #tpu.memory_space<vmem>>) target_semaphore(%arg11 : memref<!tpu.dma_semaphore, #tpu.memory_space<semaphore_mem>>)
    %add3A_140 = arith.constant 53248 : i32
    %add3A_141 = arith.addi %add3A_140, %mul3A_36 : i32
    %dma_start3A_142 = arith.constant 3328 : i32
    %dma_start3A_143 = tpu.memref_slice %arg9[%dma_start3A_142] : memref<4352xf32, #tpu.memory_space<vmem>> -> memref<256xf32, #tpu.memory_space<vmem>>
    %dma_start3A_144 = tpu.memref_slice %arg10[%add3A_141] : memref<139264xf32, #tpu.memory_space<vmem_shared>> -> memref<256xf32, #tpu.memory_space<vmem_shared>>
    %dma_start3A_145 = arith.constant 3328 : i32
    %dma_start3A_146 = tpu.memref_slice %arg9[%dma_start3A_145] : memref<4352xf32, #tpu.memory_space<vmem>> -> memref<256xf32, #tpu.memory_space<vmem>>
    %dma_start3A_147 = tpu.memref_slice %arg10[%add3A_141] : memref<139264xf32, #tpu.memory_space<vmem_shared>> -> memref<256xf32, #tpu.memory_space<vmem_shared>>
    tpu.enqueue_dma source(%dma_start3A_147 : memref<256xf32, #tpu.memory_space<vmem_shared>>) target(%dma_start3A_146 : memref<256xf32, #tpu.memory_space<vmem>>) target_semaphore(%arg11 : memref<!tpu.dma_semaphore, #tpu.memory_space<semaphore_mem>>)
    %add3A_148 = arith.constant 57344 : i32
    %add3A_149 = arith.addi %add3A_148, %mul3A_36 : i32
    %dma_start3A_150 = arith.constant 3584 : i32
    %dma_start3A_151 = tpu.memref_slice %arg9[%dma_start3A_150] : memref<4352xf32, #tpu.memory_space<vmem>> -> memref<256xf32, #tpu.memory_space<vmem>>
    %dma_start3A_152 = tpu.memref_slice %arg10[%add3A_149] : memref<139264xf32, #tpu.memory_space<vmem_shared>> -> memref<256xf32, #tpu.memory_space<vmem_shared>>
    %dma_start3A_153 = arith.constant 3584 : i32
    %dma_start3A_154 = tpu.memref_slice %arg9[%dma_start3A_153] : memref<4352xf32, #tpu.memory_space<vmem>> -> memref<256xf32, #tpu.memory_space<vmem>>
    %dma_start3A_155 = tpu.memref_slice %arg10[%add3A_149] : memref<139264xf32, #tpu.memory_space<vmem_shared>> -> memref<256xf32, #tpu.memory_space<vmem_shared>>
    tpu.enqueue_dma source(%dma_start3A_155 : memref<256xf32, #tpu.memory_space<vmem_shared>>) target(%dma_start3A_154 : memref<256xf32, #tpu.memory_space<vmem>>) target_semaphore(%arg11 : memref<!tpu.dma_semaphore, #tpu.memory_space<semaphore_mem>>)
    %add3A_156 = arith.constant 61440 : i32
    %add3A_157 = arith.addi %add3A_156, %mul3A_36 : i32
    %dma_start3A_158 = arith.constant 3840 : i32
    %dma_start3A_159 = tpu.memref_slice %arg9[%dma_start3A_158] : memref<4352xf32, #tpu.memory_space<vmem>> -> memref<256xf32, #tpu.memory_space<vmem>>
    %dma_start3A_160 = tpu.memref_slice %arg10[%add3A_157] : memref<139264xf32, #tpu.memory_space<vmem_shared>> -> memref<256xf32, #tpu.memory_space<vmem_shared>>
    %dma_start3A_161 = arith.constant 3840 : i32
    %dma_start3A_162 = tpu.memref_slice %arg9[%dma_start3A_161] : memref<4352xf32, #tpu.memory_space<vmem>> -> memref<256xf32, #tpu.memory_space<vmem>>
    %dma_start3A_163 = tpu.memref_slice %arg10[%add3A_157] : memref<139264xf32, #tpu.memory_space<vmem_shared>> -> memref<256xf32, #tpu.memory_space<vmem_shared>>
    tpu.enqueue_dma source(%dma_start3A_163 : memref<256xf32, #tpu.memory_space<vmem_shared>>) target(%dma_start3A_162 : memref<256xf32, #tpu.memory_space<vmem>>) target_semaphore(%arg11 : memref<!tpu.dma_semaphore, #tpu.memory_space<semaphore_mem>>)
    %mul3A_164 = arith.constant 16384 : i32
    %mul3A_165 = arith.muli %arg0, %mul3A_164 : i32
    %add3A_166 = arith.constant 0 : i32
    %add3A_167 = arith.addi %mul3A_165, %add3A_166 : i32
    %add3A_168 = arith.addi %add3A_167, %mul3A_36 : i32
    "tpu.region"() ({
      %run_scoped3A = tpu.sem_alloc : memref<!tpu.dma_semaphore, #tpu.memory_space<semaphore_mem>>
      %dma_start3A_1046 = arith.constant 4096 : i32
      %dma_start3A_1047 = tpu.memref_slice %arg9[%dma_start3A_1046] : memref<4352xf32, #tpu.memory_space<vmem>> -> memref<256xf32, #tpu.memory_space<vmem>>
      %dma_start3A_1048 = tpu.memref_slice %arg4[%add3A_168] : memref<32768xf32, #tpu.memory_space<hbm>> -> memref<256xf32, #tpu.memory_space<hbm>>
      %dma_start3A_1049 = arith.constant 4096 : i32
      %dma_start3A_1050 = tpu.memref_slice %arg9[%dma_start3A_1049] : memref<4352xf32, #tpu.memory_space<vmem>> -> memref<256xf32, #tpu.memory_space<vmem>>
      %dma_start3A_1051 = tpu.memref_slice %arg4[%add3A_168] : memref<32768xf32, #tpu.memory_space<hbm>> -> memref<256xf32, #tpu.memory_space<hbm>>
      tpu.enqueue_dma source(%dma_start3A_1051 : memref<256xf32, #tpu.memory_space<hbm>>) target(%dma_start3A_1050 : memref<256xf32, #tpu.memory_space<vmem>>) target_semaphore(%run_scoped3A : memref<!tpu.dma_semaphore, #tpu.memory_space<semaphore_mem>>)
      %dma_wait3A_1052 = arith.constant 4096 : i32
      %dma_wait3A_1053 = tpu.memref_slice %arg9[%dma_wait3A_1052] : memref<4352xf32, #tpu.memory_space<vmem>> -> memref<256xf32, #tpu.memory_space<vmem>>
      %dma_wait3A_1054 = tpu.memref_slice %arg4[%add3A_168] : memref<32768xf32, #tpu.memory_space<hbm>> -> memref<256xf32, #tpu.memory_space<hbm>>
      %dma_wait3A_1055 = arith.constant 4096 : i32
      %dma_wait3A_1056 = tpu.memref_slice %arg9[%dma_wait3A_1055] : memref<4352xf32, #tpu.memory_space<vmem>> -> memref<256xf32, #tpu.memory_space<vmem>>
      %dma_wait3A_1057 = tpu.memref_slice %arg4[%add3A_168] : memref<32768xf32, #tpu.memory_space<hbm>> -> memref<256xf32, #tpu.memory_space<hbm>>
      tpu.wait_dma2 semaphore(%run_scoped3A : memref<!tpu.dma_semaphore, #tpu.memory_space<semaphore_mem>>) src(%dma_wait3A_1057 : memref<256xf32, #tpu.memory_space<hbm>>) dst(%dma_wait3A_1056 : memref<256xf32, #tpu.memory_space<vmem>>)
      tpu.yield
    }) : () -> ()
    %dma_wait3A = arith.constant 0 : i32
    %dma_wait3A_169 = tpu.memref_slice %arg9[%dma_wait3A] : memref<4352xf32, #tpu.memory_space<vmem>> -> memref<256xf32, #tpu.memory_space<vmem>>
    %dma_wait3A_170 = tpu.memref_slice %arg10[%add3A_38] : memref<139264xf32, #tpu.memory_space<vmem_shared>> -> memref<256xf32, #tpu.memory_space<vmem_shared>>
    %dma_wait3A_171 = arith.constant 0 : i32
    %dma_wait3A_172 = tpu.memref_slice %arg9[%dma_wait3A_171] : memref<4352xf32, #tpu.memory_space<vmem>> -> memref<256xf32, #tpu.memory_space<vmem>>
    %dma_wait3A_173 = tpu.memref_slice %arg10[%add3A_38] : memref<139264xf32, #tpu.memory_space<vmem_shared>> -> memref<256xf32, #tpu.memory_space<vmem_shared>>
    tpu.wait_dma2 semaphore(%arg11 : memref<!tpu.dma_semaphore, #tpu.memory_space<semaphore_mem>>) src(%dma_wait3A_173 : memref<256xf32, #tpu.memory_space<vmem_shared>>) dst(%dma_wait3A_172 : memref<256xf32, #tpu.memory_space<vmem>>)
    %dma_wait3A_174 = arith.constant 256 : i32
    %dma_wait3A_175 = tpu.memref_slice %arg9[%dma_wait3A_174] : memref<4352xf32, #tpu.memory_space<vmem>> -> memref<256xf32, #tpu.memory_space<vmem>>
    %dma_wait3A_176 = tpu.memref_slice %arg10[%add3A_45] : memref<139264xf32, #tpu.memory_space<vmem_shared>> -> memref<256xf32, #tpu.memory_space<vmem_shared>>
    %dma_wait3A_177 = arith.constant 256 : i32
    %dma_wait3A_178 = tpu.memref_slice %arg9[%dma_wait3A_177] : memref<4352xf32, #tpu.memory_space<vmem>> -> memref<256xf32, #tpu.memory_space<vmem>>
    %dma_wait3A_179 = tpu.memref_slice %arg10[%add3A_45] : memref<139264xf32, #tpu.memory_space<vmem_shared>> -> memref<256xf32, #tpu.memory_space<vmem_shared>>
    tpu.wait_dma2 semaphore(%arg11 : memref<!tpu.dma_semaphore, #tpu.memory_space<semaphore_mem>>) src(%dma_wait3A_179 : memref<256xf32, #tpu.memory_space<vmem_shared>>) dst(%dma_wait3A_178 : memref<256xf32, #tpu.memory_space<vmem>>)
    %dma_wait3A_180 = arith.constant 512 : i32
    %dma_wait3A_181 = tpu.memref_slice %arg9[%dma_wait3A_180] : memref<4352xf32, #tpu.memory_space<vmem>> -> memref<256xf32, #tpu.memory_space<vmem>>
    %dma_wait3A_182 = tpu.memref_slice %arg10[%add3A_53] : memref<139264xf32, #tpu.memory_space<vmem_shared>> -> memref<256xf32, #tpu.memory_space<vmem_shared>>
    %dma_wait3A_183 = arith.constant 512 : i32
    %dma_wait3A_184 = tpu.memref_slice %arg9[%dma_wait3A_183] : memref<4352xf32, #tpu.memory_space<vmem>> -> memref<256xf32, #tpu.memory_space<vmem>>
    %dma_wait3A_185 = tpu.memref_slice %arg10[%add3A_53] : memref<139264xf32, #tpu.memory_space<vmem_shared>> -> memref<256xf32, #tpu.memory_space<vmem_shared>>
    tpu.wait_dma2 semaphore(%arg11 : memref<!tpu.dma_semaphore, #tpu.memory_space<semaphore_mem>>) src(%dma_wait3A_185 : memref<256xf32, #tpu.memory_space<vmem_shared>>) dst(%dma_wait3A_184 : memref<256xf32, #tpu.memory_space<vmem>>)
    %dma_wait3A_186 = arith.constant 768 : i32
    %dma_wait3A_187 = tpu.memref_slice %arg9[%dma_wait3A_186] : memref<4352xf32, #tpu.memory_space<vmem>> -> memref<256xf32, #tpu.memory_space<vmem>>
    %dma_wait3A_188 = tpu.memref_slice %arg10[%add3A_61] : memref<139264xf32, #tpu.memory_space<vmem_shared>> -> memref<256xf32, #tpu.memory_space<vmem_shared>>
    %dma_wait3A_189 = arith.constant 768 : i32
    %dma_wait3A_190 = tpu.memref_slice %arg9[%dma_wait3A_189] : memref<4352xf32, #tpu.memory_space<vmem>> -> memref<256xf32, #tpu.memory_space<vmem>>
    %dma_wait3A_191 = tpu.memref_slice %arg10[%add3A_61] : memref<139264xf32, #tpu.memory_space<vmem_shared>> -> memref<256xf32, #tpu.memory_space<vmem_shared>>
    tpu.wait_dma2 semaphore(%arg11 : memref<!tpu.dma_semaphore, #tpu.memory_space<semaphore_mem>>) src(%dma_wait3A_191 : memref<256xf32, #tpu.memory_space<vmem_shared>>) dst(%dma_wait3A_190 : memref<256xf32, #tpu.memory_space<vmem>>)
    %dma_wait3A_192 = arith.constant 1024 : i32
    %dma_wait3A_193 = tpu.memref_slice %arg9[%dma_wait3A_192] : memref<4352xf32, #tpu.memory_space<vmem>> -> memref<256xf32, #tpu.memory_space<vmem>>
    %dma_wait3A_194 = tpu.memref_slice %arg10[%add3A_69] : memref<139264xf32, #tpu.memory_space<vmem_shared>> -> memref<256xf32, #tpu.memory_space<vmem_shared>>
    %dma_wait3A_195 = arith.constant 1024 : i32
    %dma_wait3A_196 = tpu.memref_slice %arg9[%dma_wait3A_195] : memref<4352xf32, #tpu.memory_space<vmem>> -> memref<256xf32, #tpu.memory_space<vmem>>
    %dma_wait3A_197 = tpu.memref_slice %arg10[%add3A_69] : memref<139264xf32, #tpu.memory_space<vmem_shared>> -> memref<256xf32, #tpu.memory_space<vmem_shared>>
    tpu.wait_dma2 semaphore(%arg11 : memref<!tpu.dma_semaphore, #tpu.memory_space<semaphore_mem>>) src(%dma_wait3A_197 : memref<256xf32, #tpu.memory_space<vmem_shared>>) dst(%dma_wait3A_196 : memref<256xf32, #tpu.memory_space<vmem>>)
    %dma_wait3A_198 = arith.constant 1280 : i32
    %dma_wait3A_199 = tpu.memref_slice %arg9[%dma_wait3A_198] : memref<4352xf32, #tpu.memory_space<vmem>> -> memref<256xf32, #tpu.memory_space<vmem>>
    %dma_wait3A_200 = tpu.memref_slice %arg10[%add3A_77] : memref<139264xf32, #tpu.memory_space<vmem_shared>> -> memref<256xf32, #tpu.memory_space<vmem_shared>>
    %dma_wait3A_201 = arith.constant 1280 : i32
    %dma_wait3A_202 = tpu.memref_slice %arg9[%dma_wait3A_201] : memref<4352xf32, #tpu.memory_space<vmem>> -> memref<256xf32, #tpu.memory_space<vmem>>
    %dma_wait3A_203 = tpu.memref_slice %arg10[%add3A_77] : memref<139264xf32, #tpu.memory_space<vmem_shared>> -> memref<256xf32, #tpu.memory_space<vmem_shared>>
    tpu.wait_dma2 semaphore(%arg11 : memref<!tpu.dma_semaphore, #tpu.memory_space<semaphore_mem>>) src(%dma_wait3A_203 : memref<256xf32, #tpu.memory_space<vmem_shared>>) dst(%dma_wait3A_202 : memref<256xf32, #tpu.memory_space<vmem>>)
    %dma_wait3A_204 = arith.constant 1536 : i32
    %dma_wait3A_205 = tpu.memref_slice %arg9[%dma_wait3A_204] : memref<4352xf32, #tpu.memory_space<vmem>> -> memref<256xf32, #tpu.memory_space<vmem>>
    %dma_wait3A_206 = tpu.memref_slice %arg10[%add3A_85] : memref<139264xf32, #tpu.memory_space<vmem_shared>> -> memref<256xf32, #tpu.memory_space<vmem_shared>>
    %dma_wait3A_207 = arith.constant 1536 : i32
    %dma_wait3A_208 = tpu.memref_slice %arg9[%dma_wait3A_207] : memref<4352xf32, #tpu.memory_space<vmem>> -> memref<256xf32, #tpu.memory_space<vmem>>
    %dma_wait3A_209 = tpu.memref_slice %arg10[%add3A_85] : memref<139264xf32, #tpu.memory_space<vmem_shared>> -> memref<256xf32, #tpu.memory_space<vmem_shared>>
    tpu.wait_dma2 semaphore(%arg11 : memref<!tpu.dma_semaphore, #tpu.memory_space<semaphore_mem>>) src(%dma_wait3A_209 : memref<256xf32, #tpu.memory_space<vmem_shared>>) dst(%dma_wait3A_208 : memref<256xf32, #tpu.memory_space<vmem>>)
    %dma_wait3A_210 = arith.constant 1792 : i32
    %dma_wait3A_211 = tpu.memref_slice %arg9[%dma_wait3A_210] : memref<4352xf32, #tpu.memory_space<vmem>> -> memref<256xf32, #tpu.memory_space<vmem>>
    %dma_wait3A_212 = tpu.memref_slice %arg10[%add3A_93] : memref<139264xf32, #tpu.memory_space<vmem_shared>> -> memref<256xf32, #tpu.memory_space<vmem_shared>>
    %dma_wait3A_213 = arith.constant 1792 : i32
    %dma_wait3A_214 = tpu.memref_slice %arg9[%dma_wait3A_213] : memref<4352xf32, #tpu.memory_space<vmem>> -> memref<256xf32, #tpu.memory_space<vmem>>
    %dma_wait3A_215 = tpu.memref_slice %arg10[%add3A_93] : memref<139264xf32, #tpu.memory_space<vmem_shared>> -> memref<256xf32, #tpu.memory_space<vmem_shared>>
    tpu.wait_dma2 semaphore(%arg11 : memref<!tpu.dma_semaphore, #tpu.memory_space<semaphore_mem>>) src(%dma_wait3A_215 : memref<256xf32, #tpu.memory_space<vmem_shared>>) dst(%dma_wait3A_214 : memref<256xf32, #tpu.memory_space<vmem>>)
    %dma_wait3A_216 = arith.constant 2048 : i32
    %dma_wait3A_217 = tpu.memref_slice %arg9[%dma_wait3A_216] : memref<4352xf32, #tpu.memory_space<vmem>> -> memref<256xf32, #tpu.memory_space<vmem>>
    %dma_wait3A_218 = tpu.memref_slice %arg10[%add3A_101] : memref<139264xf32, #tpu.memory_space<vmem_shared>> -> memref<256xf32, #tpu.memory_space<vmem_shared>>
    %dma_wait3A_219 = arith.constant 2048 : i32
    %dma_wait3A_220 = tpu.memref_slice %arg9[%dma_wait3A_219] : memref<4352xf32, #tpu.memory_space<vmem>> -> memref<256xf32, #tpu.memory_space<vmem>>
    %dma_wait3A_221 = tpu.memref_slice %arg10[%add3A_101] : memref<139264xf32, #tpu.memory_space<vmem_shared>> -> memref<256xf32, #tpu.memory_space<vmem_shared>>
    tpu.wait_dma2 semaphore(%arg11 : memref<!tpu.dma_semaphore, #tpu.memory_space<semaphore_mem>>) src(%dma_wait3A_221 : memref<256xf32, #tpu.memory_space<vmem_shared>>) dst(%dma_wait3A_220 : memref<256xf32, #tpu.memory_space<vmem>>)
    %dma_wait3A_222 = arith.constant 2304 : i32
    %dma_wait3A_223 = tpu.memref_slice %arg9[%dma_wait3A_222] : memref<4352xf32, #tpu.memory_space<vmem>> -> memref<256xf32, #tpu.memory_space<vmem>>
    %dma_wait3A_224 = tpu.memref_slice %arg10[%add3A_109] : memref<139264xf32, #tpu.memory_space<vmem_shared>> -> memref<256xf32, #tpu.memory_space<vmem_shared>>
    %dma_wait3A_225 = arith.constant 2304 : i32
    %dma_wait3A_226 = tpu.memref_slice %arg9[%dma_wait3A_225] : memref<4352xf32, #tpu.memory_space<vmem>> -> memref<256xf32, #tpu.memory_space<vmem>>
    %dma_wait3A_227 = tpu.memref_slice %arg10[%add3A_109] : memref<139264xf32, #tpu.memory_space<vmem_shared>> -> memref<256xf32, #tpu.memory_space<vmem_shared>>
    tpu.wait_dma2 semaphore(%arg11 : memref<!tpu.dma_semaphore, #tpu.memory_space<semaphore_mem>>) src(%dma_wait3A_227 : memref<256xf32, #tpu.memory_space<vmem_shared>>) dst(%dma_wait3A_226 : memref<256xf32, #tpu.memory_space<vmem>>)
    %dma_wait3A_228 = arith.constant 2560 : i32
    %dma_wait3A_229 = tpu.memref_slice %arg9[%dma_wait3A_228] : memref<4352xf32, #tpu.memory_space<vmem>> -> memref<256xf32, #tpu.memory_space<vmem>>
    %dma_wait3A_230 = tpu.memref_slice %arg10[%add3A_117] : memref<139264xf32, #tpu.memory_space<vmem_shared>> -> memref<256xf32, #tpu.memory_space<vmem_shared>>
    %dma_wait3A_231 = arith.constant 2560 : i32
    %dma_wait3A_232 = tpu.memref_slice %arg9[%dma_wait3A_231] : memref<4352xf32, #tpu.memory_space<vmem>> -> memref<256xf32, #tpu.memory_space<vmem>>
    %dma_wait3A_233 = tpu.memref_slice %arg10[%add3A_117] : memref<139264xf32, #tpu.memory_space<vmem_shared>> -> memref<256xf32, #tpu.memory_space<vmem_shared>>
    tpu.wait_dma2 semaphore(%arg11 : memref<!tpu.dma_semaphore, #tpu.memory_space<semaphore_mem>>) src(%dma_wait3A_233 : memref<256xf32, #tpu.memory_space<vmem_shared>>) dst(%dma_wait3A_232 : memref<256xf32, #tpu.memory_space<vmem>>)
    %dma_wait3A_234 = arith.constant 2816 : i32
    %dma_wait3A_235 = tpu.memref_slice %arg9[%dma_wait3A_234] : memref<4352xf32, #tpu.memory_space<vmem>> -> memref<256xf32, #tpu.memory_space<vmem>>
    %dma_wait3A_236 = tpu.memref_slice %arg10[%add3A_125] : memref<139264xf32, #tpu.memory_space<vmem_shared>> -> memref<256xf32, #tpu.memory_space<vmem_shared>>
    %dma_wait3A_237 = arith.constant 2816 : i32
    %dma_wait3A_238 = tpu.memref_slice %arg9[%dma_wait3A_237] : memref<4352xf32, #tpu.memory_space<vmem>> -> memref<256xf32, #tpu.memory_space<vmem>>
    %dma_wait3A_239 = tpu.memref_slice %arg10[%add3A_125] : memref<139264xf32, #tpu.memory_space<vmem_shared>> -> memref<256xf32, #tpu.memory_space<vmem_shared>>
    tpu.wait_dma2 semaphore(%arg11 : memref<!tpu.dma_semaphore, #tpu.memory_space<semaphore_mem>>) src(%dma_wait3A_239 : memref<256xf32, #tpu.memory_space<vmem_shared>>) dst(%dma_wait3A_238 : memref<256xf32, #tpu.memory_space<vmem>>)
    %dma_wait3A_240 = arith.constant 3072 : i32
    %dma_wait3A_241 = tpu.memref_slice %arg9[%dma_wait3A_240] : memref<4352xf32, #tpu.memory_space<vmem>> -> memref<256xf32, #tpu.memory_space<vmem>>
    %dma_wait3A_242 = tpu.memref_slice %arg10[%add3A_133] : memref<139264xf32, #tpu.memory_space<vmem_shared>> -> memref<256xf32, #tpu.memory_space<vmem_shared>>
    %dma_wait3A_243 = arith.constant 3072 : i32
    %dma_wait3A_244 = tpu.memref_slice %arg9[%dma_wait3A_243] : memref<4352xf32, #tpu.memory_space<vmem>> -> memref<256xf32, #tpu.memory_space<vmem>>
    %dma_wait3A_245 = tpu.memref_slice %arg10[%add3A_133] : memref<139264xf32, #tpu.memory_space<vmem_shared>> -> memref<256xf32, #tpu.memory_space<vmem_shared>>
    tpu.wait_dma2 semaphore(%arg11 : memref<!tpu.dma_semaphore, #tpu.memory_space<semaphore_mem>>) src(%dma_wait3A_245 : memref<256xf32, #tpu.memory_space<vmem_shared>>) dst(%dma_wait3A_244 : memref<256xf32, #tpu.memory_space<vmem>>)
    %dma_wait3A_246 = arith.constant 3328 : i32
    %dma_wait3A_247 = tpu.memref_slice %arg9[%dma_wait3A_246] : memref<4352xf32, #tpu.memory_space<vmem>> -> memref<256xf32, #tpu.memory_space<vmem>>
    %dma_wait3A_248 = tpu.memref_slice %arg10[%add3A_141] : memref<139264xf32, #tpu.memory_space<vmem_shared>> -> memref<256xf32, #tpu.memory_space<vmem_shared>>
    %dma_wait3A_249 = arith.constant 3328 : i32
    %dma_wait3A_250 = tpu.memref_slice %arg9[%dma_wait3A_249] : memref<4352xf32, #tpu.memory_space<vmem>> -> memref<256xf32, #tpu.memory_space<vmem>>
    %dma_wait3A_251 = tpu.memref_slice %arg10[%add3A_141] : memref<139264xf32, #tpu.memory_space<vmem_shared>> -> memref<256xf32, #tpu.memory_space<vmem_shared>>
    tpu.wait_dma2 semaphore(%arg11 : memref<!tpu.dma_semaphore, #tpu.memory_space<semaphore_mem>>) src(%dma_wait3A_251 : memref<256xf32, #tpu.memory_space<vmem_shared>>) dst(%dma_wait3A_250 : memref<256xf32, #tpu.memory_space<vmem>>)
    %dma_wait3A_252 = arith.constant 3584 : i32
    %dma_wait3A_253 = tpu.memref_slice %arg9[%dma_wait3A_252] : memref<4352xf32, #tpu.memory_space<vmem>> -> memref<256xf32, #tpu.memory_space<vmem>>
    %dma_wait3A_254 = tpu.memref_slice %arg10[%add3A_149] : memref<139264xf32, #tpu.memory_space<vmem_shared>> -> memref<256xf32, #tpu.memory_space<vmem_shared>>
    %dma_wait3A_255 = arith.constant 3584 : i32
    %dma_wait3A_256 = tpu.memref_slice %arg9[%dma_wait3A_255] : memref<4352xf32, #tpu.memory_space<vmem>> -> memref<256xf32, #tpu.memory_space<vmem>>
    %dma_wait3A_257 = tpu.memref_slice %arg10[%add3A_149] : memref<139264xf32, #tpu.memory_space<vmem_shared>> -> memref<256xf32, #tpu.memory_space<vmem_shared>>
    tpu.wait_dma2 semaphore(%arg11 : memref<!tpu.dma_semaphore, #tpu.memory_space<semaphore_mem>>) src(%dma_wait3A_257 : memref<256xf32, #tpu.memory_space<vmem_shared>>) dst(%dma_wait3A_256 : memref<256xf32, #tpu.memory_space<vmem>>)
    %dma_wait3A_258 = arith.constant 3840 : i32
    %dma_wait3A_259 = tpu.memref_slice %arg9[%dma_wait3A_258] : memref<4352xf32, #tpu.memory_space<vmem>> -> memref<256xf32, #tpu.memory_space<vmem>>
    %dma_wait3A_260 = tpu.memref_slice %arg10[%add3A_157] : memref<139264xf32, #tpu.memory_space<vmem_shared>> -> memref<256xf32, #tpu.memory_space<vmem_shared>>
    %dma_wait3A_261 = arith.constant 3840 : i32
    %dma_wait3A_262 = tpu.memref_slice %arg9[%dma_wait3A_261] : memref<4352xf32, #tpu.memory_space<vmem>> -> memref<256xf32, #tpu.memory_space<vmem>>
    %dma_wait3A_263 = tpu.memref_slice %arg10[%add3A_157] : memref<139264xf32, #tpu.memory_space<vmem_shared>> -> memref<256xf32, #tpu.memory_space<vmem_shared>>
    tpu.wait_dma2 semaphore(%arg11 : memref<!tpu.dma_semaphore, #tpu.memory_space<semaphore_mem>>) src(%dma_wait3A_263 : memref<256xf32, #tpu.memory_space<vmem_shared>>) dst(%dma_wait3A_262 : memref<256xf32, #tpu.memory_space<vmem>>)
    %scan3A_264 = arith.constant 0 : i32
    %scan3A_265 = arith.constant 0 : i32
    %scan3A_266 = arith.constant 16 : i32
    %scan3A_267 = arith.addi %scan3A_265, %scan3A_266 : i32
    %scan3A_268 = arith.constant 1 : i32
    scf.for %scan3A_1046 = %scan3A_265 to %scan3A_267 step %scan3A_268  : i32 {
      %mul3A_1047 = arith.constant 16 : i32
      %mul3A_1048 = arith.muli %scan3A_1046, %mul3A_1047 : i32
      %add3A_1049 = arith.constant 4096 : i32
      %add3A_1050 = arith.addi %add3A_1049, %mul3A_1048 : i32
      %get3A = arith.index_cast %add3A_1050 : i32 to index
      %get3A_1051 = tpu.vector_load %arg9[%get3A] {strides = array<i32>} : memref<4352xf32, #tpu.memory_space<vmem>>, vector<16xf32>,
      %mul3A_1052 = arith.constant 16 : i32
      %mul3A_1053 = arith.muli %scan3A_1046, %mul3A_1052 : i32
      %add3A_1054 = arith.constant 0 : i32
      %add3A_1055 = arith.addi %add3A_1054, %mul3A_1053 : i32
      %get3A_1056 = arith.index_cast %add3A_1055 : i32 to index
      %get3A_1057 = tpu.vector_load %arg9[%get3A_1056] {strides = array<i32>} : memref<4352xf32, #tpu.memory_space<vmem>>, vector<16xf32>,
      %mul3A_1058 = arith.constant 16 : i32
      %mul3A_1059 = arith.muli %scan3A_1046, %mul3A_1058 : i32
      %add3A_1060 = arith.constant 256 : i32
      %add3A_1061 = arith.addi %add3A_1060, %mul3A_1059 : i32
      %get3A_1062 = arith.index_cast %add3A_1061 : i32 to index
      %get3A_1063 = tpu.vector_load %arg9[%get3A_1062] {strides = array<i32>} : memref<4352xf32, #tpu.memory_space<vmem>>, vector<16xf32>,
      %mul3A_1064 = arith.mulf %get3A_1057, %get3A_1063 : vector<16xf32>
      %add3A_1065 = arith.addf %get3A_1051, %mul3A_1064 : vector<16xf32>
      %mul3A_1066 = arith.constant 16 : i32
      %mul3A_1067 = arith.muli %scan3A_1046, %mul3A_1066 : i32
      %add3A_1068 = arith.constant 512 : i32
      %add3A_1069 = arith.addi %add3A_1068, %mul3A_1067 : i32
      %get3A_1070 = arith.index_cast %add3A_1069 : i32 to index
      %get3A_1071 = tpu.vector_load %arg9[%get3A_1070] {strides = array<i32>} : memref<4352xf32, #tpu.memory_space<vmem>>, vector<16xf32>,
      %mul3A_1072 = arith.constant 16 : i32
      %mul3A_1073 = arith.muli %scan3A_1046, %mul3A_1072 : i32
      %add3A_1074 = arith.constant 768 : i32
      %add3A_1075 = arith.addi %add3A_1074, %mul3A_1073 : i32
      %get3A_1076 = arith.index_cast %add3A_1075 : i32 to index
      %get3A_1077 = tpu.vector_load %arg9[%get3A_1076] {strides = array<i32>} : memref<4352xf32, #tpu.memory_space<vmem>>, vector<16xf32>,
      %mul3A_1078 = arith.mulf %get3A_1071, %get3A_1077 : vector<16xf32>
      %add3A_1079 = arith.addf %add3A_1065, %mul3A_1078 : vector<16xf32>
      %mul3A_1080 = arith.constant 16 : i32
      %mul3A_1081 = arith.muli %scan3A_1046, %mul3A_1080 : i32
      %add3A_1082 = arith.constant 1024 : i32
      %add3A_1083 = arith.addi %add3A_1082, %mul3A_1081 : i32
      %get3A_1084 = arith.index_cast %add3A_1083 : i32 to index
      %get3A_1085 = tpu.vector_load %arg9[%get3A_1084] {strides = array<i32>} : memref<4352xf32, #tpu.memory_space<vmem>>, vector<16xf32>,
      %mul3A_1086 = arith.constant 16 : i32
      %mul3A_1087 = arith.muli %scan3A_1046, %mul3A_1086 : i32
      %add3A_1088 = arith.constant 1280 : i32
      %add3A_1089 = arith.addi %add3A_1088, %mul3A_1087 : i32
      %get3A_1090 = arith.index_cast %add3A_1089 : i32 to index
      %get3A_1091 = tpu.vector_load %arg9[%get3A_1090] {strides = array<i32>} : memref<4352xf32, #tpu.memory_space<vmem>>, vector<16xf32>,
      %mul3A_1092 = arith.mulf %get3A_1085, %get3A_1091 : vector<16xf32>
      %add3A_1093 = arith.addf %add3A_1079, %mul3A_1092 : vector<16xf32>
      %mul3A_1094 = arith.constant 16 : i32
      %mul3A_1095 = arith.muli %scan3A_1046, %mul3A_1094 : i32
      %add3A_1096 = arith.constant 1536 : i32
      %add3A_1097 = arith.addi %add3A_1096, %mul3A_1095 : i32
      %get3A_1098 = arith.index_cast %add3A_1097 : i32 to index
      %get3A_1099 = tpu.vector_load %arg9[%get3A_1098] {strides = array<i32>} : memref<4352xf32, #tpu.memory_space<vmem>>, vector<16xf32>,
      %mul3A_1100 = arith.constant 16 : i32
      %mul3A_1101 = arith.muli %scan3A_1046, %mul3A_1100 : i32
      %add3A_1102 = arith.constant 1792 : i32
      %add3A_1103 = arith.addi %add3A_1102, %mul3A_1101 : i32
      %get3A_1104 = arith.index_cast %add3A_1103 : i32 to index
      %get3A_1105 = tpu.vector_load %arg9[%get3A_1104] {strides = array<i32>} : memref<4352xf32, #tpu.memory_space<vmem>>, vector<16xf32>,
      %mul3A_1106 = arith.mulf %get3A_1099, %get3A_1105 : vector<16xf32>
      %add3A_1107 = arith.addf %add3A_1093, %mul3A_1106 : vector<16xf32>
      %mul3A_1108 = arith.constant 16 : i32
      %mul3A_1109 = arith.muli %scan3A_1046, %mul3A_1108 : i32
      %add3A_1110 = arith.constant 2048 : i32
      %add3A_1111 = arith.addi %add3A_1110, %mul3A_1109 : i32
      %get3A_1112 = arith.index_cast %add3A_1111 : i32 to index
      %get3A_1113 = tpu.vector_load %arg9[%get3A_1112] {strides = array<i32>} : memref<4352xf32, #tpu.memory_space<vmem>>, vector<16xf32>,
      %mul3A_1114 = arith.constant 16 : i32
      %mul3A_1115 = arith.muli %scan3A_1046, %mul3A_1114 : i32
      %add3A_1116 = arith.constant 2304 : i32
      %add3A_1117 = arith.addi %add3A_1116, %mul3A_1115 : i32
      %get3A_1118 = arith.index_cast %add3A_1117 : i32 to index
      %get3A_1119 = tpu.vector_load %arg9[%get3A_1118] {strides = array<i32>} : memref<4352xf32, #tpu.memory_space<vmem>>, vector<16xf32>,
      %mul3A_1120 = arith.mulf %get3A_1113, %get3A_1119 : vector<16xf32>
      %add3A_1121 = arith.addf %add3A_1107, %mul3A_1120 : vector<16xf32>
      %mul3A_1122 = arith.constant 16 : i32
      %mul3A_1123 = arith.muli %scan3A_1046, %mul3A_1122 : i32
      %add3A_1124 = arith.constant 2560 : i32
      %add3A_1125 = arith.addi %add3A_1124, %mul3A_1123 : i32
      %get3A_1126 = arith.index_cast %add3A_1125 : i32 to index
      %get3A_1127 = tpu.vector_load %arg9[%get3A_1126] {strides = array<i32>} : memref<4352xf32, #tpu.memory_space<vmem>>, vector<16xf32>,
      %mul3A_1128 = arith.constant 16 : i32
      %mul3A_1129 = arith.muli %scan3A_1046, %mul3A_1128 : i32
      %add3A_1130 = arith.constant 2816 : i32
      %add3A_1131 = arith.addi %add3A_1130, %mul3A_1129 : i32
      %get3A_1132 = arith.index_cast %add3A_1131 : i32 to index
      %get3A_1133 = tpu.vector_load %arg9[%get3A_1132] {strides = array<i32>} : memref<4352xf32, #tpu.memory_space<vmem>>, vector<16xf32>,
      %mul3A_1134 = arith.mulf %get3A_1127, %get3A_1133 : vector<16xf32>
      %add3A_1135 = arith.addf %add3A_1121, %mul3A_1134 : vector<16xf32>
      %mul3A_1136 = arith.constant 16 : i32
      %mul3A_1137 = arith.muli %scan3A_1046, %mul3A_1136 : i32
      %add3A_1138 = arith.constant 3072 : i32
      %add3A_1139 = arith.addi %add3A_1138, %mul3A_1137 : i32
      %get3A_1140 = arith.index_cast %add3A_1139 : i32 to index
      %get3A_1141 = tpu.vector_load %arg9[%get3A_1140] {strides = array<i32>} : memref<4352xf32, #tpu.memory_space<vmem>>, vector<16xf32>,
      %mul3A_1142 = arith.constant 16 : i32
      %mul3A_1143 = arith.muli %scan3A_1046, %mul3A_1142 : i32
      %add3A_1144 = arith.constant 3328 : i32
      %add3A_1145 = arith.addi %add3A_1144, %mul3A_1143 : i32
      %get3A_1146 = arith.index_cast %add3A_1145 : i32 to index
      %get3A_1147 = tpu.vector_load %arg9[%get3A_1146] {strides = array<i32>} : memref<4352xf32, #tpu.memory_space<vmem>>, vector<16xf32>,
      %mul3A_1148 = arith.mulf %get3A_1141, %get3A_1147 : vector<16xf32>
      %add3A_1149 = arith.addf %add3A_1135, %mul3A_1148 : vector<16xf32>
      %mul3A_1150 = arith.constant 16 : i32
      %mul3A_1151 = arith.muli %scan3A_1046, %mul3A_1150 : i32
      %add3A_1152 = arith.constant 3584 : i32
      %add3A_1153 = arith.addi %add3A_1152, %mul3A_1151 : i32
      %get3A_1154 = arith.index_cast %add3A_1153 : i32 to index
      %get3A_1155 = tpu.vector_load %arg9[%get3A_1154] {strides = array<i32>} : memref<4352xf32, #tpu.memory_space<vmem>>, vector<16xf32>,
      %mul3A_1156 = arith.constant 16 : i32
      %mul3A_1157 = arith.muli %scan3A_1046, %mul3A_1156 : i32
      %add3A_1158 = arith.constant 3840 : i32
      %add3A_1159 = arith.addi %add3A_1158, %mul3A_1157 : i32
      %get3A_1160 = arith.index_cast %add3A_1159 : i32 to index
      %get3A_1161 = tpu.vector_load %arg9[%get3A_1160] {strides = array<i32>} : memref<4352xf32, #tpu.memory_space<vmem>>, vector<16xf32>,
      %mul3A_1162 = arith.mulf %get3A_1155, %get3A_1161 : vector<16xf32>
      %add3A_1163 = arith.addf %add3A_1149, %mul3A_1162 : vector<16xf32>
      %mul3A_1164 = arith.constant 16 : i32
      %mul3A_1165 = arith.muli %scan3A_1046, %mul3A_1164 : i32
      %add3A_1166 = arith.constant 4096 : i32
      %add3A_1167 = arith.addi %add3A_1166, %mul3A_1165 : i32
      %swap3A = arith.index_cast %add3A_1167 : i32 to index
      %swap3A_1168 = tpu.vector_load %arg9[%swap3A] {strides = array<i32>} : memref<4352xf32, #tpu.memory_space<vmem>>, vector<16xf32>,
      tpu.vector_store %arg9[%swap3A], %add3A_1163 {strides = array<i32>} : memref<4352xf32, #tpu.memory_space<vmem>>, vector<16xf32>,
    }
    %scan3A_269 = arith.constant 16 : i32
    %mul3A_270 = arith.constant 16384 : i32
    %mul3A_271 = arith.muli %arg0, %mul3A_270 : i32
    %add3A_272 = arith.constant 0 : i32
    %add3A_273 = arith.addi %mul3A_271, %add3A_272 : i32
    %add3A_274 = arith.addi %add3A_273, %mul3A_36 : i32
    "tpu.region"() ({
      %run_scoped3A = tpu.sem_alloc : memref<!tpu.dma_semaphore, #tpu.memory_space<semaphore_mem>>
      %dma_start3A_1046 = arith.constant 4096 : i32
      %dma_start3A_1047 = tpu.memref_slice %arg9[%dma_start3A_1046] : memref<4352xf32, #tpu.memory_space<vmem>> -> memref<256xf32, #tpu.memory_space<vmem>>
      %dma_start3A_1048 = tpu.memref_slice %arg5[%add3A_274] : memref<32768xf32, #tpu.memory_space<hbm>> -> memref<256xf32, #tpu.memory_space<hbm>>
      %dma_start3A_1049 = tpu.memref_slice %arg5[%add3A_274] : memref<32768xf32, #tpu.memory_space<hbm>> -> memref<256xf32, #tpu.memory_space<hbm>>
      %dma_start3A_1050 = arith.constant 4096 : i32
      %dma_start3A_1051 = tpu.memref_slice %arg9[%dma_start3A_1050] : memref<4352xf32, #tpu.memory_space<vmem>> -> memref<256xf32, #tpu.memory_space<vmem>>
      tpu.enqueue_dma source(%dma_start3A_1051 : memref<256xf32, #tpu.memory_space<vmem>>) target(%dma_start3A_1049 : memref<256xf32, #tpu.memory_space<hbm>>) target_semaphore(%run_scoped3A : memref<!tpu.dma_semaphore, #tpu.memory_space<semaphore_mem>>)
      %dma_wait3A_1052 = arith.constant 4096 : i32
      %dma_wait3A_1053 = tpu.memref_slice %arg9[%dma_wait3A_1052] : memref<4352xf32, #tpu.memory_space<vmem>> -> memref<256xf32, #tpu.memory_space<vmem>>
      %dma_wait3A_1054 = tpu.memref_slice %arg5[%add3A_274] : memref<32768xf32, #tpu.memory_space<hbm>> -> memref<256xf32, #tpu.memory_space<hbm>>
      %dma_wait3A_1055 = tpu.memref_slice %arg5[%add3A_274] : memref<32768xf32, #tpu.memory_space<hbm>> -> memref<256xf32, #tpu.memory_space<hbm>>
      %dma_wait3A_1056 = arith.constant 4096 : i32
      %dma_wait3A_1057 = tpu.memref_slice %arg9[%dma_wait3A_1056] : memref<4352xf32, #tpu.memory_space<vmem>> -> memref<256xf32, #tpu.memory_space<vmem>>
      tpu.wait_dma2 semaphore(%run_scoped3A : memref<!tpu.dma_semaphore, #tpu.memory_space<semaphore_mem>>) src(%dma_wait3A_1057 : memref<256xf32, #tpu.memory_space<vmem>>) dst(%dma_wait3A_1055 : memref<256xf32, #tpu.memory_space<hbm>>)
      tpu.yield
    }) : () -> ()
    %mul3A_275 = arith.constant 16384 : i32
    %mul3A_276 = arith.muli %rem3A_0, %mul3A_275 : i32
    %add3A_277 = arith.constant 4096 : i32
    %add3A_278 = arith.addi %mul3A_276, %add3A_277 : i32
    "tpu.region"() ({
      %run_scoped3A = tpu.sem_alloc : memref<!tpu.dma_semaphore, #tpu.memory_space<semaphore_mem>>
      %dma_start3A_1046 = tpu.memref_slice %arg2[%add3A_278] : memref<32768xi32, #tpu.memory_space<hbm>> -> memref<4096xi32, #tpu.memory_space<hbm>>
      %dma_start3A_1047 = tpu.memref_slice %arg2[%add3A_278] : memref<32768xi32, #tpu.memory_space<hbm>> -> memref<4096xi32, #tpu.memory_space<hbm>>
      tpu.enqueue_dma source(%dma_start3A_1047 : memref<4096xi32, #tpu.memory_space<hbm>>) target(%arg7 : memref<4096xi32, #tpu.memory_space<vmem>>) target_semaphore(%run_scoped3A : memref<!tpu.dma_semaphore, #tpu.memory_space<semaphore_mem>>)
      %dma_wait3A_1048 = tpu.memref_slice %arg2[%add3A_278] : memref<32768xi32, #tpu.memory_space<hbm>> -> memref<4096xi32, #tpu.memory_space<hbm>>
      %dma_wait3A_1049 = tpu.memref_slice %arg2[%add3A_278] : memref<32768xi32, #tpu.memory_space<hbm>> -> memref<4096xi32, #tpu.memory_space<hbm>>
      tpu.wait_dma2 semaphore(%run_scoped3A : memref<!tpu.dma_semaphore, #tpu.memory_space<semaphore_mem>>) src(%dma_wait3A_1049 : memref<4096xi32, #tpu.memory_space<hbm>>) dst(%arg7 : memref<4096xi32, #tpu.memory_space<vmem>>)
      tpu.yield
    }) : () -> ()
    %scan3A_279 = arith.constant 0 : i32
    %scan3A_280 = arith.constant 0 : i32
    %scan3A_281 = arith.constant 256 : i32
    %scan3A_282 = arith.addi %scan3A_280, %scan3A_281 : i32
    %scan3A_283 = arith.constant 1 : i32
    scf.for %scan3A_1046 = %scan3A_280 to %scan3A_282 step %scan3A_283  : i32 {
      %mul3A_1047 = arith.constant 16 : i32
      %mul3A_1048 = arith.muli %scan3A_1046, %mul3A_1047 : i32
      %get3A = arith.index_cast %mul3A_1048 : i32 to index
      %get3A_1049 = tpu.vector_load %arg7[%get3A] {strides = array<i32>} : memref<4096xi32, #tpu.memory_space<vmem>>, vector<16xi32>,
      %gather3A = tpu.vector_load_idx %arg6[%get3A_1049] : memref<100000xf32, #tpu.memory_space<vmem>>[vector<16xi32>], vector<16xf32>,
      %mul3A_1050 = arith.constant 16 : i32
      %mul3A_1051 = arith.muli %scan3A_1046, %mul3A_1050 : i32
      %swap3A = arith.index_cast %mul3A_1051 : i32 to index
      %swap3A_1052 = tpu.vector_load %arg8[%swap3A] {strides = array<i32>} : memref<4096xf32, #tpu.memory_space<vmem>>, vector<16xf32>,
      tpu.vector_store %arg8[%swap3A], %gather3A {strides = array<i32>} : memref<4096xf32, #tpu.memory_space<vmem>>, vector<16xf32>,
    }
    %scan3A_284 = arith.constant 256 : i32
    %mul3A_285 = arith.constant 4096 : i32
    %mul3A_286 = arith.muli %arg1, %mul3A_285 : i32
    %add3A_287 = arith.constant 69632 : i32
    %add3A_288 = arith.addi %add3A_287, %mul3A_286 : i32
    "tpu.region"() ({
      %run_scoped3A = tpu.sem_alloc : memref<!tpu.dma_semaphore, #tpu.memory_space<semaphore_mem>>
      %dma_start3A_1046 = tpu.memref_slice %arg10[%add3A_288] : memref<139264xf32, #tpu.memory_space<vmem_shared>> -> memref<4096xf32, #tpu.memory_space<vmem_shared>>
      %dma_start3A_1047 = tpu.memref_slice %arg10[%add3A_288] : memref<139264xf32, #tpu.memory_space<vmem_shared>> -> memref<4096xf32, #tpu.memory_space<vmem_shared>>
      tpu.enqueue_dma source(%arg8 : memref<4096xf32, #tpu.memory_space<vmem>>) target(%dma_start3A_1047 : memref<4096xf32, #tpu.memory_space<vmem_shared>>) target_semaphore(%run_scoped3A : memref<!tpu.dma_semaphore, #tpu.memory_space<semaphore_mem>>)
      %dma_wait3A_1048 = tpu.memref_slice %arg10[%add3A_288] : memref<139264xf32, #tpu.memory_space<vmem_shared>> -> memref<4096xf32, #tpu.memory_space<vmem_shared>>
      %dma_wait3A_1049 = tpu.memref_slice %arg10[%add3A_288] : memref<139264xf32, #tpu.memory_space<vmem_shared>> -> memref<4096xf32, #tpu.memory_space<vmem_shared>>
      tpu.wait_dma2 semaphore(%run_scoped3A : memref<!tpu.dma_semaphore, #tpu.memory_space<semaphore_mem>>) src(%arg8 : memref<4096xf32, #tpu.memory_space<vmem>>) dst(%dma_wait3A_1049 : memref<4096xf32, #tpu.memory_space<vmem_shared>>)
      tpu.yield
    }) : () -> ()
    %barrier3A_289 = arith.constant 0 : index
    tpu.barrier barrier_id(%barrier3A_289)
    %mul3A_290 = arith.constant 256 : i32
    %mul3A_291 = arith.muli %arg1, %mul3A_290 : i32
    %add3A_292 = arith.constant 69632 : i32
    %add3A_293 = arith.addi %add3A_292, %mul3A_291 : i32
    %dma_start3A_294 = arith.constant 0 : i32
    %dma_start3A_295 = tpu.memref_slice %arg9[%dma_start3A_294] : memref<4352xf32, #tpu.memory_space<vmem>> -> memref<256xf32, #tpu.memory_space<vmem>>
    %dma_start3A_296 = tpu.memref_slice %arg10[%add3A_293] : memref<139264xf32, #tpu.memory_space<vmem_shared>> -> memref<256xf32, #tpu.memory_space<vmem_shared>>
    %dma_start3A_297 = arith.constant 0 : i32
    %dma_start3A_298 = tpu.memref_slice %arg9[%dma_start3A_297] : memref<4352xf32, #tpu.memory_space<vmem>> -> memref<256xf32, #tpu.memory_space<vmem>>
    %dma_start3A_299 = tpu.memref_slice %arg10[%add3A_293] : memref<139264xf32, #tpu.memory_space<vmem_shared>> -> memref<256xf32, #tpu.memory_space<vmem_shared>>
    tpu.enqueue_dma source(%dma_start3A_299 : memref<256xf32, #tpu.memory_space<vmem_shared>>) target(%dma_start3A_298 : memref<256xf32, #tpu.memory_space<vmem>>) target_semaphore(%arg11 : memref<!tpu.dma_semaphore, #tpu.memory_space<semaphore_mem>>)
    %add3A_300 = arith.constant 73728 : i32
    %add3A_301 = arith.addi %add3A_300, %mul3A_291 : i32
    %dma_start3A_302 = arith.constant 256 : i32
    %dma_start3A_303 = tpu.memref_slice %arg9[%dma_start3A_302] : memref<4352xf32, #tpu.memory_space<vmem>> -> memref<256xf32, #tpu.memory_space<vmem>>
    %dma_start3A_304 = tpu.memref_slice %arg10[%add3A_301] : memref<139264xf32, #tpu.memory_space<vmem_shared>> -> memref<256xf32, #tpu.memory_space<vmem_shared>>
    %dma_start3A_305 = arith.constant 256 : i32
    %dma_start3A_306 = tpu.memref_slice %arg9[%dma_start3A_305] : memref<4352xf32, #tpu.memory_space<vmem>> -> memref<256xf32, #tpu.memory_space<vmem>>
    %dma_start3A_307 = tpu.memref_slice %arg10[%add3A_301] : memref<139264xf32, #tpu.memory_space<vmem_shared>> -> memref<256xf32, #tpu.memory_space<vmem_shared>>
    tpu.enqueue_dma source(%dma_start3A_307 : memref<256xf32, #tpu.memory_space<vmem_shared>>) target(%dma_start3A_306 : memref<256xf32, #tpu.memory_space<vmem>>) target_semaphore(%arg11 : memref<!tpu.dma_semaphore, #tpu.memory_space<semaphore_mem>>)
    %add3A_308 = arith.constant 77824 : i32
    %add3A_309 = arith.addi %add3A_308, %mul3A_291 : i32
    %dma_start3A_310 = arith.constant 512 : i32
    %dma_start3A_311 = tpu.memref_slice %arg9[%dma_start3A_310] : memref<4352xf32, #tpu.memory_space<vmem>> -> memref<256xf32, #tpu.memory_space<vmem>>
    %dma_start3A_312 = tpu.memref_slice %arg10[%add3A_309] : memref<139264xf32, #tpu.memory_space<vmem_shared>> -> memref<256xf32, #tpu.memory_space<vmem_shared>>
    %dma_start3A_313 = arith.constant 512 : i32
    %dma_start3A_314 = tpu.memref_slice %arg9[%dma_start3A_313] : memref<4352xf32, #tpu.memory_space<vmem>> -> memref<256xf32, #tpu.memory_space<vmem>>
    %dma_start3A_315 = tpu.memref_slice %arg10[%add3A_309] : memref<139264xf32, #tpu.memory_space<vmem_shared>> -> memref<256xf32, #tpu.memory_space<vmem_shared>>
    tpu.enqueue_dma source(%dma_start3A_315 : memref<256xf32, #tpu.memory_space<vmem_shared>>) target(%dma_start3A_314 : memref<256xf32, #tpu.memory_space<vmem>>) target_semaphore(%arg11 : memref<!tpu.dma_semaphore, #tpu.memory_space<semaphore_mem>>)
    %add3A_316 = arith.constant 81920 : i32
    %add3A_317 = arith.addi %add3A_316, %mul3A_291 : i32
    %dma_start3A_318 = arith.constant 768 : i32
    %dma_start3A_319 = tpu.memref_slice %arg9[%dma_start3A_318] : memref<4352xf32, #tpu.memory_space<vmem>> -> memref<256xf32, #tpu.memory_space<vmem>>
    %dma_start3A_320 = tpu.memref_slice %arg10[%add3A_317] : memref<139264xf32, #tpu.memory_space<vmem_shared>> -> memref<256xf32, #tpu.memory_space<vmem_shared>>
    %dma_start3A_321 = arith.constant 768 : i32
    %dma_start3A_322 = tpu.memref_slice %arg9[%dma_start3A_321] : memref<4352xf32, #tpu.memory_space<vmem>> -> memref<256xf32, #tpu.memory_space<vmem>>
    %dma_start3A_323 = tpu.memref_slice %arg10[%add3A_317] : memref<139264xf32, #tpu.memory_space<vmem_shared>> -> memref<256xf32, #tpu.memory_space<vmem_shared>>
    tpu.enqueue_dma source(%dma_start3A_323 : memref<256xf32, #tpu.memory_space<vmem_shared>>) target(%dma_start3A_322 : memref<256xf32, #tpu.memory_space<vmem>>) target_semaphore(%arg11 : memref<!tpu.dma_semaphore, #tpu.memory_space<semaphore_mem>>)
    %add3A_324 = arith.constant 86016 : i32
    %add3A_325 = arith.addi %add3A_324, %mul3A_291 : i32
    %dma_start3A_326 = arith.constant 1024 : i32
    %dma_start3A_327 = tpu.memref_slice %arg9[%dma_start3A_326] : memref<4352xf32, #tpu.memory_space<vmem>> -> memref<256xf32, #tpu.memory_space<vmem>>
    %dma_start3A_328 = tpu.memref_slice %arg10[%add3A_325] : memref<139264xf32, #tpu.memory_space<vmem_shared>> -> memref<256xf32, #tpu.memory_space<vmem_shared>>
    %dma_start3A_329 = arith.constant 1024 : i32
    %dma_start3A_330 = tpu.memref_slice %arg9[%dma_start3A_329] : memref<4352xf32, #tpu.memory_space<vmem>> -> memref<256xf32, #tpu.memory_space<vmem>>
    %dma_start3A_331 = tpu.memref_slice %arg10[%add3A_325] : memref<139264xf32, #tpu.memory_space<vmem_shared>> -> memref<256xf32, #tpu.memory_space<vmem_shared>>
    tpu.enqueue_dma source(%dma_start3A_331 : memref<256xf32, #tpu.memory_space<vmem_shared>>) target(%dma_start3A_330 : memref<256xf32, #tpu.memory_space<vmem>>) target_semaphore(%arg11 : memref<!tpu.dma_semaphore, #tpu.memory_space<semaphore_mem>>)
    %add3A_332 = arith.constant 90112 : i32
    %add3A_333 = arith.addi %add3A_332, %mul3A_291 : i32
    %dma_start3A_334 = arith.constant 1280 : i32
    %dma_start3A_335 = tpu.memref_slice %arg9[%dma_start3A_334] : memref<4352xf32, #tpu.memory_space<vmem>> -> memref<256xf32, #tpu.memory_space<vmem>>
    %dma_start3A_336 = tpu.memref_slice %arg10[%add3A_333] : memref<139264xf32, #tpu.memory_space<vmem_shared>> -> memref<256xf32, #tpu.memory_space<vmem_shared>>
    %dma_start3A_337 = arith.constant 1280 : i32
    %dma_start3A_338 = tpu.memref_slice %arg9[%dma_start3A_337] : memref<4352xf32, #tpu.memory_space<vmem>> -> memref<256xf32, #tpu.memory_space<vmem>>
    %dma_start3A_339 = tpu.memref_slice %arg10[%add3A_333] : memref<139264xf32, #tpu.memory_space<vmem_shared>> -> memref<256xf32, #tpu.memory_space<vmem_shared>>
    tpu.enqueue_dma source(%dma_start3A_339 : memref<256xf32, #tpu.memory_space<vmem_shared>>) target(%dma_start3A_338 : memref<256xf32, #tpu.memory_space<vmem>>) target_semaphore(%arg11 : memref<!tpu.dma_semaphore, #tpu.memory_space<semaphore_mem>>)
    %add3A_340 = arith.constant 94208 : i32
    %add3A_341 = arith.addi %add3A_340, %mul3A_291 : i32
    %dma_start3A_342 = arith.constant 1536 : i32
    %dma_start3A_343 = tpu.memref_slice %arg9[%dma_start3A_342] : memref<4352xf32, #tpu.memory_space<vmem>> -> memref<256xf32, #tpu.memory_space<vmem>>
    %dma_start3A_344 = tpu.memref_slice %arg10[%add3A_341] : memref<139264xf32, #tpu.memory_space<vmem_shared>> -> memref<256xf32, #tpu.memory_space<vmem_shared>>
    %dma_start3A_345 = arith.constant 1536 : i32
    %dma_start3A_346 = tpu.memref_slice %arg9[%dma_start3A_345] : memref<4352xf32, #tpu.memory_space<vmem>> -> memref<256xf32, #tpu.memory_space<vmem>>
    %dma_start3A_347 = tpu.memref_slice %arg10[%add3A_341] : memref<139264xf32, #tpu.memory_space<vmem_shared>> -> memref<256xf32, #tpu.memory_space<vmem_shared>>
    tpu.enqueue_dma source(%dma_start3A_347 : memref<256xf32, #tpu.memory_space<vmem_shared>>) target(%dma_start3A_346 : memref<256xf32, #tpu.memory_space<vmem>>) target_semaphore(%arg11 : memref<!tpu.dma_semaphore, #tpu.memory_space<semaphore_mem>>)
    %add3A_348 = arith.constant 98304 : i32
    %add3A_349 = arith.addi %add3A_348, %mul3A_291 : i32
    %dma_start3A_350 = arith.constant 1792 : i32
    %dma_start3A_351 = tpu.memref_slice %arg9[%dma_start3A_350] : memref<4352xf32, #tpu.memory_space<vmem>> -> memref<256xf32, #tpu.memory_space<vmem>>
    %dma_start3A_352 = tpu.memref_slice %arg10[%add3A_349] : memref<139264xf32, #tpu.memory_space<vmem_shared>> -> memref<256xf32, #tpu.memory_space<vmem_shared>>
    %dma_start3A_353 = arith.constant 1792 : i32
    %dma_start3A_354 = tpu.memref_slice %arg9[%dma_start3A_353] : memref<4352xf32, #tpu.memory_space<vmem>> -> memref<256xf32, #tpu.memory_space<vmem>>
    %dma_start3A_355 = tpu.memref_slice %arg10[%add3A_349] : memref<139264xf32, #tpu.memory_space<vmem_shared>> -> memref<256xf32, #tpu.memory_space<vmem_shared>>
    tpu.enqueue_dma source(%dma_start3A_355 : memref<256xf32, #tpu.memory_space<vmem_shared>>) target(%dma_start3A_354 : memref<256xf32, #tpu.memory_space<vmem>>) target_semaphore(%arg11 : memref<!tpu.dma_semaphore, #tpu.memory_space<semaphore_mem>>)
    %add3A_356 = arith.constant 102400 : i32
    %add3A_357 = arith.addi %add3A_356, %mul3A_291 : i32
    %dma_start3A_358 = arith.constant 2048 : i32
    %dma_start3A_359 = tpu.memref_slice %arg9[%dma_start3A_358] : memref<4352xf32, #tpu.memory_space<vmem>> -> memref<256xf32, #tpu.memory_space<vmem>>
    %dma_start3A_360 = tpu.memref_slice %arg10[%add3A_357] : memref<139264xf32, #tpu.memory_space<vmem_shared>> -> memref<256xf32, #tpu.memory_space<vmem_shared>>
    %dma_start3A_361 = arith.constant 2048 : i32
    %dma_start3A_362 = tpu.memref_slice %arg9[%dma_start3A_361] : memref<4352xf32, #tpu.memory_space<vmem>> -> memref<256xf32, #tpu.memory_space<vmem>>
    %dma_start3A_363 = tpu.memref_slice %arg10[%add3A_357] : memref<139264xf32, #tpu.memory_space<vmem_shared>> -> memref<256xf32, #tpu.memory_space<vmem_shared>>
    tpu.enqueue_dma source(%dma_start3A_363 : memref<256xf32, #tpu.memory_space<vmem_shared>>) target(%dma_start3A_362 : memref<256xf32, #tpu.memory_space<vmem>>) target_semaphore(%arg11 : memref<!tpu.dma_semaphore, #tpu.memory_space<semaphore_mem>>)
    %add3A_364 = arith.constant 106496 : i32
    %add3A_365 = arith.addi %add3A_364, %mul3A_291 : i32
    %dma_start3A_366 = arith.constant 2304 : i32
    %dma_start3A_367 = tpu.memref_slice %arg9[%dma_start3A_366] : memref<4352xf32, #tpu.memory_space<vmem>> -> memref<256xf32, #tpu.memory_space<vmem>>
    %dma_start3A_368 = tpu.memref_slice %arg10[%add3A_365] : memref<139264xf32, #tpu.memory_space<vmem_shared>> -> memref<256xf32, #tpu.memory_space<vmem_shared>>
    %dma_start3A_369 = arith.constant 2304 : i32
    %dma_start3A_370 = tpu.memref_slice %arg9[%dma_start3A_369] : memref<4352xf32, #tpu.memory_space<vmem>> -> memref<256xf32, #tpu.memory_space<vmem>>
    %dma_start3A_371 = tpu.memref_slice %arg10[%add3A_365] : memref<139264xf32, #tpu.memory_space<vmem_shared>> -> memref<256xf32, #tpu.memory_space<vmem_shared>>
    tpu.enqueue_dma source(%dma_start3A_371 : memref<256xf32, #tpu.memory_space<vmem_shared>>) target(%dma_start3A_370 : memref<256xf32, #tpu.memory_space<vmem>>) target_semaphore(%arg11 : memref<!tpu.dma_semaphore, #tpu.memory_space<semaphore_mem>>)
    %add3A_372 = arith.constant 110592 : i32
    %add3A_373 = arith.addi %add3A_372, %mul3A_291 : i32
    %dma_start3A_374 = arith.constant 2560 : i32
    %dma_start3A_375 = tpu.memref_slice %arg9[%dma_start3A_374] : memref<4352xf32, #tpu.memory_space<vmem>> -> memref<256xf32, #tpu.memory_space<vmem>>
    %dma_start3A_376 = tpu.memref_slice %arg10[%add3A_373] : memref<139264xf32, #tpu.memory_space<vmem_shared>> -> memref<256xf32, #tpu.memory_space<vmem_shared>>
    %dma_start3A_377 = arith.constant 2560 : i32
    %dma_start3A_378 = tpu.memref_slice %arg9[%dma_start3A_377] : memref<4352xf32, #tpu.memory_space<vmem>> -> memref<256xf32, #tpu.memory_space<vmem>>
    %dma_start3A_379 = tpu.memref_slice %arg10[%add3A_373] : memref<139264xf32, #tpu.memory_space<vmem_shared>> -> memref<256xf32, #tpu.memory_space<vmem_shared>>
    tpu.enqueue_dma source(%dma_start3A_379 : memref<256xf32, #tpu.memory_space<vmem_shared>>) target(%dma_start3A_378 : memref<256xf32, #tpu.memory_space<vmem>>) target_semaphore(%arg11 : memref<!tpu.dma_semaphore, #tpu.memory_space<semaphore_mem>>)
    %add3A_380 = arith.constant 114688 : i32
    %add3A_381 = arith.addi %add3A_380, %mul3A_291 : i32
    %dma_start3A_382 = arith.constant 2816 : i32
    %dma_start3A_383 = tpu.memref_slice %arg9[%dma_start3A_382] : memref<4352xf32, #tpu.memory_space<vmem>> -> memref<256xf32, #tpu.memory_space<vmem>>
    %dma_start3A_384 = tpu.memref_slice %arg10[%add3A_381] : memref<139264xf32, #tpu.memory_space<vmem_shared>> -> memref<256xf32, #tpu.memory_space<vmem_shared>>
    %dma_start3A_385 = arith.constant 2816 : i32
    %dma_start3A_386 = tpu.memref_slice %arg9[%dma_start3A_385] : memref<4352xf32, #tpu.memory_space<vmem>> -> memref<256xf32, #tpu.memory_space<vmem>>
    %dma_start3A_387 = tpu.memref_slice %arg10[%add3A_381] : memref<139264xf32, #tpu.memory_space<vmem_shared>> -> memref<256xf32, #tpu.memory_space<vmem_shared>>
    tpu.enqueue_dma source(%dma_start3A_387 : memref<256xf32, #tpu.memory_space<vmem_shared>>) target(%dma_start3A_386 : memref<256xf32, #tpu.memory_space<vmem>>) target_semaphore(%arg11 : memref<!tpu.dma_semaphore, #tpu.memory_space<semaphore_mem>>)
    %add3A_388 = arith.constant 118784 : i32
    %add3A_389 = arith.addi %add3A_388, %mul3A_291 : i32
    %dma_start3A_390 = arith.constant 3072 : i32
    %dma_start3A_391 = tpu.memref_slice %arg9[%dma_start3A_390] : memref<4352xf32, #tpu.memory_space<vmem>> -> memref<256xf32, #tpu.memory_space<vmem>>
    %dma_start3A_392 = tpu.memref_slice %arg10[%add3A_389] : memref<139264xf32, #tpu.memory_space<vmem_shared>> -> memref<256xf32, #tpu.memory_space<vmem_shared>>
    %dma_start3A_393 = arith.constant 3072 : i32
    %dma_start3A_394 = tpu.memref_slice %arg9[%dma_start3A_393] : memref<4352xf32, #tpu.memory_space<vmem>> -> memref<256xf32, #tpu.memory_space<vmem>>
    %dma_start3A_395 = tpu.memref_slice %arg10[%add3A_389] : memref<139264xf32, #tpu.memory_space<vmem_shared>> -> memref<256xf32, #tpu.memory_space<vmem_shared>>
    tpu.enqueue_dma source(%dma_start3A_395 : memref<256xf32, #tpu.memory_space<vmem_shared>>) target(%dma_start3A_394 : memref<256xf32, #tpu.memory_space<vmem>>) target_semaphore(%arg11 : memref<!tpu.dma_semaphore, #tpu.memory_space<semaphore_mem>>)
    %add3A_396 = arith.constant 122880 : i32
    %add3A_397 = arith.addi %add3A_396, %mul3A_291 : i32
    %dma_start3A_398 = arith.constant 3328 : i32
    %dma_start3A_399 = tpu.memref_slice %arg9[%dma_start3A_398] : memref<4352xf32, #tpu.memory_space<vmem>> -> memref<256xf32, #tpu.memory_space<vmem>>
    %dma_start3A_400 = tpu.memref_slice %arg10[%add3A_397] : memref<139264xf32, #tpu.memory_space<vmem_shared>> -> memref<256xf32, #tpu.memory_space<vmem_shared>>
    %dma_start3A_401 = arith.constant 3328 : i32
    %dma_start3A_402 = tpu.memref_slice %arg9[%dma_start3A_401] : memref<4352xf32, #tpu.memory_space<vmem>> -> memref<256xf32, #tpu.memory_space<vmem>>
    %dma_start3A_403 = tpu.memref_slice %arg10[%add3A_397] : memref<139264xf32, #tpu.memory_space<vmem_shared>> -> memref<256xf32, #tpu.memory_space<vmem_shared>>
    tpu.enqueue_dma source(%dma_start3A_403 : memref<256xf32, #tpu.memory_space<vmem_shared>>) target(%dma_start3A_402 : memref<256xf32, #tpu.memory_space<vmem>>) target_semaphore(%arg11 : memref<!tpu.dma_semaphore, #tpu.memory_space<semaphore_mem>>)
    %add3A_404 = arith.constant 126976 : i32
    %add3A_405 = arith.addi %add3A_404, %mul3A_291 : i32
    %dma_start3A_406 = arith.constant 3584 : i32
    %dma_start3A_407 = tpu.memref_slice %arg9[%dma_start3A_406] : memref<4352xf32, #tpu.memory_space<vmem>> -> memref<256xf32, #tpu.memory_space<vmem>>
    %dma_start3A_408 = tpu.memref_slice %arg10[%add3A_405] : memref<139264xf32, #tpu.memory_space<vmem_shared>> -> memref<256xf32, #tpu.memory_space<vmem_shared>>
    %dma_start3A_409 = arith.constant 3584 : i32
    %dma_start3A_410 = tpu.memref_slice %arg9[%dma_start3A_409] : memref<4352xf32, #tpu.memory_space<vmem>> -> memref<256xf32, #tpu.memory_space<vmem>>
    %dma_start3A_411 = tpu.memref_slice %arg10[%add3A_405] : memref<139264xf32, #tpu.memory_space<vmem_shared>> -> memref<256xf32, #tpu.memory_space<vmem_shared>>
    tpu.enqueue_dma source(%dma_start3A_411 : memref<256xf32, #tpu.memory_space<vmem_shared>>) target(%dma_start3A_410 : memref<256xf32, #tpu.memory_space<vmem>>) target_semaphore(%arg11 : memref<!tpu.dma_semaphore, #tpu.memory_space<semaphore_mem>>)
    %add3A_412 = arith.constant 131072 : i32
    %add3A_413 = arith.addi %add3A_412, %mul3A_291 : i32
    %dma_start3A_414 = arith.constant 3840 : i32
    %dma_start3A_415 = tpu.memref_slice %arg9[%dma_start3A_414] : memref<4352xf32, #tpu.memory_space<vmem>> -> memref<256xf32, #tpu.memory_space<vmem>>
    %dma_start3A_416 = tpu.memref_slice %arg10[%add3A_413] : memref<139264xf32, #tpu.memory_space<vmem_shared>> -> memref<256xf32, #tpu.memory_space<vmem_shared>>
    %dma_start3A_417 = arith.constant 3840 : i32
    %dma_start3A_418 = tpu.memref_slice %arg9[%dma_start3A_417] : memref<4352xf32, #tpu.memory_space<vmem>> -> memref<256xf32, #tpu.memory_space<vmem>>
    %dma_start3A_419 = tpu.memref_slice %arg10[%add3A_413] : memref<139264xf32, #tpu.memory_space<vmem_shared>> -> memref<256xf32, #tpu.memory_space<vmem_shared>>
    tpu.enqueue_dma source(%dma_start3A_419 : memref<256xf32, #tpu.memory_space<vmem_shared>>) target(%dma_start3A_418 : memref<256xf32, #tpu.memory_space<vmem>>) target_semaphore(%arg11 : memref<!tpu.dma_semaphore, #tpu.memory_space<semaphore_mem>>)
    %mul3A_420 = arith.constant 16384 : i32
    %mul3A_421 = arith.muli %arg0, %mul3A_420 : i32
    %add3A_422 = arith.constant 4096 : i32
    %add3A_423 = arith.addi %mul3A_421, %add3A_422 : i32
    %add3A_424 = arith.addi %add3A_423, %mul3A_291 : i32
    "tpu.region"() ({
      %run_scoped3A = tpu.sem_alloc : memref<!tpu.dma_semaphore, #tpu.memory_space<semaphore_mem>>
      %dma_start3A_1046 = arith.constant 4096 : i32
      %dma_start3A_1047 = tpu.memref_slice %arg9[%dma_start3A_1046] : memref<4352xf32, #tpu.memory_space<vmem>> -> memref<256xf32, #tpu.memory_space<vmem>>
      %dma_start3A_1048 = tpu.memref_slice %arg4[%add3A_424] : memref<32768xf32, #tpu.memory_space<hbm>> -> memref<256xf32, #tpu.memory_space<hbm>>
      %dma_start3A_1049 = arith.constant 4096 : i32
      %dma_start3A_1050 = tpu.memref_slice %arg9[%dma_start3A_1049] : memref<4352xf32, #tpu.memory_space<vmem>> -> memref<256xf32, #tpu.memory_space<vmem>>
      %dma_start3A_1051 = tpu.memref_slice %arg4[%add3A_424] : memref<32768xf32, #tpu.memory_space<hbm>> -> memref<256xf32, #tpu.memory_space<hbm>>
      tpu.enqueue_dma source(%dma_start3A_1051 : memref<256xf32, #tpu.memory_space<hbm>>) target(%dma_start3A_1050 : memref<256xf32, #tpu.memory_space<vmem>>) target_semaphore(%run_scoped3A : memref<!tpu.dma_semaphore, #tpu.memory_space<semaphore_mem>>)
      %dma_wait3A_1052 = arith.constant 4096 : i32
      %dma_wait3A_1053 = tpu.memref_slice %arg9[%dma_wait3A_1052] : memref<4352xf32, #tpu.memory_space<vmem>> -> memref<256xf32, #tpu.memory_space<vmem>>
      %dma_wait3A_1054 = tpu.memref_slice %arg4[%add3A_424] : memref<32768xf32, #tpu.memory_space<hbm>> -> memref<256xf32, #tpu.memory_space<hbm>>
      %dma_wait3A_1055 = arith.constant 4096 : i32
      %dma_wait3A_1056 = tpu.memref_slice %arg9[%dma_wait3A_1055] : memref<4352xf32, #tpu.memory_space<vmem>> -> memref<256xf32, #tpu.memory_space<vmem>>
      %dma_wait3A_1057 = tpu.memref_slice %arg4[%add3A_424] : memref<32768xf32, #tpu.memory_space<hbm>> -> memref<256xf32, #tpu.memory_space<hbm>>
      tpu.wait_dma2 semaphore(%run_scoped3A : memref<!tpu.dma_semaphore, #tpu.memory_space<semaphore_mem>>) src(%dma_wait3A_1057 : memref<256xf32, #tpu.memory_space<hbm>>) dst(%dma_wait3A_1056 : memref<256xf32, #tpu.memory_space<vmem>>)
      tpu.yield
    }) : () -> ()
    %dma_wait3A_425 = arith.constant 0 : i32
    %dma_wait3A_426 = tpu.memref_slice %arg9[%dma_wait3A_425] : memref<4352xf32, #tpu.memory_space<vmem>> -> memref<256xf32, #tpu.memory_space<vmem>>
    %dma_wait3A_427 = tpu.memref_slice %arg10[%add3A_293] : memref<139264xf32, #tpu.memory_space<vmem_shared>> -> memref<256xf32, #tpu.memory_space<vmem_shared>>
    %dma_wait3A_428 = arith.constant 0 : i32
    %dma_wait3A_429 = tpu.memref_slice %arg9[%dma_wait3A_428] : memref<4352xf32, #tpu.memory_space<vmem>> -> memref<256xf32, #tpu.memory_space<vmem>>
    %dma_wait3A_430 = tpu.memref_slice %arg10[%add3A_293] : memref<139264xf32, #tpu.memory_space<vmem_shared>> -> memref<256xf32, #tpu.memory_space<vmem_shared>>
    tpu.wait_dma2 semaphore(%arg11 : memref<!tpu.dma_semaphore, #tpu.memory_space<semaphore_mem>>) src(%dma_wait3A_430 : memref<256xf32, #tpu.memory_space<vmem_shared>>) dst(%dma_wait3A_429 : memref<256xf32, #tpu.memory_space<vmem>>)
    %dma_wait3A_431 = arith.constant 256 : i32
    %dma_wait3A_432 = tpu.memref_slice %arg9[%dma_wait3A_431] : memref<4352xf32, #tpu.memory_space<vmem>> -> memref<256xf32, #tpu.memory_space<vmem>>
    %dma_wait3A_433 = tpu.memref_slice %arg10[%add3A_301] : memref<139264xf32, #tpu.memory_space<vmem_shared>> -> memref<256xf32, #tpu.memory_space<vmem_shared>>
    %dma_wait3A_434 = arith.constant 256 : i32
    %dma_wait3A_435 = tpu.memref_slice %arg9[%dma_wait3A_434] : memref<4352xf32, #tpu.memory_space<vmem>> -> memref<256xf32, #tpu.memory_space<vmem>>
    %dma_wait3A_436 = tpu.memref_slice %arg10[%add3A_301] : memref<139264xf32, #tpu.memory_space<vmem_shared>> -> memref<256xf32, #tpu.memory_space<vmem_shared>>
    tpu.wait_dma2 semaphore(%arg11 : memref<!tpu.dma_semaphore, #tpu.memory_space<semaphore_mem>>) src(%dma_wait3A_436 : memref<256xf32, #tpu.memory_space<vmem_shared>>) dst(%dma_wait3A_435 : memref<256xf32, #tpu.memory_space<vmem>>)
    %dma_wait3A_437 = arith.constant 512 : i32
    %dma_wait3A_438 = tpu.memref_slice %arg9[%dma_wait3A_437] : memref<4352xf32, #tpu.memory_space<vmem>> -> memref<256xf32, #tpu.memory_space<vmem>>
    %dma_wait3A_439 = tpu.memref_slice %arg10[%add3A_309] : memref<139264xf32, #tpu.memory_space<vmem_shared>> -> memref<256xf32, #tpu.memory_space<vmem_shared>>
    %dma_wait3A_440 = arith.constant 512 : i32
    %dma_wait3A_441 = tpu.memref_slice %arg9[%dma_wait3A_440] : memref<4352xf32, #tpu.memory_space<vmem>> -> memref<256xf32, #tpu.memory_space<vmem>>
    %dma_wait3A_442 = tpu.memref_slice %arg10[%add3A_309] : memref<139264xf32, #tpu.memory_space<vmem_shared>> -> memref<256xf32, #tpu.memory_space<vmem_shared>>
    tpu.wait_dma2 semaphore(%arg11 : memref<!tpu.dma_semaphore, #tpu.memory_space<semaphore_mem>>) src(%dma_wait3A_442 : memref<256xf32, #tpu.memory_space<vmem_shared>>) dst(%dma_wait3A_441 : memref<256xf32, #tpu.memory_space<vmem>>)
    %dma_wait3A_443 = arith.constant 768 : i32
    %dma_wait3A_444 = tpu.memref_slice %arg9[%dma_wait3A_443] : memref<4352xf32, #tpu.memory_space<vmem>> -> memref<256xf32, #tpu.memory_space<vmem>>
    %dma_wait3A_445 = tpu.memref_slice %arg10[%add3A_317] : memref<139264xf32, #tpu.memory_space<vmem_shared>> -> memref<256xf32, #tpu.memory_space<vmem_shared>>
    %dma_wait3A_446 = arith.constant 768 : i32
    %dma_wait3A_447 = tpu.memref_slice %arg9[%dma_wait3A_446] : memref<4352xf32, #tpu.memory_space<vmem>> -> memref<256xf32, #tpu.memory_space<vmem>>
    %dma_wait3A_448 = tpu.memref_slice %arg10[%add3A_317] : memref<139264xf32, #tpu.memory_space<vmem_shared>> -> memref<256xf32, #tpu.memory_space<vmem_shared>>
    tpu.wait_dma2 semaphore(%arg11 : memref<!tpu.dma_semaphore, #tpu.memory_space<semaphore_mem>>) src(%dma_wait3A_448 : memref<256xf32, #tpu.memory_space<vmem_shared>>) dst(%dma_wait3A_447 : memref<256xf32, #tpu.memory_space<vmem>>)
    %dma_wait3A_449 = arith.constant 1024 : i32
    %dma_wait3A_450 = tpu.memref_slice %arg9[%dma_wait3A_449] : memref<4352xf32, #tpu.memory_space<vmem>> -> memref<256xf32, #tpu.memory_space<vmem>>
    %dma_wait3A_451 = tpu.memref_slice %arg10[%add3A_325] : memref<139264xf32, #tpu.memory_space<vmem_shared>> -> memref<256xf32, #tpu.memory_space<vmem_shared>>
    %dma_wait3A_452 = arith.constant 1024 : i32
    %dma_wait3A_453 = tpu.memref_slice %arg9[%dma_wait3A_452] : memref<4352xf32, #tpu.memory_space<vmem>> -> memref<256xf32, #tpu.memory_space<vmem>>
    %dma_wait3A_454 = tpu.memref_slice %arg10[%add3A_325] : memref<139264xf32, #tpu.memory_space<vmem_shared>> -> memref<256xf32, #tpu.memory_space<vmem_shared>>
    tpu.wait_dma2 semaphore(%arg11 : memref<!tpu.dma_semaphore, #tpu.memory_space<semaphore_mem>>) src(%dma_wait3A_454 : memref<256xf32, #tpu.memory_space<vmem_shared>>) dst(%dma_wait3A_453 : memref<256xf32, #tpu.memory_space<vmem>>)
    %dma_wait3A_455 = arith.constant 1280 : i32
    %dma_wait3A_456 = tpu.memref_slice %arg9[%dma_wait3A_455] : memref<4352xf32, #tpu.memory_space<vmem>> -> memref<256xf32, #tpu.memory_space<vmem>>
    %dma_wait3A_457 = tpu.memref_slice %arg10[%add3A_333] : memref<139264xf32, #tpu.memory_space<vmem_shared>> -> memref<256xf32, #tpu.memory_space<vmem_shared>>
    %dma_wait3A_458 = arith.constant 1280 : i32
    %dma_wait3A_459 = tpu.memref_slice %arg9[%dma_wait3A_458] : memref<4352xf32, #tpu.memory_space<vmem>> -> memref<256xf32, #tpu.memory_space<vmem>>
    %dma_wait3A_460 = tpu.memref_slice %arg10[%add3A_333] : memref<139264xf32, #tpu.memory_space<vmem_shared>> -> memref<256xf32, #tpu.memory_space<vmem_shared>>
    tpu.wait_dma2 semaphore(%arg11 : memref<!tpu.dma_semaphore, #tpu.memory_space<semaphore_mem>>) src(%dma_wait3A_460 : memref<256xf32, #tpu.memory_space<vmem_shared>>) dst(%dma_wait3A_459 : memref<256xf32, #tpu.memory_space<vmem>>)
    %dma_wait3A_461 = arith.constant 1536 : i32
    %dma_wait3A_462 = tpu.memref_slice %arg9[%dma_wait3A_461] : memref<4352xf32, #tpu.memory_space<vmem>> -> memref<256xf32, #tpu.memory_space<vmem>>
    %dma_wait3A_463 = tpu.memref_slice %arg10[%add3A_341] : memref<139264xf32, #tpu.memory_space<vmem_shared>> -> memref<256xf32, #tpu.memory_space<vmem_shared>>
    %dma_wait3A_464 = arith.constant 1536 : i32
    %dma_wait3A_465 = tpu.memref_slice %arg9[%dma_wait3A_464] : memref<4352xf32, #tpu.memory_space<vmem>> -> memref<256xf32, #tpu.memory_space<vmem>>
    %dma_wait3A_466 = tpu.memref_slice %arg10[%add3A_341] : memref<139264xf32, #tpu.memory_space<vmem_shared>> -> memref<256xf32, #tpu.memory_space<vmem_shared>>
    tpu.wait_dma2 semaphore(%arg11 : memref<!tpu.dma_semaphore, #tpu.memory_space<semaphore_mem>>) src(%dma_wait3A_466 : memref<256xf32, #tpu.memory_space<vmem_shared>>) dst(%dma_wait3A_465 : memref<256xf32, #tpu.memory_space<vmem>>)
    %dma_wait3A_467 = arith.constant 1792 : i32
    %dma_wait3A_468 = tpu.memref_slice %arg9[%dma_wait3A_467] : memref<4352xf32, #tpu.memory_space<vmem>> -> memref<256xf32, #tpu.memory_space<vmem>>
    %dma_wait3A_469 = tpu.memref_slice %arg10[%add3A_349] : memref<139264xf32, #tpu.memory_space<vmem_shared>> -> memref<256xf32, #tpu.memory_space<vmem_shared>>
    %dma_wait3A_470 = arith.constant 1792 : i32
    %dma_wait3A_471 = tpu.memref_slice %arg9[%dma_wait3A_470] : memref<4352xf32, #tpu.memory_space<vmem>> -> memref<256xf32, #tpu.memory_space<vmem>>
    %dma_wait3A_472 = tpu.memref_slice %arg10[%add3A_349] : memref<139264xf32, #tpu.memory_space<vmem_shared>> -> memref<256xf32, #tpu.memory_space<vmem_shared>>
    tpu.wait_dma2 semaphore(%arg11 : memref<!tpu.dma_semaphore, #tpu.memory_space<semaphore_mem>>) src(%dma_wait3A_472 : memref<256xf32, #tpu.memory_space<vmem_shared>>) dst(%dma_wait3A_471 : memref<256xf32, #tpu.memory_space<vmem>>)
    %dma_wait3A_473 = arith.constant 2048 : i32
    %dma_wait3A_474 = tpu.memref_slice %arg9[%dma_wait3A_473] : memref<4352xf32, #tpu.memory_space<vmem>> -> memref<256xf32, #tpu.memory_space<vmem>>
    %dma_wait3A_475 = tpu.memref_slice %arg10[%add3A_357] : memref<139264xf32, #tpu.memory_space<vmem_shared>> -> memref<256xf32, #tpu.memory_space<vmem_shared>>
    %dma_wait3A_476 = arith.constant 2048 : i32
    %dma_wait3A_477 = tpu.memref_slice %arg9[%dma_wait3A_476] : memref<4352xf32, #tpu.memory_space<vmem>> -> memref<256xf32, #tpu.memory_space<vmem>>
    %dma_wait3A_478 = tpu.memref_slice %arg10[%add3A_357] : memref<139264xf32, #tpu.memory_space<vmem_shared>> -> memref<256xf32, #tpu.memory_space<vmem_shared>>
    tpu.wait_dma2 semaphore(%arg11 : memref<!tpu.dma_semaphore, #tpu.memory_space<semaphore_mem>>) src(%dma_wait3A_478 : memref<256xf32, #tpu.memory_space<vmem_shared>>) dst(%dma_wait3A_477 : memref<256xf32, #tpu.memory_space<vmem>>)
    %dma_wait3A_479 = arith.constant 2304 : i32
    %dma_wait3A_480 = tpu.memref_slice %arg9[%dma_wait3A_479] : memref<4352xf32, #tpu.memory_space<vmem>> -> memref<256xf32, #tpu.memory_space<vmem>>
    %dma_wait3A_481 = tpu.memref_slice %arg10[%add3A_365] : memref<139264xf32, #tpu.memory_space<vmem_shared>> -> memref<256xf32, #tpu.memory_space<vmem_shared>>
    %dma_wait3A_482 = arith.constant 2304 : i32
    %dma_wait3A_483 = tpu.memref_slice %arg9[%dma_wait3A_482] : memref<4352xf32, #tpu.memory_space<vmem>> -> memref<256xf32, #tpu.memory_space<vmem>>
    %dma_wait3A_484 = tpu.memref_slice %arg10[%add3A_365] : memref<139264xf32, #tpu.memory_space<vmem_shared>> -> memref<256xf32, #tpu.memory_space<vmem_shared>>
    tpu.wait_dma2 semaphore(%arg11 : memref<!tpu.dma_semaphore, #tpu.memory_space<semaphore_mem>>) src(%dma_wait3A_484 : memref<256xf32, #tpu.memory_space<vmem_shared>>) dst(%dma_wait3A_483 : memref<256xf32, #tpu.memory_space<vmem>>)
    %dma_wait3A_485 = arith.constant 2560 : i32
    %dma_wait3A_486 = tpu.memref_slice %arg9[%dma_wait3A_485] : memref<4352xf32, #tpu.memory_space<vmem>> -> memref<256xf32, #tpu.memory_space<vmem>>
    %dma_wait3A_487 = tpu.memref_slice %arg10[%add3A_373] : memref<139264xf32, #tpu.memory_space<vmem_shared>> -> memref<256xf32, #tpu.memory_space<vmem_shared>>
    %dma_wait3A_488 = arith.constant 2560 : i32
    %dma_wait3A_489 = tpu.memref_slice %arg9[%dma_wait3A_488] : memref<4352xf32, #tpu.memory_space<vmem>> -> memref<256xf32, #tpu.memory_space<vmem>>
    %dma_wait3A_490 = tpu.memref_slice %arg10[%add3A_373] : memref<139264xf32, #tpu.memory_space<vmem_shared>> -> memref<256xf32, #tpu.memory_space<vmem_shared>>
    tpu.wait_dma2 semaphore(%arg11 : memref<!tpu.dma_semaphore, #tpu.memory_space<semaphore_mem>>) src(%dma_wait3A_490 : memref<256xf32, #tpu.memory_space<vmem_shared>>) dst(%dma_wait3A_489 : memref<256xf32, #tpu.memory_space<vmem>>)
    %dma_wait3A_491 = arith.constant 2816 : i32
    %dma_wait3A_492 = tpu.memref_slice %arg9[%dma_wait3A_491] : memref<4352xf32, #tpu.memory_space<vmem>> -> memref<256xf32, #tpu.memory_space<vmem>>
    %dma_wait3A_493 = tpu.memref_slice %arg10[%add3A_381] : memref<139264xf32, #tpu.memory_space<vmem_shared>> -> memref<256xf32, #tpu.memory_space<vmem_shared>>
    %dma_wait3A_494 = arith.constant 2816 : i32
    %dma_wait3A_495 = tpu.memref_slice %arg9[%dma_wait3A_494] : memref<4352xf32, #tpu.memory_space<vmem>> -> memref<256xf32, #tpu.memory_space<vmem>>
    %dma_wait3A_496 = tpu.memref_slice %arg10[%add3A_381] : memref<139264xf32, #tpu.memory_space<vmem_shared>> -> memref<256xf32, #tpu.memory_space<vmem_shared>>
    tpu.wait_dma2 semaphore(%arg11 : memref<!tpu.dma_semaphore, #tpu.memory_space<semaphore_mem>>) src(%dma_wait3A_496 : memref<256xf32, #tpu.memory_space<vmem_shared>>) dst(%dma_wait3A_495 : memref<256xf32, #tpu.memory_space<vmem>>)
    %dma_wait3A_497 = arith.constant 3072 : i32
    %dma_wait3A_498 = tpu.memref_slice %arg9[%dma_wait3A_497] : memref<4352xf32, #tpu.memory_space<vmem>> -> memref<256xf32, #tpu.memory_space<vmem>>
    %dma_wait3A_499 = tpu.memref_slice %arg10[%add3A_389] : memref<139264xf32, #tpu.memory_space<vmem_shared>> -> memref<256xf32, #tpu.memory_space<vmem_shared>>
    %dma_wait3A_500 = arith.constant 3072 : i32
    %dma_wait3A_501 = tpu.memref_slice %arg9[%dma_wait3A_500] : memref<4352xf32, #tpu.memory_space<vmem>> -> memref<256xf32, #tpu.memory_space<vmem>>
    %dma_wait3A_502 = tpu.memref_slice %arg10[%add3A_389] : memref<139264xf32, #tpu.memory_space<vmem_shared>> -> memref<256xf32, #tpu.memory_space<vmem_shared>>
    tpu.wait_dma2 semaphore(%arg11 : memref<!tpu.dma_semaphore, #tpu.memory_space<semaphore_mem>>) src(%dma_wait3A_502 : memref<256xf32, #tpu.memory_space<vmem_shared>>) dst(%dma_wait3A_501 : memref<256xf32, #tpu.memory_space<vmem>>)
    %dma_wait3A_503 = arith.constant 3328 : i32
    %dma_wait3A_504 = tpu.memref_slice %arg9[%dma_wait3A_503] : memref<4352xf32, #tpu.memory_space<vmem>> -> memref<256xf32, #tpu.memory_space<vmem>>
    %dma_wait3A_505 = tpu.memref_slice %arg10[%add3A_397] : memref<139264xf32, #tpu.memory_space<vmem_shared>> -> memref<256xf32, #tpu.memory_space<vmem_shared>>
    %dma_wait3A_506 = arith.constant 3328 : i32
    %dma_wait3A_507 = tpu.memref_slice %arg9[%dma_wait3A_506] : memref<4352xf32, #tpu.memory_space<vmem>> -> memref<256xf32, #tpu.memory_space<vmem>>
    %dma_wait3A_508 = tpu.memref_slice %arg10[%add3A_397] : memref<139264xf32, #tpu.memory_space<vmem_shared>> -> memref<256xf32, #tpu.memory_space<vmem_shared>>
    tpu.wait_dma2 semaphore(%arg11 : memref<!tpu.dma_semaphore, #tpu.memory_space<semaphore_mem>>) src(%dma_wait3A_508 : memref<256xf32, #tpu.memory_space<vmem_shared>>) dst(%dma_wait3A_507 : memref<256xf32, #tpu.memory_space<vmem>>)
    %dma_wait3A_509 = arith.constant 3584 : i32
    %dma_wait3A_510 = tpu.memref_slice %arg9[%dma_wait3A_509] : memref<4352xf32, #tpu.memory_space<vmem>> -> memref<256xf32, #tpu.memory_space<vmem>>
    %dma_wait3A_511 = tpu.memref_slice %arg10[%add3A_405] : memref<139264xf32, #tpu.memory_space<vmem_shared>> -> memref<256xf32, #tpu.memory_space<vmem_shared>>
    %dma_wait3A_512 = arith.constant 3584 : i32
    %dma_wait3A_513 = tpu.memref_slice %arg9[%dma_wait3A_512] : memref<4352xf32, #tpu.memory_space<vmem>> -> memref<256xf32, #tpu.memory_space<vmem>>
    %dma_wait3A_514 = tpu.memref_slice %arg10[%add3A_405] : memref<139264xf32, #tpu.memory_space<vmem_shared>> -> memref<256xf32, #tpu.memory_space<vmem_shared>>
    tpu.wait_dma2 semaphore(%arg11 : memref<!tpu.dma_semaphore, #tpu.memory_space<semaphore_mem>>) src(%dma_wait3A_514 : memref<256xf32, #tpu.memory_space<vmem_shared>>) dst(%dma_wait3A_513 : memref<256xf32, #tpu.memory_space<vmem>>)
    %dma_wait3A_515 = arith.constant 3840 : i32
    %dma_wait3A_516 = tpu.memref_slice %arg9[%dma_wait3A_515] : memref<4352xf32, #tpu.memory_space<vmem>> -> memref<256xf32, #tpu.memory_space<vmem>>
    %dma_wait3A_517 = tpu.memref_slice %arg10[%add3A_413] : memref<139264xf32, #tpu.memory_space<vmem_shared>> -> memref<256xf32, #tpu.memory_space<vmem_shared>>
    %dma_wait3A_518 = arith.constant 3840 : i32
    %dma_wait3A_519 = tpu.memref_slice %arg9[%dma_wait3A_518] : memref<4352xf32, #tpu.memory_space<vmem>> -> memref<256xf32, #tpu.memory_space<vmem>>
    %dma_wait3A_520 = tpu.memref_slice %arg10[%add3A_413] : memref<139264xf32, #tpu.memory_space<vmem_shared>> -> memref<256xf32, #tpu.memory_space<vmem_shared>>
    tpu.wait_dma2 semaphore(%arg11 : memref<!tpu.dma_semaphore, #tpu.memory_space<semaphore_mem>>) src(%dma_wait3A_520 : memref<256xf32, #tpu.memory_space<vmem_shared>>) dst(%dma_wait3A_519 : memref<256xf32, #tpu.memory_space<vmem>>)
    %scan3A_521 = arith.constant 0 : i32
    %scan3A_522 = arith.constant 0 : i32
    %scan3A_523 = arith.constant 16 : i32
    %scan3A_524 = arith.addi %scan3A_522, %scan3A_523 : i32
    %scan3A_525 = arith.constant 1 : i32
    scf.for %scan3A_1046 = %scan3A_522 to %scan3A_524 step %scan3A_525  : i32 {
      %mul3A_1047 = arith.constant 16 : i32
      %mul3A_1048 = arith.muli %scan3A_1046, %mul3A_1047 : i32
      %add3A_1049 = arith.constant 4096 : i32
      %add3A_1050 = arith.addi %add3A_1049, %mul3A_1048 : i32
      %get3A = arith.index_cast %add3A_1050 : i32 to index
      %get3A_1051 = tpu.vector_load %arg9[%get3A] {strides = array<i32>} : memref<4352xf32, #tpu.memory_space<vmem>>, vector<16xf32>,
      %mul3A_1052 = arith.constant 16 : i32
      %mul3A_1053 = arith.muli %scan3A_1046, %mul3A_1052 : i32
      %add3A_1054 = arith.constant 0 : i32
      %add3A_1055 = arith.addi %add3A_1054, %mul3A_1053 : i32
      %get3A_1056 = arith.index_cast %add3A_1055 : i32 to index
      %get3A_1057 = tpu.vector_load %arg9[%get3A_1056] {strides = array<i32>} : memref<4352xf32, #tpu.memory_space<vmem>>, vector<16xf32>,
      %mul3A_1058 = arith.constant 16 : i32
      %mul3A_1059 = arith.muli %scan3A_1046, %mul3A_1058 : i32
      %add3A_1060 = arith.constant 256 : i32
      %add3A_1061 = arith.addi %add3A_1060, %mul3A_1059 : i32
      %get3A_1062 = arith.index_cast %add3A_1061 : i32 to index
      %get3A_1063 = tpu.vector_load %arg9[%get3A_1062] {strides = array<i32>} : memref<4352xf32, #tpu.memory_space<vmem>>, vector<16xf32>,
      %mul3A_1064 = arith.mulf %get3A_1057, %get3A_1063 : vector<16xf32>
      %add3A_1065 = arith.addf %get3A_1051, %mul3A_1064 : vector<16xf32>
      %mul3A_1066 = arith.constant 16 : i32
      %mul3A_1067 = arith.muli %scan3A_1046, %mul3A_1066 : i32
      %add3A_1068 = arith.constant 512 : i32
      %add3A_1069 = arith.addi %add3A_1068, %mul3A_1067 : i32
      %get3A_1070 = arith.index_cast %add3A_1069 : i32 to index
      %get3A_1071 = tpu.vector_load %arg9[%get3A_1070] {strides = array<i32>} : memref<4352xf32, #tpu.memory_space<vmem>>, vector<16xf32>,
      %mul3A_1072 = arith.constant 16 : i32
      %mul3A_1073 = arith.muli %scan3A_1046, %mul3A_1072 : i32
      %add3A_1074 = arith.constant 768 : i32
      %add3A_1075 = arith.addi %add3A_1074, %mul3A_1073 : i32
      %get3A_1076 = arith.index_cast %add3A_1075 : i32 to index
      %get3A_1077 = tpu.vector_load %arg9[%get3A_1076] {strides = array<i32>} : memref<4352xf32, #tpu.memory_space<vmem>>, vector<16xf32>,
      %mul3A_1078 = arith.mulf %get3A_1071, %get3A_1077 : vector<16xf32>
      %add3A_1079 = arith.addf %add3A_1065, %mul3A_1078 : vector<16xf32>
      %mul3A_1080 = arith.constant 16 : i32
      %mul3A_1081 = arith.muli %scan3A_1046, %mul3A_1080 : i32
      %add3A_1082 = arith.constant 1024 : i32
      %add3A_1083 = arith.addi %add3A_1082, %mul3A_1081 : i32
      %get3A_1084 = arith.index_cast %add3A_1083 : i32 to index
      %get3A_1085 = tpu.vector_load %arg9[%get3A_1084] {strides = array<i32>} : memref<4352xf32, #tpu.memory_space<vmem>>, vector<16xf32>,
      %mul3A_1086 = arith.constant 16 : i32
      %mul3A_1087 = arith.muli %scan3A_1046, %mul3A_1086 : i32
      %add3A_1088 = arith.constant 1280 : i32
      %add3A_1089 = arith.addi %add3A_1088, %mul3A_1087 : i32
      %get3A_1090 = arith.index_cast %add3A_1089 : i32 to index
      %get3A_1091 = tpu.vector_load %arg9[%get3A_1090] {strides = array<i32>} : memref<4352xf32, #tpu.memory_space<vmem>>, vector<16xf32>,
      %mul3A_1092 = arith.mulf %get3A_1085, %get3A_1091 : vector<16xf32>
      %add3A_1093 = arith.addf %add3A_1079, %mul3A_1092 : vector<16xf32>
      %mul3A_1094 = arith.constant 16 : i32
      %mul3A_1095 = arith.muli %scan3A_1046, %mul3A_1094 : i32
      %add3A_1096 = arith.constant 1536 : i32
      %add3A_1097 = arith.addi %add3A_1096, %mul3A_1095 : i32
      %get3A_1098 = arith.index_cast %add3A_1097 : i32 to index
      %get3A_1099 = tpu.vector_load %arg9[%get3A_1098] {strides = array<i32>} : memref<4352xf32, #tpu.memory_space<vmem>>, vector<16xf32>,
      %mul3A_1100 = arith.constant 16 : i32
      %mul3A_1101 = arith.muli %scan3A_1046, %mul3A_1100 : i32
      %add3A_1102 = arith.constant 1792 : i32
      %add3A_1103 = arith.addi %add3A_1102, %mul3A_1101 : i32
      %get3A_1104 = arith.index_cast %add3A_1103 : i32 to index
      %get3A_1105 = tpu.vector_load %arg9[%get3A_1104] {strides = array<i32>} : memref<4352xf32, #tpu.memory_space<vmem>>, vector<16xf32>,
      %mul3A_1106 = arith.mulf %get3A_1099, %get3A_1105 : vector<16xf32>
      %add3A_1107 = arith.addf %add3A_1093, %mul3A_1106 : vector<16xf32>
      %mul3A_1108 = arith.constant 16 : i32
      %mul3A_1109 = arith.muli %scan3A_1046, %mul3A_1108 : i32
      %add3A_1110 = arith.constant 2048 : i32
      %add3A_1111 = arith.addi %add3A_1110, %mul3A_1109 : i32
      %get3A_1112 = arith.index_cast %add3A_1111 : i32 to index
      %get3A_1113 = tpu.vector_load %arg9[%get3A_1112] {strides = array<i32>} : memref<4352xf32, #tpu.memory_space<vmem>>, vector<16xf32>,
      %mul3A_1114 = arith.constant 16 : i32
      %mul3A_1115 = arith.muli %scan3A_1046, %mul3A_1114 : i32
      %add3A_1116 = arith.constant 2304 : i32
      %add3A_1117 = arith.addi %add3A_1116, %mul3A_1115 : i32
      %get3A_1118 = arith.index_cast %add3A_1117 : i32 to index
      %get3A_1119 = tpu.vector_load %arg9[%get3A_1118] {strides = array<i32>} : memref<4352xf32, #tpu.memory_space<vmem>>, vector<16xf32>,
      %mul3A_1120 = arith.mulf %get3A_1113, %get3A_1119 : vector<16xf32>
      %add3A_1121 = arith.addf %add3A_1107, %mul3A_1120 : vector<16xf32>
      %mul3A_1122 = arith.constant 16 : i32
      %mul3A_1123 = arith.muli %scan3A_1046, %mul3A_1122 : i32
      %add3A_1124 = arith.constant 2560 : i32
      %add3A_1125 = arith.addi %add3A_1124, %mul3A_1123 : i32
      %get3A_1126 = arith.index_cast %add3A_1125 : i32 to index
      %get3A_1127 = tpu.vector_load %arg9[%get3A_1126] {strides = array<i32>} : memref<4352xf32, #tpu.memory_space<vmem>>, vector<16xf32>,
      %mul3A_1128 = arith.constant 16 : i32
      %mul3A_1129 = arith.muli %scan3A_1046, %mul3A_1128 : i32
      %add3A_1130 = arith.constant 2816 : i32
      %add3A_1131 = arith.addi %add3A_1130, %mul3A_1129 : i32
      %get3A_1132 = arith.index_cast %add3A_1131 : i32 to index
      %get3A_1133 = tpu.vector_load %arg9[%get3A_1132] {strides = array<i32>} : memref<4352xf32, #tpu.memory_space<vmem>>, vector<16xf32>,
      %mul3A_1134 = arith.mulf %get3A_1127, %get3A_1133 : vector<16xf32>
      %add3A_1135 = arith.addf %add3A_1121, %mul3A_1134 : vector<16xf32>
      %mul3A_1136 = arith.constant 16 : i32
      %mul3A_1137 = arith.muli %scan3A_1046, %mul3A_1136 : i32
      %add3A_1138 = arith.constant 3072 : i32
      %add3A_1139 = arith.addi %add3A_1138, %mul3A_1137 : i32
      %get3A_1140 = arith.index_cast %add3A_1139 : i32 to index
      %get3A_1141 = tpu.vector_load %arg9[%get3A_1140] {strides = array<i32>} : memref<4352xf32, #tpu.memory_space<vmem>>, vector<16xf32>,
      %mul3A_1142 = arith.constant 16 : i32
      %mul3A_1143 = arith.muli %scan3A_1046, %mul3A_1142 : i32
      %add3A_1144 = arith.constant 3328 : i32
      %add3A_1145 = arith.addi %add3A_1144, %mul3A_1143 : i32
      %get3A_1146 = arith.index_cast %add3A_1145 : i32 to index
      %get3A_1147 = tpu.vector_load %arg9[%get3A_1146] {strides = array<i32>} : memref<4352xf32, #tpu.memory_space<vmem>>, vector<16xf32>,
      %mul3A_1148 = arith.mulf %get3A_1141, %get3A_1147 : vector<16xf32>
      %add3A_1149 = arith.addf %add3A_1135, %mul3A_1148 : vector<16xf32>
      %mul3A_1150 = arith.constant 16 : i32
      %mul3A_1151 = arith.muli %scan3A_1046, %mul3A_1150 : i32
      %add3A_1152 = arith.constant 3584 : i32
      %add3A_1153 = arith.addi %add3A_1152, %mul3A_1151 : i32
      %get3A_1154 = arith.index_cast %add3A_1153 : i32 to index
      %get3A_1155 = tpu.vector_load %arg9[%get3A_1154] {strides = array<i32>} : memref<4352xf32, #tpu.memory_space<vmem>>, vector<16xf32>,
      %mul3A_1156 = arith.constant 16 : i32
      %mul3A_1157 = arith.muli %scan3A_1046, %mul3A_1156 : i32
      %add3A_1158 = arith.constant 3840 : i32
      %add3A_1159 = arith.addi %add3A_1158, %mul3A_1157 : i32
      %get3A_1160 = arith.index_cast %add3A_1159 : i32 to index
      %get3A_1161 = tpu.vector_load %arg9[%get3A_1160] {strides = array<i32>} : memref<4352xf32, #tpu.memory_space<vmem>>, vector<16xf32>,
      %mul3A_1162 = arith.mulf %get3A_1155, %get3A_1161 : vector<16xf32>
      %add3A_1163 = arith.addf %add3A_1149, %mul3A_1162 : vector<16xf32>
      %mul3A_1164 = arith.constant 16 : i32
      %mul3A_1165 = arith.muli %scan3A_1046, %mul3A_1164 : i32
      %add3A_1166 = arith.constant 4096 : i32
      %add3A_1167 = arith.addi %add3A_1166, %mul3A_1165 : i32
      %swap3A = arith.index_cast %add3A_1167 : i32 to index
      %swap3A_1168 = tpu.vector_load %arg9[%swap3A] {strides = array<i32>} : memref<4352xf32, #tpu.memory_space<vmem>>, vector<16xf32>,
      tpu.vector_store %arg9[%swap3A], %add3A_1163 {strides = array<i32>} : memref<4352xf32, #tpu.memory_space<vmem>>, vector<16xf32>,
    }
    %scan3A_526 = arith.constant 16 : i32
    %mul3A_527 = arith.constant 16384 : i32
    %mul3A_528 = arith.muli %arg0, %mul3A_527 : i32
    %add3A_529 = arith.constant 4096 : i32
    %add3A_530 = arith.addi %mul3A_528, %add3A_529 : i32
    %add3A_531 = arith.addi %add3A_530, %mul3A_291 : i32
    "tpu.region"() ({
      %run_scoped3A = tpu.sem_alloc : memref<!tpu.dma_semaphore, #tpu.memory_space<semaphore_mem>>
      %dma_start3A_1046 = arith.constant 4096 : i32
      %dma_start3A_1047 = tpu.memref_slice %arg9[%dma_start3A_1046] : memref<4352xf32, #tpu.memory_space<vmem>> -> memref<256xf32, #tpu.memory_space<vmem>>
      %dma_start3A_1048 = tpu.memref_slice %arg5[%add3A_531] : memref<32768xf32, #tpu.memory_space<hbm>> -> memref<256xf32, #tpu.memory_space<hbm>>
      %dma_start3A_1049 = tpu.memref_slice %arg5[%add3A_531] : memref<32768xf32, #tpu.memory_space<hbm>> -> memref<256xf32, #tpu.memory_space<hbm>>
      %dma_start3A_1050 = arith.constant 4096 : i32
      %dma_start3A_1051 = tpu.memref_slice %arg9[%dma_start3A_1050] : memref<4352xf32, #tpu.memory_space<vmem>> -> memref<256xf32, #tpu.memory_space<vmem>>
      tpu.enqueue_dma source(%dma_start3A_1051 : memref<256xf32, #tpu.memory_space<vmem>>) target(%dma_start3A_1049 : memref<256xf32, #tpu.memory_space<hbm>>) target_semaphore(%run_scoped3A : memref<!tpu.dma_semaphore, #tpu.memory_space<semaphore_mem>>)
      %dma_wait3A_1052 = arith.constant 4096 : i32
      %dma_wait3A_1053 = tpu.memref_slice %arg9[%dma_wait3A_1052] : memref<4352xf32, #tpu.memory_space<vmem>> -> memref<256xf32, #tpu.memory_space<vmem>>
      %dma_wait3A_1054 = tpu.memref_slice %arg5[%add3A_531] : memref<32768xf32, #tpu.memory_space<hbm>> -> memref<256xf32, #tpu.memory_space<hbm>>
      %dma_wait3A_1055 = tpu.memref_slice %arg5[%add3A_531] : memref<32768xf32, #tpu.memory_space<hbm>> -> memref<256xf32, #tpu.memory_space<hbm>>
      %dma_wait3A_1056 = arith.constant 4096 : i32
      %dma_wait3A_1057 = tpu.memref_slice %arg9[%dma_wait3A_1056] : memref<4352xf32, #tpu.memory_space<vmem>> -> memref<256xf32, #tpu.memory_space<vmem>>
      tpu.wait_dma2 semaphore(%run_scoped3A : memref<!tpu.dma_semaphore, #tpu.memory_space<semaphore_mem>>) src(%dma_wait3A_1057 : memref<256xf32, #tpu.memory_space<vmem>>) dst(%dma_wait3A_1055 : memref<256xf32, #tpu.memory_space<hbm>>)
      tpu.yield
    }) : () -> ()
    %mul3A_532 = arith.constant 16384 : i32
    %mul3A_533 = arith.muli %rem3A_0, %mul3A_532 : i32
    %add3A_534 = arith.constant 8192 : i32
    %add3A_535 = arith.addi %mul3A_533, %add3A_534 : i32
    "tpu.region"() ({
      %run_scoped3A = tpu.sem_alloc : memref<!tpu.dma_semaphore, #tpu.memory_space<semaphore_mem>>
      %dma_start3A_1046 = tpu.memref_slice %arg2[%add3A_535] : memref<32768xi32, #tpu.memory_space<hbm>> -> memref<4096xi32, #tpu.memory_space<hbm>>
      %dma_start3A_1047 = tpu.memref_slice %arg2[%add3A_535] : memref<32768xi32, #tpu.memory_space<hbm>> -> memref<4096xi32, #tpu.memory_space<hbm>>
      tpu.enqueue_dma source(%dma_start3A_1047 : memref<4096xi32, #tpu.memory_space<hbm>>) target(%arg7 : memref<4096xi32, #tpu.memory_space<vmem>>) target_semaphore(%run_scoped3A : memref<!tpu.dma_semaphore, #tpu.memory_space<semaphore_mem>>)
      %dma_wait3A_1048 = tpu.memref_slice %arg2[%add3A_535] : memref<32768xi32, #tpu.memory_space<hbm>> -> memref<4096xi32, #tpu.memory_space<hbm>>
      %dma_wait3A_1049 = tpu.memref_slice %arg2[%add3A_535] : memref<32768xi32, #tpu.memory_space<hbm>> -> memref<4096xi32, #tpu.memory_space<hbm>>
      tpu.wait_dma2 semaphore(%run_scoped3A : memref<!tpu.dma_semaphore, #tpu.memory_space<semaphore_mem>>) src(%dma_wait3A_1049 : memref<4096xi32, #tpu.memory_space<hbm>>) dst(%arg7 : memref<4096xi32, #tpu.memory_space<vmem>>)
      tpu.yield
    }) : () -> ()
    %scan3A_536 = arith.constant 0 : i32
    %scan3A_537 = arith.constant 0 : i32
    %scan3A_538 = arith.constant 256 : i32
    %scan3A_539 = arith.addi %scan3A_537, %scan3A_538 : i32
    %scan3A_540 = arith.constant 1 : i32
    scf.for %scan3A_1046 = %scan3A_537 to %scan3A_539 step %scan3A_540  : i32 {
      %mul3A_1047 = arith.constant 16 : i32
      %mul3A_1048 = arith.muli %scan3A_1046, %mul3A_1047 : i32
      %get3A = arith.index_cast %mul3A_1048 : i32 to index
      %get3A_1049 = tpu.vector_load %arg7[%get3A] {strides = array<i32>} : memref<4096xi32, #tpu.memory_space<vmem>>, vector<16xi32>,
      %gather3A = tpu.vector_load_idx %arg6[%get3A_1049] : memref<100000xf32, #tpu.memory_space<vmem>>[vector<16xi32>], vector<16xf32>,
      %mul3A_1050 = arith.constant 16 : i32
      %mul3A_1051 = arith.muli %scan3A_1046, %mul3A_1050 : i32
      %swap3A = arith.index_cast %mul3A_1051 : i32 to index
      %swap3A_1052 = tpu.vector_load %arg8[%swap3A] {strides = array<i32>} : memref<4096xf32, #tpu.memory_space<vmem>>, vector<16xf32>,
      tpu.vector_store %arg8[%swap3A], %gather3A {strides = array<i32>} : memref<4096xf32, #tpu.memory_space<vmem>>, vector<16xf32>,
    }
    %scan3A_541 = arith.constant 256 : i32
    %mul3A_542 = arith.constant 4096 : i32
    %mul3A_543 = arith.muli %arg1, %mul3A_542 : i32
    %add3A_544 = arith.constant 0 : i32
    %add3A_545 = arith.addi %add3A_544, %mul3A_543 : i32
    "tpu.region"() ({
      %run_scoped3A = tpu.sem_alloc : memref<!tpu.dma_semaphore, #tpu.memory_space<semaphore_mem>>
      %dma_start3A_1046 = tpu.memref_slice %arg10[%add3A_545] : memref<139264xf32, #tpu.memory_space<vmem_shared>> -> memref<4096xf32, #tpu.memory_space<vmem_shared>>
      %dma_start3A_1047 = tpu.memref_slice %arg10[%add3A_545] : memref<139264xf32, #tpu.memory_space<vmem_shared>> -> memref<4096xf32, #tpu.memory_space<vmem_shared>>
      tpu.enqueue_dma source(%arg8 : memref<4096xf32, #tpu.memory_space<vmem>>) target(%dma_start3A_1047 : memref<4096xf32, #tpu.memory_space<vmem_shared>>) target_semaphore(%run_scoped3A : memref<!tpu.dma_semaphore, #tpu.memory_space<semaphore_mem>>)
      %dma_wait3A_1048 = tpu.memref_slice %arg10[%add3A_545] : memref<139264xf32, #tpu.memory_space<vmem_shared>> -> memref<4096xf32, #tpu.memory_space<vmem_shared>>
      %dma_wait3A_1049 = tpu.memref_slice %arg10[%add3A_545] : memref<139264xf32, #tpu.memory_space<vmem_shared>> -> memref<4096xf32, #tpu.memory_space<vmem_shared>>
      tpu.wait_dma2 semaphore(%run_scoped3A : memref<!tpu.dma_semaphore, #tpu.memory_space<semaphore_mem>>) src(%arg8 : memref<4096xf32, #tpu.memory_space<vmem>>) dst(%dma_wait3A_1049 : memref<4096xf32, #tpu.memory_space<vmem_shared>>)
      tpu.yield
    }) : () -> ()
    %barrier3A_546 = arith.constant 0 : index
    tpu.barrier barrier_id(%barrier3A_546)
    %mul3A_547 = arith.constant 256 : i32
    %mul3A_548 = arith.muli %arg1, %mul3A_547 : i32
    %add3A_549 = arith.constant 0 : i32
    %add3A_550 = arith.addi %add3A_549, %mul3A_548 : i32
    %dma_start3A_551 = arith.constant 0 : i32
    %dma_start3A_552 = tpu.memref_slice %arg9[%dma_start3A_551] : memref<4352xf32, #tpu.memory_space<vmem>> -> memref<256xf32, #tpu.memory_space<vmem>>
    %dma_start3A_553 = tpu.memref_slice %arg10[%add3A_550] : memref<139264xf32, #tpu.memory_space<vmem_shared>> -> memref<256xf32, #tpu.memory_space<vmem_shared>>
    %dma_start3A_554 = arith.constant 0 : i32
    %dma_start3A_555 = tpu.memref_slice %arg9[%dma_start3A_554] : memref<4352xf32, #tpu.memory_space<vmem>> -> memref<256xf32, #tpu.memory_space<vmem>>
    %dma_start3A_556 = tpu.memref_slice %arg10[%add3A_550] : memref<139264xf32, #tpu.memory_space<vmem_shared>> -> memref<256xf32, #tpu.memory_space<vmem_shared>>
    tpu.enqueue_dma source(%dma_start3A_556 : memref<256xf32, #tpu.memory_space<vmem_shared>>) target(%dma_start3A_555 : memref<256xf32, #tpu.memory_space<vmem>>) target_semaphore(%arg11 : memref<!tpu.dma_semaphore, #tpu.memory_space<semaphore_mem>>)
    %add3A_557 = arith.constant 4096 : i32
    %add3A_558 = arith.addi %add3A_557, %mul3A_548 : i32
    %dma_start3A_559 = arith.constant 256 : i32
    %dma_start3A_560 = tpu.memref_slice %arg9[%dma_start3A_559] : memref<4352xf32, #tpu.memory_space<vmem>> -> memref<256xf32, #tpu.memory_space<vmem>>
    %dma_start3A_561 = tpu.memref_slice %arg10[%add3A_558] : memref<139264xf32, #tpu.memory_space<vmem_shared>> -> memref<256xf32, #tpu.memory_space<vmem_shared>>
    %dma_start3A_562 = arith.constant 256 : i32
    %dma_start3A_563 = tpu.memref_slice %arg9[%dma_start3A_562] : memref<4352xf32, #tpu.memory_space<vmem>> -> memref<256xf32, #tpu.memory_space<vmem>>
    %dma_start3A_564 = tpu.memref_slice %arg10[%add3A_558] : memref<139264xf32, #tpu.memory_space<vmem_shared>> -> memref<256xf32, #tpu.memory_space<vmem_shared>>
    tpu.enqueue_dma source(%dma_start3A_564 : memref<256xf32, #tpu.memory_space<vmem_shared>>) target(%dma_start3A_563 : memref<256xf32, #tpu.memory_space<vmem>>) target_semaphore(%arg11 : memref<!tpu.dma_semaphore, #tpu.memory_space<semaphore_mem>>)
    %add3A_565 = arith.constant 8192 : i32
    %add3A_566 = arith.addi %add3A_565, %mul3A_548 : i32
    %dma_start3A_567 = arith.constant 512 : i32
    %dma_start3A_568 = tpu.memref_slice %arg9[%dma_start3A_567] : memref<4352xf32, #tpu.memory_space<vmem>> -> memref<256xf32, #tpu.memory_space<vmem>>
    %dma_start3A_569 = tpu.memref_slice %arg10[%add3A_566] : memref<139264xf32, #tpu.memory_space<vmem_shared>> -> memref<256xf32, #tpu.memory_space<vmem_shared>>
    %dma_start3A_570 = arith.constant 512 : i32
    %dma_start3A_571 = tpu.memref_slice %arg9[%dma_start3A_570] : memref<4352xf32, #tpu.memory_space<vmem>> -> memref<256xf32, #tpu.memory_space<vmem>>
    %dma_start3A_572 = tpu.memref_slice %arg10[%add3A_566] : memref<139264xf32, #tpu.memory_space<vmem_shared>> -> memref<256xf32, #tpu.memory_space<vmem_shared>>
    tpu.enqueue_dma source(%dma_start3A_572 : memref<256xf32, #tpu.memory_space<vmem_shared>>) target(%dma_start3A_571 : memref<256xf32, #tpu.memory_space<vmem>>) target_semaphore(%arg11 : memref<!tpu.dma_semaphore, #tpu.memory_space<semaphore_mem>>)
    %add3A_573 = arith.constant 12288 : i32
    %add3A_574 = arith.addi %add3A_573, %mul3A_548 : i32
    %dma_start3A_575 = arith.constant 768 : i32
    %dma_start3A_576 = tpu.memref_slice %arg9[%dma_start3A_575] : memref<4352xf32, #tpu.memory_space<vmem>> -> memref<256xf32, #tpu.memory_space<vmem>>
    %dma_start3A_577 = tpu.memref_slice %arg10[%add3A_574] : memref<139264xf32, #tpu.memory_space<vmem_shared>> -> memref<256xf32, #tpu.memory_space<vmem_shared>>
    %dma_start3A_578 = arith.constant 768 : i32
    %dma_start3A_579 = tpu.memref_slice %arg9[%dma_start3A_578] : memref<4352xf32, #tpu.memory_space<vmem>> -> memref<256xf32, #tpu.memory_space<vmem>>
    %dma_start3A_580 = tpu.memref_slice %arg10[%add3A_574] : memref<139264xf32, #tpu.memory_space<vmem_shared>> -> memref<256xf32, #tpu.memory_space<vmem_shared>>
    tpu.enqueue_dma source(%dma_start3A_580 : memref<256xf32, #tpu.memory_space<vmem_shared>>) target(%dma_start3A_579 : memref<256xf32, #tpu.memory_space<vmem>>) target_semaphore(%arg11 : memref<!tpu.dma_semaphore, #tpu.memory_space<semaphore_mem>>)
    %add3A_581 = arith.constant 16384 : i32
    %add3A_582 = arith.addi %add3A_581, %mul3A_548 : i32
    %dma_start3A_583 = arith.constant 1024 : i32
    %dma_start3A_584 = tpu.memref_slice %arg9[%dma_start3A_583] : memref<4352xf32, #tpu.memory_space<vmem>> -> memref<256xf32, #tpu.memory_space<vmem>>
    %dma_start3A_585 = tpu.memref_slice %arg10[%add3A_582] : memref<139264xf32, #tpu.memory_space<vmem_shared>> -> memref<256xf32, #tpu.memory_space<vmem_shared>>
    %dma_start3A_586 = arith.constant 1024 : i32
    %dma_start3A_587 = tpu.memref_slice %arg9[%dma_start3A_586] : memref<4352xf32, #tpu.memory_space<vmem>> -> memref<256xf32, #tpu.memory_space<vmem>>
    %dma_start3A_588 = tpu.memref_slice %arg10[%add3A_582] : memref<139264xf32, #tpu.memory_space<vmem_shared>> -> memref<256xf32, #tpu.memory_space<vmem_shared>>
    tpu.enqueue_dma source(%dma_start3A_588 : memref<256xf32, #tpu.memory_space<vmem_shared>>) target(%dma_start3A_587 : memref<256xf32, #tpu.memory_space<vmem>>) target_semaphore(%arg11 : memref<!tpu.dma_semaphore, #tpu.memory_space<semaphore_mem>>)
    %add3A_589 = arith.constant 20480 : i32
    %add3A_590 = arith.addi %add3A_589, %mul3A_548 : i32
    %dma_start3A_591 = arith.constant 1280 : i32
    %dma_start3A_592 = tpu.memref_slice %arg9[%dma_start3A_591] : memref<4352xf32, #tpu.memory_space<vmem>> -> memref<256xf32, #tpu.memory_space<vmem>>
    %dma_start3A_593 = tpu.memref_slice %arg10[%add3A_590] : memref<139264xf32, #tpu.memory_space<vmem_shared>> -> memref<256xf32, #tpu.memory_space<vmem_shared>>
    %dma_start3A_594 = arith.constant 1280 : i32
    %dma_start3A_595 = tpu.memref_slice %arg9[%dma_start3A_594] : memref<4352xf32, #tpu.memory_space<vmem>> -> memref<256xf32, #tpu.memory_space<vmem>>
    %dma_start3A_596 = tpu.memref_slice %arg10[%add3A_590] : memref<139264xf32, #tpu.memory_space<vmem_shared>> -> memref<256xf32, #tpu.memory_space<vmem_shared>>
    tpu.enqueue_dma source(%dma_start3A_596 : memref<256xf32, #tpu.memory_space<vmem_shared>>) target(%dma_start3A_595 : memref<256xf32, #tpu.memory_space<vmem>>) target_semaphore(%arg11 : memref<!tpu.dma_semaphore, #tpu.memory_space<semaphore_mem>>)
    %add3A_597 = arith.constant 24576 : i32
    %add3A_598 = arith.addi %add3A_597, %mul3A_548 : i32
    %dma_start3A_599 = arith.constant 1536 : i32
    %dma_start3A_600 = tpu.memref_slice %arg9[%dma_start3A_599] : memref<4352xf32, #tpu.memory_space<vmem>> -> memref<256xf32, #tpu.memory_space<vmem>>
    %dma_start3A_601 = tpu.memref_slice %arg10[%add3A_598] : memref<139264xf32, #tpu.memory_space<vmem_shared>> -> memref<256xf32, #tpu.memory_space<vmem_shared>>
    %dma_start3A_602 = arith.constant 1536 : i32
    %dma_start3A_603 = tpu.memref_slice %arg9[%dma_start3A_602] : memref<4352xf32, #tpu.memory_space<vmem>> -> memref<256xf32, #tpu.memory_space<vmem>>
    %dma_start3A_604 = tpu.memref_slice %arg10[%add3A_598] : memref<139264xf32, #tpu.memory_space<vmem_shared>> -> memref<256xf32, #tpu.memory_space<vmem_shared>>
    tpu.enqueue_dma source(%dma_start3A_604 : memref<256xf32, #tpu.memory_space<vmem_shared>>) target(%dma_start3A_603 : memref<256xf32, #tpu.memory_space<vmem>>) target_semaphore(%arg11 : memref<!tpu.dma_semaphore, #tpu.memory_space<semaphore_mem>>)
    %add3A_605 = arith.constant 28672 : i32
    %add3A_606 = arith.addi %add3A_605, %mul3A_548 : i32
    %dma_start3A_607 = arith.constant 1792 : i32
    %dma_start3A_608 = tpu.memref_slice %arg9[%dma_start3A_607] : memref<4352xf32, #tpu.memory_space<vmem>> -> memref<256xf32, #tpu.memory_space<vmem>>
    %dma_start3A_609 = tpu.memref_slice %arg10[%add3A_606] : memref<139264xf32, #tpu.memory_space<vmem_shared>> -> memref<256xf32, #tpu.memory_space<vmem_shared>>
    %dma_start3A_610 = arith.constant 1792 : i32
    %dma_start3A_611 = tpu.memref_slice %arg9[%dma_start3A_610] : memref<4352xf32, #tpu.memory_space<vmem>> -> memref<256xf32, #tpu.memory_space<vmem>>
    %dma_start3A_612 = tpu.memref_slice %arg10[%add3A_606] : memref<139264xf32, #tpu.memory_space<vmem_shared>> -> memref<256xf32, #tpu.memory_space<vmem_shared>>
    tpu.enqueue_dma source(%dma_start3A_612 : memref<256xf32, #tpu.memory_space<vmem_shared>>) target(%dma_start3A_611 : memref<256xf32, #tpu.memory_space<vmem>>) target_semaphore(%arg11 : memref<!tpu.dma_semaphore, #tpu.memory_space<semaphore_mem>>)
    %add3A_613 = arith.constant 32768 : i32
    %add3A_614 = arith.addi %add3A_613, %mul3A_548 : i32
    %dma_start3A_615 = arith.constant 2048 : i32
    %dma_start3A_616 = tpu.memref_slice %arg9[%dma_start3A_615] : memref<4352xf32, #tpu.memory_space<vmem>> -> memref<256xf32, #tpu.memory_space<vmem>>
    %dma_start3A_617 = tpu.memref_slice %arg10[%add3A_614] : memref<139264xf32, #tpu.memory_space<vmem_shared>> -> memref<256xf32, #tpu.memory_space<vmem_shared>>
    %dma_start3A_618 = arith.constant 2048 : i32
    %dma_start3A_619 = tpu.memref_slice %arg9[%dma_start3A_618] : memref<4352xf32, #tpu.memory_space<vmem>> -> memref<256xf32, #tpu.memory_space<vmem>>
    %dma_start3A_620 = tpu.memref_slice %arg10[%add3A_614] : memref<139264xf32, #tpu.memory_space<vmem_shared>> -> memref<256xf32, #tpu.memory_space<vmem_shared>>
    tpu.enqueue_dma source(%dma_start3A_620 : memref<256xf32, #tpu.memory_space<vmem_shared>>) target(%dma_start3A_619 : memref<256xf32, #tpu.memory_space<vmem>>) target_semaphore(%arg11 : memref<!tpu.dma_semaphore, #tpu.memory_space<semaphore_mem>>)
    %add3A_621 = arith.constant 36864 : i32
    %add3A_622 = arith.addi %add3A_621, %mul3A_548 : i32
    %dma_start3A_623 = arith.constant 2304 : i32
    %dma_start3A_624 = tpu.memref_slice %arg9[%dma_start3A_623] : memref<4352xf32, #tpu.memory_space<vmem>> -> memref<256xf32, #tpu.memory_space<vmem>>
    %dma_start3A_625 = tpu.memref_slice %arg10[%add3A_622] : memref<139264xf32, #tpu.memory_space<vmem_shared>> -> memref<256xf32, #tpu.memory_space<vmem_shared>>
    %dma_start3A_626 = arith.constant 2304 : i32
    %dma_start3A_627 = tpu.memref_slice %arg9[%dma_start3A_626] : memref<4352xf32, #tpu.memory_space<vmem>> -> memref<256xf32, #tpu.memory_space<vmem>>
    %dma_start3A_628 = tpu.memref_slice %arg10[%add3A_622] : memref<139264xf32, #tpu.memory_space<vmem_shared>> -> memref<256xf32, #tpu.memory_space<vmem_shared>>
    tpu.enqueue_dma source(%dma_start3A_628 : memref<256xf32, #tpu.memory_space<vmem_shared>>) target(%dma_start3A_627 : memref<256xf32, #tpu.memory_space<vmem>>) target_semaphore(%arg11 : memref<!tpu.dma_semaphore, #tpu.memory_space<semaphore_mem>>)
    %add3A_629 = arith.constant 40960 : i32
    %add3A_630 = arith.addi %add3A_629, %mul3A_548 : i32
    %dma_start3A_631 = arith.constant 2560 : i32
    %dma_start3A_632 = tpu.memref_slice %arg9[%dma_start3A_631] : memref<4352xf32, #tpu.memory_space<vmem>> -> memref<256xf32, #tpu.memory_space<vmem>>
    %dma_start3A_633 = tpu.memref_slice %arg10[%add3A_630] : memref<139264xf32, #tpu.memory_space<vmem_shared>> -> memref<256xf32, #tpu.memory_space<vmem_shared>>
    %dma_start3A_634 = arith.constant 2560 : i32
    %dma_start3A_635 = tpu.memref_slice %arg9[%dma_start3A_634] : memref<4352xf32, #tpu.memory_space<vmem>> -> memref<256xf32, #tpu.memory_space<vmem>>
    %dma_start3A_636 = tpu.memref_slice %arg10[%add3A_630] : memref<139264xf32, #tpu.memory_space<vmem_shared>> -> memref<256xf32, #tpu.memory_space<vmem_shared>>
    tpu.enqueue_dma source(%dma_start3A_636 : memref<256xf32, #tpu.memory_space<vmem_shared>>) target(%dma_start3A_635 : memref<256xf32, #tpu.memory_space<vmem>>) target_semaphore(%arg11 : memref<!tpu.dma_semaphore, #tpu.memory_space<semaphore_mem>>)
    %add3A_637 = arith.constant 45056 : i32
    %add3A_638 = arith.addi %add3A_637, %mul3A_548 : i32
    %dma_start3A_639 = arith.constant 2816 : i32
    %dma_start3A_640 = tpu.memref_slice %arg9[%dma_start3A_639] : memref<4352xf32, #tpu.memory_space<vmem>> -> memref<256xf32, #tpu.memory_space<vmem>>
    %dma_start3A_641 = tpu.memref_slice %arg10[%add3A_638] : memref<139264xf32, #tpu.memory_space<vmem_shared>> -> memref<256xf32, #tpu.memory_space<vmem_shared>>
    %dma_start3A_642 = arith.constant 2816 : i32
    %dma_start3A_643 = tpu.memref_slice %arg9[%dma_start3A_642] : memref<4352xf32, #tpu.memory_space<vmem>> -> memref<256xf32, #tpu.memory_space<vmem>>
    %dma_start3A_644 = tpu.memref_slice %arg10[%add3A_638] : memref<139264xf32, #tpu.memory_space<vmem_shared>> -> memref<256xf32, #tpu.memory_space<vmem_shared>>
    tpu.enqueue_dma source(%dma_start3A_644 : memref<256xf32, #tpu.memory_space<vmem_shared>>) target(%dma_start3A_643 : memref<256xf32, #tpu.memory_space<vmem>>) target_semaphore(%arg11 : memref<!tpu.dma_semaphore, #tpu.memory_space<semaphore_mem>>)
    %add3A_645 = arith.constant 49152 : i32
    %add3A_646 = arith.addi %add3A_645, %mul3A_548 : i32
    %dma_start3A_647 = arith.constant 3072 : i32
    %dma_start3A_648 = tpu.memref_slice %arg9[%dma_start3A_647] : memref<4352xf32, #tpu.memory_space<vmem>> -> memref<256xf32, #tpu.memory_space<vmem>>
    %dma_start3A_649 = tpu.memref_slice %arg10[%add3A_646] : memref<139264xf32, #tpu.memory_space<vmem_shared>> -> memref<256xf32, #tpu.memory_space<vmem_shared>>
    %dma_start3A_650 = arith.constant 3072 : i32
    %dma_start3A_651 = tpu.memref_slice %arg9[%dma_start3A_650] : memref<4352xf32, #tpu.memory_space<vmem>> -> memref<256xf32, #tpu.memory_space<vmem>>
    %dma_start3A_652 = tpu.memref_slice %arg10[%add3A_646] : memref<139264xf32, #tpu.memory_space<vmem_shared>> -> memref<256xf32, #tpu.memory_space<vmem_shared>>
    tpu.enqueue_dma source(%dma_start3A_652 : memref<256xf32, #tpu.memory_space<vmem_shared>>) target(%dma_start3A_651 : memref<256xf32, #tpu.memory_space<vmem>>) target_semaphore(%arg11 : memref<!tpu.dma_semaphore, #tpu.memory_space<semaphore_mem>>)
    %add3A_653 = arith.constant 53248 : i32
    %add3A_654 = arith.addi %add3A_653, %mul3A_548 : i32
    %dma_start3A_655 = arith.constant 3328 : i32
    %dma_start3A_656 = tpu.memref_slice %arg9[%dma_start3A_655] : memref<4352xf32, #tpu.memory_space<vmem>> -> memref<256xf32, #tpu.memory_space<vmem>>
    %dma_start3A_657 = tpu.memref_slice %arg10[%add3A_654] : memref<139264xf32, #tpu.memory_space<vmem_shared>> -> memref<256xf32, #tpu.memory_space<vmem_shared>>
    %dma_start3A_658 = arith.constant 3328 : i32
    %dma_start3A_659 = tpu.memref_slice %arg9[%dma_start3A_658] : memref<4352xf32, #tpu.memory_space<vmem>> -> memref<256xf32, #tpu.memory_space<vmem>>
    %dma_start3A_660 = tpu.memref_slice %arg10[%add3A_654] : memref<139264xf32, #tpu.memory_space<vmem_shared>> -> memref<256xf32, #tpu.memory_space<vmem_shared>>
    tpu.enqueue_dma source(%dma_start3A_660 : memref<256xf32, #tpu.memory_space<vmem_shared>>) target(%dma_start3A_659 : memref<256xf32, #tpu.memory_space<vmem>>) target_semaphore(%arg11 : memref<!tpu.dma_semaphore, #tpu.memory_space<semaphore_mem>>)
    %add3A_661 = arith.constant 57344 : i32
    %add3A_662 = arith.addi %add3A_661, %mul3A_548 : i32
    %dma_start3A_663 = arith.constant 3584 : i32
    %dma_start3A_664 = tpu.memref_slice %arg9[%dma_start3A_663] : memref<4352xf32, #tpu.memory_space<vmem>> -> memref<256xf32, #tpu.memory_space<vmem>>
    %dma_start3A_665 = tpu.memref_slice %arg10[%add3A_662] : memref<139264xf32, #tpu.memory_space<vmem_shared>> -> memref<256xf32, #tpu.memory_space<vmem_shared>>
    %dma_start3A_666 = arith.constant 3584 : i32
    %dma_start3A_667 = tpu.memref_slice %arg9[%dma_start3A_666] : memref<4352xf32, #tpu.memory_space<vmem>> -> memref<256xf32, #tpu.memory_space<vmem>>
    %dma_start3A_668 = tpu.memref_slice %arg10[%add3A_662] : memref<139264xf32, #tpu.memory_space<vmem_shared>> -> memref<256xf32, #tpu.memory_space<vmem_shared>>
    tpu.enqueue_dma source(%dma_start3A_668 : memref<256xf32, #tpu.memory_space<vmem_shared>>) target(%dma_start3A_667 : memref<256xf32, #tpu.memory_space<vmem>>) target_semaphore(%arg11 : memref<!tpu.dma_semaphore, #tpu.memory_space<semaphore_mem>>)
    %add3A_669 = arith.constant 61440 : i32
    %add3A_670 = arith.addi %add3A_669, %mul3A_548 : i32
    %dma_start3A_671 = arith.constant 3840 : i32
    %dma_start3A_672 = tpu.memref_slice %arg9[%dma_start3A_671] : memref<4352xf32, #tpu.memory_space<vmem>> -> memref<256xf32, #tpu.memory_space<vmem>>
    %dma_start3A_673 = tpu.memref_slice %arg10[%add3A_670] : memref<139264xf32, #tpu.memory_space<vmem_shared>> -> memref<256xf32, #tpu.memory_space<vmem_shared>>
    %dma_start3A_674 = arith.constant 3840 : i32
    %dma_start3A_675 = tpu.memref_slice %arg9[%dma_start3A_674] : memref<4352xf32, #tpu.memory_space<vmem>> -> memref<256xf32, #tpu.memory_space<vmem>>
    %dma_start3A_676 = tpu.memref_slice %arg10[%add3A_670] : memref<139264xf32, #tpu.memory_space<vmem_shared>> -> memref<256xf32, #tpu.memory_space<vmem_shared>>
    tpu.enqueue_dma source(%dma_start3A_676 : memref<256xf32, #tpu.memory_space<vmem_shared>>) target(%dma_start3A_675 : memref<256xf32, #tpu.memory_space<vmem>>) target_semaphore(%arg11 : memref<!tpu.dma_semaphore, #tpu.memory_space<semaphore_mem>>)
    %mul3A_677 = arith.constant 16384 : i32
    %mul3A_678 = arith.muli %arg0, %mul3A_677 : i32
    %add3A_679 = arith.constant 8192 : i32
    %add3A_680 = arith.addi %mul3A_678, %add3A_679 : i32
    %add3A_681 = arith.addi %add3A_680, %mul3A_548 : i32
    "tpu.region"() ({
      %run_scoped3A = tpu.sem_alloc : memref<!tpu.dma_semaphore, #tpu.memory_space<semaphore_mem>>
      %dma_start3A_1046 = arith.constant 4096 : i32
      %dma_start3A_1047 = tpu.memref_slice %arg9[%dma_start3A_1046] : memref<4352xf32, #tpu.memory_space<vmem>> -> memref<256xf32, #tpu.memory_space<vmem>>
      %dma_start3A_1048 = tpu.memref_slice %arg4[%add3A_681] : memref<32768xf32, #tpu.memory_space<hbm>> -> memref<256xf32, #tpu.memory_space<hbm>>
      %dma_start3A_1049 = arith.constant 4096 : i32
      %dma_start3A_1050 = tpu.memref_slice %arg9[%dma_start3A_1049] : memref<4352xf32, #tpu.memory_space<vmem>> -> memref<256xf32, #tpu.memory_space<vmem>>
      %dma_start3A_1051 = tpu.memref_slice %arg4[%add3A_681] : memref<32768xf32, #tpu.memory_space<hbm>> -> memref<256xf32, #tpu.memory_space<hbm>>
      tpu.enqueue_dma source(%dma_start3A_1051 : memref<256xf32, #tpu.memory_space<hbm>>) target(%dma_start3A_1050 : memref<256xf32, #tpu.memory_space<vmem>>) target_semaphore(%run_scoped3A : memref<!tpu.dma_semaphore, #tpu.memory_space<semaphore_mem>>)
      %dma_wait3A_1052 = arith.constant 4096 : i32
      %dma_wait3A_1053 = tpu.memref_slice %arg9[%dma_wait3A_1052] : memref<4352xf32, #tpu.memory_space<vmem>> -> memref<256xf32, #tpu.memory_space<vmem>>
      %dma_wait3A_1054 = tpu.memref_slice %arg4[%add3A_681] : memref<32768xf32, #tpu.memory_space<hbm>> -> memref<256xf32, #tpu.memory_space<hbm>>
      %dma_wait3A_1055 = arith.constant 4096 : i32
      %dma_wait3A_1056 = tpu.memref_slice %arg9[%dma_wait3A_1055] : memref<4352xf32, #tpu.memory_space<vmem>> -> memref<256xf32, #tpu.memory_space<vmem>>
      %dma_wait3A_1057 = tpu.memref_slice %arg4[%add3A_681] : memref<32768xf32, #tpu.memory_space<hbm>> -> memref<256xf32, #tpu.memory_space<hbm>>
      tpu.wait_dma2 semaphore(%run_scoped3A : memref<!tpu.dma_semaphore, #tpu.memory_space<semaphore_mem>>) src(%dma_wait3A_1057 : memref<256xf32, #tpu.memory_space<hbm>>) dst(%dma_wait3A_1056 : memref<256xf32, #tpu.memory_space<vmem>>)
      tpu.yield
    }) : () -> ()
    %dma_wait3A_682 = arith.constant 0 : i32
    %dma_wait3A_683 = tpu.memref_slice %arg9[%dma_wait3A_682] : memref<4352xf32, #tpu.memory_space<vmem>> -> memref<256xf32, #tpu.memory_space<vmem>>
    %dma_wait3A_684 = tpu.memref_slice %arg10[%add3A_550] : memref<139264xf32, #tpu.memory_space<vmem_shared>> -> memref<256xf32, #tpu.memory_space<vmem_shared>>
    %dma_wait3A_685 = arith.constant 0 : i32
    %dma_wait3A_686 = tpu.memref_slice %arg9[%dma_wait3A_685] : memref<4352xf32, #tpu.memory_space<vmem>> -> memref<256xf32, #tpu.memory_space<vmem>>
    %dma_wait3A_687 = tpu.memref_slice %arg10[%add3A_550] : memref<139264xf32, #tpu.memory_space<vmem_shared>> -> memref<256xf32, #tpu.memory_space<vmem_shared>>
    tpu.wait_dma2 semaphore(%arg11 : memref<!tpu.dma_semaphore, #tpu.memory_space<semaphore_mem>>) src(%dma_wait3A_687 : memref<256xf32, #tpu.memory_space<vmem_shared>>) dst(%dma_wait3A_686 : memref<256xf32, #tpu.memory_space<vmem>>)
    %dma_wait3A_688 = arith.constant 256 : i32
    %dma_wait3A_689 = tpu.memref_slice %arg9[%dma_wait3A_688] : memref<4352xf32, #tpu.memory_space<vmem>> -> memref<256xf32, #tpu.memory_space<vmem>>
    %dma_wait3A_690 = tpu.memref_slice %arg10[%add3A_558] : memref<139264xf32, #tpu.memory_space<vmem_shared>> -> memref<256xf32, #tpu.memory_space<vmem_shared>>
    %dma_wait3A_691 = arith.constant 256 : i32
    %dma_wait3A_692 = tpu.memref_slice %arg9[%dma_wait3A_691] : memref<4352xf32, #tpu.memory_space<vmem>> -> memref<256xf32, #tpu.memory_space<vmem>>
    %dma_wait3A_693 = tpu.memref_slice %arg10[%add3A_558] : memref<139264xf32, #tpu.memory_space<vmem_shared>> -> memref<256xf32, #tpu.memory_space<vmem_shared>>
    tpu.wait_dma2 semaphore(%arg11 : memref<!tpu.dma_semaphore, #tpu.memory_space<semaphore_mem>>) src(%dma_wait3A_693 : memref<256xf32, #tpu.memory_space<vmem_shared>>) dst(%dma_wait3A_692 : memref<256xf32, #tpu.memory_space<vmem>>)
    %dma_wait3A_694 = arith.constant 512 : i32
    %dma_wait3A_695 = tpu.memref_slice %arg9[%dma_wait3A_694] : memref<4352xf32, #tpu.memory_space<vmem>> -> memref<256xf32, #tpu.memory_space<vmem>>
    %dma_wait3A_696 = tpu.memref_slice %arg10[%add3A_566] : memref<139264xf32, #tpu.memory_space<vmem_shared>> -> memref<256xf32, #tpu.memory_space<vmem_shared>>
    %dma_wait3A_697 = arith.constant 512 : i32
    %dma_wait3A_698 = tpu.memref_slice %arg9[%dma_wait3A_697] : memref<4352xf32, #tpu.memory_space<vmem>> -> memref<256xf32, #tpu.memory_space<vmem>>
    %dma_wait3A_699 = tpu.memref_slice %arg10[%add3A_566] : memref<139264xf32, #tpu.memory_space<vmem_shared>> -> memref<256xf32, #tpu.memory_space<vmem_shared>>
    tpu.wait_dma2 semaphore(%arg11 : memref<!tpu.dma_semaphore, #tpu.memory_space<semaphore_mem>>) src(%dma_wait3A_699 : memref<256xf32, #tpu.memory_space<vmem_shared>>) dst(%dma_wait3A_698 : memref<256xf32, #tpu.memory_space<vmem>>)
    %dma_wait3A_700 = arith.constant 768 : i32
    %dma_wait3A_701 = tpu.memref_slice %arg9[%dma_wait3A_700] : memref<4352xf32, #tpu.memory_space<vmem>> -> memref<256xf32, #tpu.memory_space<vmem>>
    %dma_wait3A_702 = tpu.memref_slice %arg10[%add3A_574] : memref<139264xf32, #tpu.memory_space<vmem_shared>> -> memref<256xf32, #tpu.memory_space<vmem_shared>>
    %dma_wait3A_703 = arith.constant 768 : i32
    %dma_wait3A_704 = tpu.memref_slice %arg9[%dma_wait3A_703] : memref<4352xf32, #tpu.memory_space<vmem>> -> memref<256xf32, #tpu.memory_space<vmem>>
    %dma_wait3A_705 = tpu.memref_slice %arg10[%add3A_574] : memref<139264xf32, #tpu.memory_space<vmem_shared>> -> memref<256xf32, #tpu.memory_space<vmem_shared>>
    tpu.wait_dma2 semaphore(%arg11 : memref<!tpu.dma_semaphore, #tpu.memory_space<semaphore_mem>>) src(%dma_wait3A_705 : memref<256xf32, #tpu.memory_space<vmem_shared>>) dst(%dma_wait3A_704 : memref<256xf32, #tpu.memory_space<vmem>>)
    %dma_wait3A_706 = arith.constant 1024 : i32
    %dma_wait3A_707 = tpu.memref_slice %arg9[%dma_wait3A_706] : memref<4352xf32, #tpu.memory_space<vmem>> -> memref<256xf32, #tpu.memory_space<vmem>>
    %dma_wait3A_708 = tpu.memref_slice %arg10[%add3A_582] : memref<139264xf32, #tpu.memory_space<vmem_shared>> -> memref<256xf32, #tpu.memory_space<vmem_shared>>
    %dma_wait3A_709 = arith.constant 1024 : i32
    %dma_wait3A_710 = tpu.memref_slice %arg9[%dma_wait3A_709] : memref<4352xf32, #tpu.memory_space<vmem>> -> memref<256xf32, #tpu.memory_space<vmem>>
    %dma_wait3A_711 = tpu.memref_slice %arg10[%add3A_582] : memref<139264xf32, #tpu.memory_space<vmem_shared>> -> memref<256xf32, #tpu.memory_space<vmem_shared>>
    tpu.wait_dma2 semaphore(%arg11 : memref<!tpu.dma_semaphore, #tpu.memory_space<semaphore_mem>>) src(%dma_wait3A_711 : memref<256xf32, #tpu.memory_space<vmem_shared>>) dst(%dma_wait3A_710 : memref<256xf32, #tpu.memory_space<vmem>>)
    %dma_wait3A_712 = arith.constant 1280 : i32
    %dma_wait3A_713 = tpu.memref_slice %arg9[%dma_wait3A_712] : memref<4352xf32, #tpu.memory_space<vmem>> -> memref<256xf32, #tpu.memory_space<vmem>>
    %dma_wait3A_714 = tpu.memref_slice %arg10[%add3A_590] : memref<139264xf32, #tpu.memory_space<vmem_shared>> -> memref<256xf32, #tpu.memory_space<vmem_shared>>
    %dma_wait3A_715 = arith.constant 1280 : i32
    %dma_wait3A_716 = tpu.memref_slice %arg9[%dma_wait3A_715] : memref<4352xf32, #tpu.memory_space<vmem>> -> memref<256xf32, #tpu.memory_space<vmem>>
    %dma_wait3A_717 = tpu.memref_slice %arg10[%add3A_590] : memref<139264xf32, #tpu.memory_space<vmem_shared>> -> memref<256xf32, #tpu.memory_space<vmem_shared>>
    tpu.wait_dma2 semaphore(%arg11 : memref<!tpu.dma_semaphore, #tpu.memory_space<semaphore_mem>>) src(%dma_wait3A_717 : memref<256xf32, #tpu.memory_space<vmem_shared>>) dst(%dma_wait3A_716 : memref<256xf32, #tpu.memory_space<vmem>>)
    %dma_wait3A_718 = arith.constant 1536 : i32
    %dma_wait3A_719 = tpu.memref_slice %arg9[%dma_wait3A_718] : memref<4352xf32, #tpu.memory_space<vmem>> -> memref<256xf32, #tpu.memory_space<vmem>>
    %dma_wait3A_720 = tpu.memref_slice %arg10[%add3A_598] : memref<139264xf32, #tpu.memory_space<vmem_shared>> -> memref<256xf32, #tpu.memory_space<vmem_shared>>
    %dma_wait3A_721 = arith.constant 1536 : i32
    %dma_wait3A_722 = tpu.memref_slice %arg9[%dma_wait3A_721] : memref<4352xf32, #tpu.memory_space<vmem>> -> memref<256xf32, #tpu.memory_space<vmem>>
    %dma_wait3A_723 = tpu.memref_slice %arg10[%add3A_598] : memref<139264xf32, #tpu.memory_space<vmem_shared>> -> memref<256xf32, #tpu.memory_space<vmem_shared>>
    tpu.wait_dma2 semaphore(%arg11 : memref<!tpu.dma_semaphore, #tpu.memory_space<semaphore_mem>>) src(%dma_wait3A_723 : memref<256xf32, #tpu.memory_space<vmem_shared>>) dst(%dma_wait3A_722 : memref<256xf32, #tpu.memory_space<vmem>>)
    %dma_wait3A_724 = arith.constant 1792 : i32
    %dma_wait3A_725 = tpu.memref_slice %arg9[%dma_wait3A_724] : memref<4352xf32, #tpu.memory_space<vmem>> -> memref<256xf32, #tpu.memory_space<vmem>>
    %dma_wait3A_726 = tpu.memref_slice %arg10[%add3A_606] : memref<139264xf32, #tpu.memory_space<vmem_shared>> -> memref<256xf32, #tpu.memory_space<vmem_shared>>
    %dma_wait3A_727 = arith.constant 1792 : i32
    %dma_wait3A_728 = tpu.memref_slice %arg9[%dma_wait3A_727] : memref<4352xf32, #tpu.memory_space<vmem>> -> memref<256xf32, #tpu.memory_space<vmem>>
    %dma_wait3A_729 = tpu.memref_slice %arg10[%add3A_606] : memref<139264xf32, #tpu.memory_space<vmem_shared>> -> memref<256xf32, #tpu.memory_space<vmem_shared>>
    tpu.wait_dma2 semaphore(%arg11 : memref<!tpu.dma_semaphore, #tpu.memory_space<semaphore_mem>>) src(%dma_wait3A_729 : memref<256xf32, #tpu.memory_space<vmem_shared>>) dst(%dma_wait3A_728 : memref<256xf32, #tpu.memory_space<vmem>>)
    %dma_wait3A_730 = arith.constant 2048 : i32
    %dma_wait3A_731 = tpu.memref_slice %arg9[%dma_wait3A_730] : memref<4352xf32, #tpu.memory_space<vmem>> -> memref<256xf32, #tpu.memory_space<vmem>>
    %dma_wait3A_732 = tpu.memref_slice %arg10[%add3A_614] : memref<139264xf32, #tpu.memory_space<vmem_shared>> -> memref<256xf32, #tpu.memory_space<vmem_shared>>
    %dma_wait3A_733 = arith.constant 2048 : i32
    %dma_wait3A_734 = tpu.memref_slice %arg9[%dma_wait3A_733] : memref<4352xf32, #tpu.memory_space<vmem>> -> memref<256xf32, #tpu.memory_space<vmem>>
    %dma_wait3A_735 = tpu.memref_slice %arg10[%add3A_614] : memref<139264xf32, #tpu.memory_space<vmem_shared>> -> memref<256xf32, #tpu.memory_space<vmem_shared>>
    tpu.wait_dma2 semaphore(%arg11 : memref<!tpu.dma_semaphore, #tpu.memory_space<semaphore_mem>>) src(%dma_wait3A_735 : memref<256xf32, #tpu.memory_space<vmem_shared>>) dst(%dma_wait3A_734 : memref<256xf32, #tpu.memory_space<vmem>>)
    %dma_wait3A_736 = arith.constant 2304 : i32
    %dma_wait3A_737 = tpu.memref_slice %arg9[%dma_wait3A_736] : memref<4352xf32, #tpu.memory_space<vmem>> -> memref<256xf32, #tpu.memory_space<vmem>>
    %dma_wait3A_738 = tpu.memref_slice %arg10[%add3A_622] : memref<139264xf32, #tpu.memory_space<vmem_shared>> -> memref<256xf32, #tpu.memory_space<vmem_shared>>
    %dma_wait3A_739 = arith.constant 2304 : i32
    %dma_wait3A_740 = tpu.memref_slice %arg9[%dma_wait3A_739] : memref<4352xf32, #tpu.memory_space<vmem>> -> memref<256xf32, #tpu.memory_space<vmem>>
    %dma_wait3A_741 = tpu.memref_slice %arg10[%add3A_622] : memref<139264xf32, #tpu.memory_space<vmem_shared>> -> memref<256xf32, #tpu.memory_space<vmem_shared>>
    tpu.wait_dma2 semaphore(%arg11 : memref<!tpu.dma_semaphore, #tpu.memory_space<semaphore_mem>>) src(%dma_wait3A_741 : memref<256xf32, #tpu.memory_space<vmem_shared>>) dst(%dma_wait3A_740 : memref<256xf32, #tpu.memory_space<vmem>>)
    %dma_wait3A_742 = arith.constant 2560 : i32
    %dma_wait3A_743 = tpu.memref_slice %arg9[%dma_wait3A_742] : memref<4352xf32, #tpu.memory_space<vmem>> -> memref<256xf32, #tpu.memory_space<vmem>>
    %dma_wait3A_744 = tpu.memref_slice %arg10[%add3A_630] : memref<139264xf32, #tpu.memory_space<vmem_shared>> -> memref<256xf32, #tpu.memory_space<vmem_shared>>
    %dma_wait3A_745 = arith.constant 2560 : i32
    %dma_wait3A_746 = tpu.memref_slice %arg9[%dma_wait3A_745] : memref<4352xf32, #tpu.memory_space<vmem>> -> memref<256xf32, #tpu.memory_space<vmem>>
    %dma_wait3A_747 = tpu.memref_slice %arg10[%add3A_630] : memref<139264xf32, #tpu.memory_space<vmem_shared>> -> memref<256xf32, #tpu.memory_space<vmem_shared>>
    tpu.wait_dma2 semaphore(%arg11 : memref<!tpu.dma_semaphore, #tpu.memory_space<semaphore_mem>>) src(%dma_wait3A_747 : memref<256xf32, #tpu.memory_space<vmem_shared>>) dst(%dma_wait3A_746 : memref<256xf32, #tpu.memory_space<vmem>>)
    %dma_wait3A_748 = arith.constant 2816 : i32
    %dma_wait3A_749 = tpu.memref_slice %arg9[%dma_wait3A_748] : memref<4352xf32, #tpu.memory_space<vmem>> -> memref<256xf32, #tpu.memory_space<vmem>>
    %dma_wait3A_750 = tpu.memref_slice %arg10[%add3A_638] : memref<139264xf32, #tpu.memory_space<vmem_shared>> -> memref<256xf32, #tpu.memory_space<vmem_shared>>
    %dma_wait3A_751 = arith.constant 2816 : i32
    %dma_wait3A_752 = tpu.memref_slice %arg9[%dma_wait3A_751] : memref<4352xf32, #tpu.memory_space<vmem>> -> memref<256xf32, #tpu.memory_space<vmem>>
    %dma_wait3A_753 = tpu.memref_slice %arg10[%add3A_638] : memref<139264xf32, #tpu.memory_space<vmem_shared>> -> memref<256xf32, #tpu.memory_space<vmem_shared>>
    tpu.wait_dma2 semaphore(%arg11 : memref<!tpu.dma_semaphore, #tpu.memory_space<semaphore_mem>>) src(%dma_wait3A_753 : memref<256xf32, #tpu.memory_space<vmem_shared>>) dst(%dma_wait3A_752 : memref<256xf32, #tpu.memory_space<vmem>>)
    %dma_wait3A_754 = arith.constant 3072 : i32
    %dma_wait3A_755 = tpu.memref_slice %arg9[%dma_wait3A_754] : memref<4352xf32, #tpu.memory_space<vmem>> -> memref<256xf32, #tpu.memory_space<vmem>>
    %dma_wait3A_756 = tpu.memref_slice %arg10[%add3A_646] : memref<139264xf32, #tpu.memory_space<vmem_shared>> -> memref<256xf32, #tpu.memory_space<vmem_shared>>
    %dma_wait3A_757 = arith.constant 3072 : i32
    %dma_wait3A_758 = tpu.memref_slice %arg9[%dma_wait3A_757] : memref<4352xf32, #tpu.memory_space<vmem>> -> memref<256xf32, #tpu.memory_space<vmem>>
    %dma_wait3A_759 = tpu.memref_slice %arg10[%add3A_646] : memref<139264xf32, #tpu.memory_space<vmem_shared>> -> memref<256xf32, #tpu.memory_space<vmem_shared>>
    tpu.wait_dma2 semaphore(%arg11 : memref<!tpu.dma_semaphore, #tpu.memory_space<semaphore_mem>>) src(%dma_wait3A_759 : memref<256xf32, #tpu.memory_space<vmem_shared>>) dst(%dma_wait3A_758 : memref<256xf32, #tpu.memory_space<vmem>>)
    %dma_wait3A_760 = arith.constant 3328 : i32
    %dma_wait3A_761 = tpu.memref_slice %arg9[%dma_wait3A_760] : memref<4352xf32, #tpu.memory_space<vmem>> -> memref<256xf32, #tpu.memory_space<vmem>>
    %dma_wait3A_762 = tpu.memref_slice %arg10[%add3A_654] : memref<139264xf32, #tpu.memory_space<vmem_shared>> -> memref<256xf32, #tpu.memory_space<vmem_shared>>
    %dma_wait3A_763 = arith.constant 3328 : i32
    %dma_wait3A_764 = tpu.memref_slice %arg9[%dma_wait3A_763] : memref<4352xf32, #tpu.memory_space<vmem>> -> memref<256xf32, #tpu.memory_space<vmem>>
    %dma_wait3A_765 = tpu.memref_slice %arg10[%add3A_654] : memref<139264xf32, #tpu.memory_space<vmem_shared>> -> memref<256xf32, #tpu.memory_space<vmem_shared>>
    tpu.wait_dma2 semaphore(%arg11 : memref<!tpu.dma_semaphore, #tpu.memory_space<semaphore_mem>>) src(%dma_wait3A_765 : memref<256xf32, #tpu.memory_space<vmem_shared>>) dst(%dma_wait3A_764 : memref<256xf32, #tpu.memory_space<vmem>>)
    %dma_wait3A_766 = arith.constant 3584 : i32
    %dma_wait3A_767 = tpu.memref_slice %arg9[%dma_wait3A_766] : memref<4352xf32, #tpu.memory_space<vmem>> -> memref<256xf32, #tpu.memory_space<vmem>>
    %dma_wait3A_768 = tpu.memref_slice %arg10[%add3A_662] : memref<139264xf32, #tpu.memory_space<vmem_shared>> -> memref<256xf32, #tpu.memory_space<vmem_shared>>
    %dma_wait3A_769 = arith.constant 3584 : i32
    %dma_wait3A_770 = tpu.memref_slice %arg9[%dma_wait3A_769] : memref<4352xf32, #tpu.memory_space<vmem>> -> memref<256xf32, #tpu.memory_space<vmem>>
    %dma_wait3A_771 = tpu.memref_slice %arg10[%add3A_662] : memref<139264xf32, #tpu.memory_space<vmem_shared>> -> memref<256xf32, #tpu.memory_space<vmem_shared>>
    tpu.wait_dma2 semaphore(%arg11 : memref<!tpu.dma_semaphore, #tpu.memory_space<semaphore_mem>>) src(%dma_wait3A_771 : memref<256xf32, #tpu.memory_space<vmem_shared>>) dst(%dma_wait3A_770 : memref<256xf32, #tpu.memory_space<vmem>>)
    %dma_wait3A_772 = arith.constant 3840 : i32
    %dma_wait3A_773 = tpu.memref_slice %arg9[%dma_wait3A_772] : memref<4352xf32, #tpu.memory_space<vmem>> -> memref<256xf32, #tpu.memory_space<vmem>>
    %dma_wait3A_774 = tpu.memref_slice %arg10[%add3A_670] : memref<139264xf32, #tpu.memory_space<vmem_shared>> -> memref<256xf32, #tpu.memory_space<vmem_shared>>
    %dma_wait3A_775 = arith.constant 3840 : i32
    %dma_wait3A_776 = tpu.memref_slice %arg9[%dma_wait3A_775] : memref<4352xf32, #tpu.memory_space<vmem>> -> memref<256xf32, #tpu.memory_space<vmem>>
    %dma_wait3A_777 = tpu.memref_slice %arg10[%add3A_670] : memref<139264xf32, #tpu.memory_space<vmem_shared>> -> memref<256xf32, #tpu.memory_space<vmem_shared>>
    tpu.wait_dma2 semaphore(%arg11 : memref<!tpu.dma_semaphore, #tpu.memory_space<semaphore_mem>>) src(%dma_wait3A_777 : memref<256xf32, #tpu.memory_space<vmem_shared>>) dst(%dma_wait3A_776 : memref<256xf32, #tpu.memory_space<vmem>>)
    %scan3A_778 = arith.constant 0 : i32
    %scan3A_779 = arith.constant 0 : i32
    %scan3A_780 = arith.constant 16 : i32
    %scan3A_781 = arith.addi %scan3A_779, %scan3A_780 : i32
    %scan3A_782 = arith.constant 1 : i32
    scf.for %scan3A_1046 = %scan3A_779 to %scan3A_781 step %scan3A_782  : i32 {
      %mul3A_1047 = arith.constant 16 : i32
      %mul3A_1048 = arith.muli %scan3A_1046, %mul3A_1047 : i32
      %add3A_1049 = arith.constant 4096 : i32
      %add3A_1050 = arith.addi %add3A_1049, %mul3A_1048 : i32
      %get3A = arith.index_cast %add3A_1050 : i32 to index
      %get3A_1051 = tpu.vector_load %arg9[%get3A] {strides = array<i32>} : memref<4352xf32, #tpu.memory_space<vmem>>, vector<16xf32>,
      %mul3A_1052 = arith.constant 16 : i32
      %mul3A_1053 = arith.muli %scan3A_1046, %mul3A_1052 : i32
      %add3A_1054 = arith.constant 0 : i32
      %add3A_1055 = arith.addi %add3A_1054, %mul3A_1053 : i32
      %get3A_1056 = arith.index_cast %add3A_1055 : i32 to index
      %get3A_1057 = tpu.vector_load %arg9[%get3A_1056] {strides = array<i32>} : memref<4352xf32, #tpu.memory_space<vmem>>, vector<16xf32>,
      %mul3A_1058 = arith.constant 16 : i32
      %mul3A_1059 = arith.muli %scan3A_1046, %mul3A_1058 : i32
      %add3A_1060 = arith.constant 256 : i32
      %add3A_1061 = arith.addi %add3A_1060, %mul3A_1059 : i32
      %get3A_1062 = arith.index_cast %add3A_1061 : i32 to index
      %get3A_1063 = tpu.vector_load %arg9[%get3A_1062] {strides = array<i32>} : memref<4352xf32, #tpu.memory_space<vmem>>, vector<16xf32>,
      %mul3A_1064 = arith.mulf %get3A_1057, %get3A_1063 : vector<16xf32>
      %add3A_1065 = arith.addf %get3A_1051, %mul3A_1064 : vector<16xf32>
      %mul3A_1066 = arith.constant 16 : i32
      %mul3A_1067 = arith.muli %scan3A_1046, %mul3A_1066 : i32
      %add3A_1068 = arith.constant 512 : i32
      %add3A_1069 = arith.addi %add3A_1068, %mul3A_1067 : i32
      %get3A_1070 = arith.index_cast %add3A_1069 : i32 to index
      %get3A_1071 = tpu.vector_load %arg9[%get3A_1070] {strides = array<i32>} : memref<4352xf32, #tpu.memory_space<vmem>>, vector<16xf32>,
      %mul3A_1072 = arith.constant 16 : i32
      %mul3A_1073 = arith.muli %scan3A_1046, %mul3A_1072 : i32
      %add3A_1074 = arith.constant 768 : i32
      %add3A_1075 = arith.addi %add3A_1074, %mul3A_1073 : i32
      %get3A_1076 = arith.index_cast %add3A_1075 : i32 to index
      %get3A_1077 = tpu.vector_load %arg9[%get3A_1076] {strides = array<i32>} : memref<4352xf32, #tpu.memory_space<vmem>>, vector<16xf32>,
      %mul3A_1078 = arith.mulf %get3A_1071, %get3A_1077 : vector<16xf32>
      %add3A_1079 = arith.addf %add3A_1065, %mul3A_1078 : vector<16xf32>
      %mul3A_1080 = arith.constant 16 : i32
      %mul3A_1081 = arith.muli %scan3A_1046, %mul3A_1080 : i32
      %add3A_1082 = arith.constant 1024 : i32
      %add3A_1083 = arith.addi %add3A_1082, %mul3A_1081 : i32
      %get3A_1084 = arith.index_cast %add3A_1083 : i32 to index
      %get3A_1085 = tpu.vector_load %arg9[%get3A_1084] {strides = array<i32>} : memref<4352xf32, #tpu.memory_space<vmem>>, vector<16xf32>,
      %mul3A_1086 = arith.constant 16 : i32
      %mul3A_1087 = arith.muli %scan3A_1046, %mul3A_1086 : i32
      %add3A_1088 = arith.constant 1280 : i32
      %add3A_1089 = arith.addi %add3A_1088, %mul3A_1087 : i32
      %get3A_1090 = arith.index_cast %add3A_1089 : i32 to index
      %get3A_1091 = tpu.vector_load %arg9[%get3A_1090] {strides = array<i32>} : memref<4352xf32, #tpu.memory_space<vmem>>, vector<16xf32>,
      %mul3A_1092 = arith.mulf %get3A_1085, %get3A_1091 : vector<16xf32>
      %add3A_1093 = arith.addf %add3A_1079, %mul3A_1092 : vector<16xf32>
      %mul3A_1094 = arith.constant 16 : i32
      %mul3A_1095 = arith.muli %scan3A_1046, %mul3A_1094 : i32
      %add3A_1096 = arith.constant 1536 : i32
      %add3A_1097 = arith.addi %add3A_1096, %mul3A_1095 : i32
      %get3A_1098 = arith.index_cast %add3A_1097 : i32 to index
      %get3A_1099 = tpu.vector_load %arg9[%get3A_1098] {strides = array<i32>} : memref<4352xf32, #tpu.memory_space<vmem>>, vector<16xf32>,
      %mul3A_1100 = arith.constant 16 : i32
      %mul3A_1101 = arith.muli %scan3A_1046, %mul3A_1100 : i32
      %add3A_1102 = arith.constant 1792 : i32
      %add3A_1103 = arith.addi %add3A_1102, %mul3A_1101 : i32
      %get3A_1104 = arith.index_cast %add3A_1103 : i32 to index
      %get3A_1105 = tpu.vector_load %arg9[%get3A_1104] {strides = array<i32>} : memref<4352xf32, #tpu.memory_space<vmem>>, vector<16xf32>,
      %mul3A_1106 = arith.mulf %get3A_1099, %get3A_1105 : vector<16xf32>
      %add3A_1107 = arith.addf %add3A_1093, %mul3A_1106 : vector<16xf32>
      %mul3A_1108 = arith.constant 16 : i32
      %mul3A_1109 = arith.muli %scan3A_1046, %mul3A_1108 : i32
      %add3A_1110 = arith.constant 2048 : i32
      %add3A_1111 = arith.addi %add3A_1110, %mul3A_1109 : i32
      %get3A_1112 = arith.index_cast %add3A_1111 : i32 to index
      %get3A_1113 = tpu.vector_load %arg9[%get3A_1112] {strides = array<i32>} : memref<4352xf32, #tpu.memory_space<vmem>>, vector<16xf32>,
      %mul3A_1114 = arith.constant 16 : i32
      %mul3A_1115 = arith.muli %scan3A_1046, %mul3A_1114 : i32
      %add3A_1116 = arith.constant 2304 : i32
      %add3A_1117 = arith.addi %add3A_1116, %mul3A_1115 : i32
      %get3A_1118 = arith.index_cast %add3A_1117 : i32 to index
      %get3A_1119 = tpu.vector_load %arg9[%get3A_1118] {strides = array<i32>} : memref<4352xf32, #tpu.memory_space<vmem>>, vector<16xf32>,
      %mul3A_1120 = arith.mulf %get3A_1113, %get3A_1119 : vector<16xf32>
      %add3A_1121 = arith.addf %add3A_1107, %mul3A_1120 : vector<16xf32>
      %mul3A_1122 = arith.constant 16 : i32
      %mul3A_1123 = arith.muli %scan3A_1046, %mul3A_1122 : i32
      %add3A_1124 = arith.constant 2560 : i32
      %add3A_1125 = arith.addi %add3A_1124, %mul3A_1123 : i32
      %get3A_1126 = arith.index_cast %add3A_1125 : i32 to index
      %get3A_1127 = tpu.vector_load %arg9[%get3A_1126] {strides = array<i32>} : memref<4352xf32, #tpu.memory_space<vmem>>, vector<16xf32>,
      %mul3A_1128 = arith.constant 16 : i32
      %mul3A_1129 = arith.muli %scan3A_1046, %mul3A_1128 : i32
      %add3A_1130 = arith.constant 2816 : i32
      %add3A_1131 = arith.addi %add3A_1130, %mul3A_1129 : i32
      %get3A_1132 = arith.index_cast %add3A_1131 : i32 to index
      %get3A_1133 = tpu.vector_load %arg9[%get3A_1132] {strides = array<i32>} : memref<4352xf32, #tpu.memory_space<vmem>>, vector<16xf32>,
      %mul3A_1134 = arith.mulf %get3A_1127, %get3A_1133 : vector<16xf32>
      %add3A_1135 = arith.addf %add3A_1121, %mul3A_1134 : vector<16xf32>
      %mul3A_1136 = arith.constant 16 : i32
      %mul3A_1137 = arith.muli %scan3A_1046, %mul3A_1136 : i32
      %add3A_1138 = arith.constant 3072 : i32
      %add3A_1139 = arith.addi %add3A_1138, %mul3A_1137 : i32
      %get3A_1140 = arith.index_cast %add3A_1139 : i32 to index
      %get3A_1141 = tpu.vector_load %arg9[%get3A_1140] {strides = array<i32>} : memref<4352xf32, #tpu.memory_space<vmem>>, vector<16xf32>,
      %mul3A_1142 = arith.constant 16 : i32
      %mul3A_1143 = arith.muli %scan3A_1046, %mul3A_1142 : i32
      %add3A_1144 = arith.constant 3328 : i32
      %add3A_1145 = arith.addi %add3A_1144, %mul3A_1143 : i32
      %get3A_1146 = arith.index_cast %add3A_1145 : i32 to index
      %get3A_1147 = tpu.vector_load %arg9[%get3A_1146] {strides = array<i32>} : memref<4352xf32, #tpu.memory_space<vmem>>, vector<16xf32>,
      %mul3A_1148 = arith.mulf %get3A_1141, %get3A_1147 : vector<16xf32>
      %add3A_1149 = arith.addf %add3A_1135, %mul3A_1148 : vector<16xf32>
      %mul3A_1150 = arith.constant 16 : i32
      %mul3A_1151 = arith.muli %scan3A_1046, %mul3A_1150 : i32
      %add3A_1152 = arith.constant 3584 : i32
      %add3A_1153 = arith.addi %add3A_1152, %mul3A_1151 : i32
      %get3A_1154 = arith.index_cast %add3A_1153 : i32 to index
      %get3A_1155 = tpu.vector_load %arg9[%get3A_1154] {strides = array<i32>} : memref<4352xf32, #tpu.memory_space<vmem>>, vector<16xf32>,
      %mul3A_1156 = arith.constant 16 : i32
      %mul3A_1157 = arith.muli %scan3A_1046, %mul3A_1156 : i32
      %add3A_1158 = arith.constant 3840 : i32
      %add3A_1159 = arith.addi %add3A_1158, %mul3A_1157 : i32
      %get3A_1160 = arith.index_cast %add3A_1159 : i32 to index
      %get3A_1161 = tpu.vector_load %arg9[%get3A_1160] {strides = array<i32>} : memref<4352xf32, #tpu.memory_space<vmem>>, vector<16xf32>,
      %mul3A_1162 = arith.mulf %get3A_1155, %get3A_1161 : vector<16xf32>
      %add3A_1163 = arith.addf %add3A_1149, %mul3A_1162 : vector<16xf32>
      %mul3A_1164 = arith.constant 16 : i32
      %mul3A_1165 = arith.muli %scan3A_1046, %mul3A_1164 : i32
      %add3A_1166 = arith.constant 4096 : i32
      %add3A_1167 = arith.addi %add3A_1166, %mul3A_1165 : i32
      %swap3A = arith.index_cast %add3A_1167 : i32 to index
      %swap3A_1168 = tpu.vector_load %arg9[%swap3A] {strides = array<i32>} : memref<4352xf32, #tpu.memory_space<vmem>>, vector<16xf32>,
      tpu.vector_store %arg9[%swap3A], %add3A_1163 {strides = array<i32>} : memref<4352xf32, #tpu.memory_space<vmem>>, vector<16xf32>,
    }
    %scan3A_783 = arith.constant 16 : i32
    %mul3A_784 = arith.constant 16384 : i32
    %mul3A_785 = arith.muli %arg0, %mul3A_784 : i32
    %add3A_786 = arith.constant 8192 : i32
    %add3A_787 = arith.addi %mul3A_785, %add3A_786 : i32
    %add3A_788 = arith.addi %add3A_787, %mul3A_548 : i32
    "tpu.region"() ({
      %run_scoped3A = tpu.sem_alloc : memref<!tpu.dma_semaphore, #tpu.memory_space<semaphore_mem>>
      %dma_start3A_1046 = arith.constant 4096 : i32
      %dma_start3A_1047 = tpu.memref_slice %arg9[%dma_start3A_1046] : memref<4352xf32, #tpu.memory_space<vmem>> -> memref<256xf32, #tpu.memory_space<vmem>>
      %dma_start3A_1048 = tpu.memref_slice %arg5[%add3A_788] : memref<32768xf32, #tpu.memory_space<hbm>> -> memref<256xf32, #tpu.memory_space<hbm>>
      %dma_start3A_1049 = tpu.memref_slice %arg5[%add3A_788] : memref<32768xf32, #tpu.memory_space<hbm>> -> memref<256xf32, #tpu.memory_space<hbm>>
      %dma_start3A_1050 = arith.constant 4096 : i32
      %dma_start3A_1051 = tpu.memref_slice %arg9[%dma_start3A_1050] : memref<4352xf32, #tpu.memory_space<vmem>> -> memref<256xf32, #tpu.memory_space<vmem>>
      tpu.enqueue_dma source(%dma_start3A_1051 : memref<256xf32, #tpu.memory_space<vmem>>) target(%dma_start3A_1049 : memref<256xf32, #tpu.memory_space<hbm>>) target_semaphore(%run_scoped3A : memref<!tpu.dma_semaphore, #tpu.memory_space<semaphore_mem>>)
      %dma_wait3A_1052 = arith.constant 4096 : i32
      %dma_wait3A_1053 = tpu.memref_slice %arg9[%dma_wait3A_1052] : memref<4352xf32, #tpu.memory_space<vmem>> -> memref<256xf32, #tpu.memory_space<vmem>>
      %dma_wait3A_1054 = tpu.memref_slice %arg5[%add3A_788] : memref<32768xf32, #tpu.memory_space<hbm>> -> memref<256xf32, #tpu.memory_space<hbm>>
      %dma_wait3A_1055 = tpu.memref_slice %arg5[%add3A_788] : memref<32768xf32, #tpu.memory_space<hbm>> -> memref<256xf32, #tpu.memory_space<hbm>>
      %dma_wait3A_1056 = arith.constant 4096 : i32
      %dma_wait3A_1057 = tpu.memref_slice %arg9[%dma_wait3A_1056] : memref<4352xf32, #tpu.memory_space<vmem>> -> memref<256xf32, #tpu.memory_space<vmem>>
      tpu.wait_dma2 semaphore(%run_scoped3A : memref<!tpu.dma_semaphore, #tpu.memory_space<semaphore_mem>>) src(%dma_wait3A_1057 : memref<256xf32, #tpu.memory_space<vmem>>) dst(%dma_wait3A_1055 : memref<256xf32, #tpu.memory_space<hbm>>)
      tpu.yield
    }) : () -> ()
    %mul3A_789 = arith.constant 16384 : i32
    %mul3A_790 = arith.muli %rem3A_0, %mul3A_789 : i32
    %add3A_791 = arith.constant 12288 : i32
    %add3A_792 = arith.addi %mul3A_790, %add3A_791 : i32
    "tpu.region"() ({
      %run_scoped3A = tpu.sem_alloc : memref<!tpu.dma_semaphore, #tpu.memory_space<semaphore_mem>>
      %dma_start3A_1046 = tpu.memref_slice %arg2[%add3A_792] : memref<32768xi32, #tpu.memory_space<hbm>> -> memref<4096xi32, #tpu.memory_space<hbm>>
      %dma_start3A_1047 = tpu.memref_slice %arg2[%add3A_792] : memref<32768xi32, #tpu.memory_space<hbm>> -> memref<4096xi32, #tpu.memory_space<hbm>>
      tpu.enqueue_dma source(%dma_start3A_1047 : memref<4096xi32, #tpu.memory_space<hbm>>) target(%arg7 : memref<4096xi32, #tpu.memory_space<vmem>>) target_semaphore(%run_scoped3A : memref<!tpu.dma_semaphore, #tpu.memory_space<semaphore_mem>>)
      %dma_wait3A_1048 = tpu.memref_slice %arg2[%add3A_792] : memref<32768xi32, #tpu.memory_space<hbm>> -> memref<4096xi32, #tpu.memory_space<hbm>>
      %dma_wait3A_1049 = tpu.memref_slice %arg2[%add3A_792] : memref<32768xi32, #tpu.memory_space<hbm>> -> memref<4096xi32, #tpu.memory_space<hbm>>
      tpu.wait_dma2 semaphore(%run_scoped3A : memref<!tpu.dma_semaphore, #tpu.memory_space<semaphore_mem>>) src(%dma_wait3A_1049 : memref<4096xi32, #tpu.memory_space<hbm>>) dst(%arg7 : memref<4096xi32, #tpu.memory_space<vmem>>)
      tpu.yield
    }) : () -> ()
    %scan3A_793 = arith.constant 0 : i32
    %scan3A_794 = arith.constant 0 : i32
    %scan3A_795 = arith.constant 256 : i32
    %scan3A_796 = arith.addi %scan3A_794, %scan3A_795 : i32
    %scan3A_797 = arith.constant 1 : i32
    scf.for %scan3A_1046 = %scan3A_794 to %scan3A_796 step %scan3A_797  : i32 {
      %mul3A_1047 = arith.constant 16 : i32
      %mul3A_1048 = arith.muli %scan3A_1046, %mul3A_1047 : i32
      %get3A = arith.index_cast %mul3A_1048 : i32 to index
      %get3A_1049 = tpu.vector_load %arg7[%get3A] {strides = array<i32>} : memref<4096xi32, #tpu.memory_space<vmem>>, vector<16xi32>,
      %gather3A = tpu.vector_load_idx %arg6[%get3A_1049] : memref<100000xf32, #tpu.memory_space<vmem>>[vector<16xi32>], vector<16xf32>,
      %mul3A_1050 = arith.constant 16 : i32
      %mul3A_1051 = arith.muli %scan3A_1046, %mul3A_1050 : i32
      %swap3A = arith.index_cast %mul3A_1051 : i32 to index
      %swap3A_1052 = tpu.vector_load %arg8[%swap3A] {strides = array<i32>} : memref<4096xf32, #tpu.memory_space<vmem>>, vector<16xf32>,
      tpu.vector_store %arg8[%swap3A], %gather3A {strides = array<i32>} : memref<4096xf32, #tpu.memory_space<vmem>>, vector<16xf32>,
    }
    %scan3A_798 = arith.constant 256 : i32
    %mul3A_799 = arith.constant 4096 : i32
    %mul3A_800 = arith.muli %arg1, %mul3A_799 : i32
    %add3A_801 = arith.constant 69632 : i32
    %add3A_802 = arith.addi %add3A_801, %mul3A_800 : i32
    "tpu.region"() ({
      %run_scoped3A = tpu.sem_alloc : memref<!tpu.dma_semaphore, #tpu.memory_space<semaphore_mem>>
      %dma_start3A_1046 = tpu.memref_slice %arg10[%add3A_802] : memref<139264xf32, #tpu.memory_space<vmem_shared>> -> memref<4096xf32, #tpu.memory_space<vmem_shared>>
      %dma_start3A_1047 = tpu.memref_slice %arg10[%add3A_802] : memref<139264xf32, #tpu.memory_space<vmem_shared>> -> memref<4096xf32, #tpu.memory_space<vmem_shared>>
      tpu.enqueue_dma source(%arg8 : memref<4096xf32, #tpu.memory_space<vmem>>) target(%dma_start3A_1047 : memref<4096xf32, #tpu.memory_space<vmem_shared>>) target_semaphore(%run_scoped3A : memref<!tpu.dma_semaphore, #tpu.memory_space<semaphore_mem>>)
      %dma_wait3A_1048 = tpu.memref_slice %arg10[%add3A_802] : memref<139264xf32, #tpu.memory_space<vmem_shared>> -> memref<4096xf32, #tpu.memory_space<vmem_shared>>
      %dma_wait3A_1049 = tpu.memref_slice %arg10[%add3A_802] : memref<139264xf32, #tpu.memory_space<vmem_shared>> -> memref<4096xf32, #tpu.memory_space<vmem_shared>>
      tpu.wait_dma2 semaphore(%run_scoped3A : memref<!tpu.dma_semaphore, #tpu.memory_space<semaphore_mem>>) src(%arg8 : memref<4096xf32, #tpu.memory_space<vmem>>) dst(%dma_wait3A_1049 : memref<4096xf32, #tpu.memory_space<vmem_shared>>)
      tpu.yield
    }) : () -> ()
    %barrier3A_803 = arith.constant 0 : index
    tpu.barrier barrier_id(%barrier3A_803)
    %mul3A_804 = arith.constant 256 : i32
    %mul3A_805 = arith.muli %arg1, %mul3A_804 : i32
    %add3A_806 = arith.constant 69632 : i32
    %add3A_807 = arith.addi %add3A_806, %mul3A_805 : i32
    %dma_start3A_808 = arith.constant 0 : i32
    %dma_start3A_809 = tpu.memref_slice %arg9[%dma_start3A_808] : memref<4352xf32, #tpu.memory_space<vmem>> -> memref<256xf32, #tpu.memory_space<vmem>>
    %dma_start3A_810 = tpu.memref_slice %arg10[%add3A_807] : memref<139264xf32, #tpu.memory_space<vmem_shared>> -> memref<256xf32, #tpu.memory_space<vmem_shared>>
    %dma_start3A_811 = arith.constant 0 : i32
    %dma_start3A_812 = tpu.memref_slice %arg9[%dma_start3A_811] : memref<4352xf32, #tpu.memory_space<vmem>> -> memref<256xf32, #tpu.memory_space<vmem>>
    %dma_start3A_813 = tpu.memref_slice %arg10[%add3A_807] : memref<139264xf32, #tpu.memory_space<vmem_shared>> -> memref<256xf32, #tpu.memory_space<vmem_shared>>
    tpu.enqueue_dma source(%dma_start3A_813 : memref<256xf32, #tpu.memory_space<vmem_shared>>) target(%dma_start3A_812 : memref<256xf32, #tpu.memory_space<vmem>>) target_semaphore(%arg11 : memref<!tpu.dma_semaphore, #tpu.memory_space<semaphore_mem>>)
    %add3A_814 = arith.constant 73728 : i32
    %add3A_815 = arith.addi %add3A_814, %mul3A_805 : i32
    %dma_start3A_816 = arith.constant 256 : i32
    %dma_start3A_817 = tpu.memref_slice %arg9[%dma_start3A_816] : memref<4352xf32, #tpu.memory_space<vmem>> -> memref<256xf32, #tpu.memory_space<vmem>>
    %dma_start3A_818 = tpu.memref_slice %arg10[%add3A_815] : memref<139264xf32, #tpu.memory_space<vmem_shared>> -> memref<256xf32, #tpu.memory_space<vmem_shared>>
    %dma_start3A_819 = arith.constant 256 : i32
    %dma_start3A_820 = tpu.memref_slice %arg9[%dma_start3A_819] : memref<4352xf32, #tpu.memory_space<vmem>> -> memref<256xf32, #tpu.memory_space<vmem>>
    %dma_start3A_821 = tpu.memref_slice %arg10[%add3A_815] : memref<139264xf32, #tpu.memory_space<vmem_shared>> -> memref<256xf32, #tpu.memory_space<vmem_shared>>
    tpu.enqueue_dma source(%dma_start3A_821 : memref<256xf32, #tpu.memory_space<vmem_shared>>) target(%dma_start3A_820 : memref<256xf32, #tpu.memory_space<vmem>>) target_semaphore(%arg11 : memref<!tpu.dma_semaphore, #tpu.memory_space<semaphore_mem>>)
    %add3A_822 = arith.constant 77824 : i32
    %add3A_823 = arith.addi %add3A_822, %mul3A_805 : i32
    %dma_start3A_824 = arith.constant 512 : i32
    %dma_start3A_825 = tpu.memref_slice %arg9[%dma_start3A_824] : memref<4352xf32, #tpu.memory_space<vmem>> -> memref<256xf32, #tpu.memory_space<vmem>>
    %dma_start3A_826 = tpu.memref_slice %arg10[%add3A_823] : memref<139264xf32, #tpu.memory_space<vmem_shared>> -> memref<256xf32, #tpu.memory_space<vmem_shared>>
    %dma_start3A_827 = arith.constant 512 : i32
    %dma_start3A_828 = tpu.memref_slice %arg9[%dma_start3A_827] : memref<4352xf32, #tpu.memory_space<vmem>> -> memref<256xf32, #tpu.memory_space<vmem>>
    %dma_start3A_829 = tpu.memref_slice %arg10[%add3A_823] : memref<139264xf32, #tpu.memory_space<vmem_shared>> -> memref<256xf32, #tpu.memory_space<vmem_shared>>
    tpu.enqueue_dma source(%dma_start3A_829 : memref<256xf32, #tpu.memory_space<vmem_shared>>) target(%dma_start3A_828 : memref<256xf32, #tpu.memory_space<vmem>>) target_semaphore(%arg11 : memref<!tpu.dma_semaphore, #tpu.memory_space<semaphore_mem>>)
    %add3A_830 = arith.constant 81920 : i32
    %add3A_831 = arith.addi %add3A_830, %mul3A_805 : i32
    %dma_start3A_832 = arith.constant 768 : i32
    %dma_start3A_833 = tpu.memref_slice %arg9[%dma_start3A_832] : memref<4352xf32, #tpu.memory_space<vmem>> -> memref<256xf32, #tpu.memory_space<vmem>>
    %dma_start3A_834 = tpu.memref_slice %arg10[%add3A_831] : memref<139264xf32, #tpu.memory_space<vmem_shared>> -> memref<256xf32, #tpu.memory_space<vmem_shared>>
    %dma_start3A_835 = arith.constant 768 : i32
    %dma_start3A_836 = tpu.memref_slice %arg9[%dma_start3A_835] : memref<4352xf32, #tpu.memory_space<vmem>> -> memref<256xf32, #tpu.memory_space<vmem>>
    %dma_start3A_837 = tpu.memref_slice %arg10[%add3A_831] : memref<139264xf32, #tpu.memory_space<vmem_shared>> -> memref<256xf32, #tpu.memory_space<vmem_shared>>
    tpu.enqueue_dma source(%dma_start3A_837 : memref<256xf32, #tpu.memory_space<vmem_shared>>) target(%dma_start3A_836 : memref<256xf32, #tpu.memory_space<vmem>>) target_semaphore(%arg11 : memref<!tpu.dma_semaphore, #tpu.memory_space<semaphore_mem>>)
    %add3A_838 = arith.constant 86016 : i32
    %add3A_839 = arith.addi %add3A_838, %mul3A_805 : i32
    %dma_start3A_840 = arith.constant 1024 : i32
    %dma_start3A_841 = tpu.memref_slice %arg9[%dma_start3A_840] : memref<4352xf32, #tpu.memory_space<vmem>> -> memref<256xf32, #tpu.memory_space<vmem>>
    %dma_start3A_842 = tpu.memref_slice %arg10[%add3A_839] : memref<139264xf32, #tpu.memory_space<vmem_shared>> -> memref<256xf32, #tpu.memory_space<vmem_shared>>
    %dma_start3A_843 = arith.constant 1024 : i32
    %dma_start3A_844 = tpu.memref_slice %arg9[%dma_start3A_843] : memref<4352xf32, #tpu.memory_space<vmem>> -> memref<256xf32, #tpu.memory_space<vmem>>
    %dma_start3A_845 = tpu.memref_slice %arg10[%add3A_839] : memref<139264xf32, #tpu.memory_space<vmem_shared>> -> memref<256xf32, #tpu.memory_space<vmem_shared>>
    tpu.enqueue_dma source(%dma_start3A_845 : memref<256xf32, #tpu.memory_space<vmem_shared>>) target(%dma_start3A_844 : memref<256xf32, #tpu.memory_space<vmem>>) target_semaphore(%arg11 : memref<!tpu.dma_semaphore, #tpu.memory_space<semaphore_mem>>)
    %add3A_846 = arith.constant 90112 : i32
    %add3A_847 = arith.addi %add3A_846, %mul3A_805 : i32
    %dma_start3A_848 = arith.constant 1280 : i32
    %dma_start3A_849 = tpu.memref_slice %arg9[%dma_start3A_848] : memref<4352xf32, #tpu.memory_space<vmem>> -> memref<256xf32, #tpu.memory_space<vmem>>
    %dma_start3A_850 = tpu.memref_slice %arg10[%add3A_847] : memref<139264xf32, #tpu.memory_space<vmem_shared>> -> memref<256xf32, #tpu.memory_space<vmem_shared>>
    %dma_start3A_851 = arith.constant 1280 : i32
    %dma_start3A_852 = tpu.memref_slice %arg9[%dma_start3A_851] : memref<4352xf32, #tpu.memory_space<vmem>> -> memref<256xf32, #tpu.memory_space<vmem>>
    %dma_start3A_853 = tpu.memref_slice %arg10[%add3A_847] : memref<139264xf32, #tpu.memory_space<vmem_shared>> -> memref<256xf32, #tpu.memory_space<vmem_shared>>
    tpu.enqueue_dma source(%dma_start3A_853 : memref<256xf32, #tpu.memory_space<vmem_shared>>) target(%dma_start3A_852 : memref<256xf32, #tpu.memory_space<vmem>>) target_semaphore(%arg11 : memref<!tpu.dma_semaphore, #tpu.memory_space<semaphore_mem>>)
    %add3A_854 = arith.constant 94208 : i32
    %add3A_855 = arith.addi %add3A_854, %mul3A_805 : i32
    %dma_start3A_856 = arith.constant 1536 : i32
    %dma_start3A_857 = tpu.memref_slice %arg9[%dma_start3A_856] : memref<4352xf32, #tpu.memory_space<vmem>> -> memref<256xf32, #tpu.memory_space<vmem>>
    %dma_start3A_858 = tpu.memref_slice %arg10[%add3A_855] : memref<139264xf32, #tpu.memory_space<vmem_shared>> -> memref<256xf32, #tpu.memory_space<vmem_shared>>
    %dma_start3A_859 = arith.constant 1536 : i32
    %dma_start3A_860 = tpu.memref_slice %arg9[%dma_start3A_859] : memref<4352xf32, #tpu.memory_space<vmem>> -> memref<256xf32, #tpu.memory_space<vmem>>
    %dma_start3A_861 = tpu.memref_slice %arg10[%add3A_855] : memref<139264xf32, #tpu.memory_space<vmem_shared>> -> memref<256xf32, #tpu.memory_space<vmem_shared>>
    tpu.enqueue_dma source(%dma_start3A_861 : memref<256xf32, #tpu.memory_space<vmem_shared>>) target(%dma_start3A_860 : memref<256xf32, #tpu.memory_space<vmem>>) target_semaphore(%arg11 : memref<!tpu.dma_semaphore, #tpu.memory_space<semaphore_mem>>)
    %add3A_862 = arith.constant 98304 : i32
    %add3A_863 = arith.addi %add3A_862, %mul3A_805 : i32
    %dma_start3A_864 = arith.constant 1792 : i32
    %dma_start3A_865 = tpu.memref_slice %arg9[%dma_start3A_864] : memref<4352xf32, #tpu.memory_space<vmem>> -> memref<256xf32, #tpu.memory_space<vmem>>
    %dma_start3A_866 = tpu.memref_slice %arg10[%add3A_863] : memref<139264xf32, #tpu.memory_space<vmem_shared>> -> memref<256xf32, #tpu.memory_space<vmem_shared>>
    %dma_start3A_867 = arith.constant 1792 : i32
    %dma_start3A_868 = tpu.memref_slice %arg9[%dma_start3A_867] : memref<4352xf32, #tpu.memory_space<vmem>> -> memref<256xf32, #tpu.memory_space<vmem>>
    %dma_start3A_869 = tpu.memref_slice %arg10[%add3A_863] : memref<139264xf32, #tpu.memory_space<vmem_shared>> -> memref<256xf32, #tpu.memory_space<vmem_shared>>
    tpu.enqueue_dma source(%dma_start3A_869 : memref<256xf32, #tpu.memory_space<vmem_shared>>) target(%dma_start3A_868 : memref<256xf32, #tpu.memory_space<vmem>>) target_semaphore(%arg11 : memref<!tpu.dma_semaphore, #tpu.memory_space<semaphore_mem>>)
    %add3A_870 = arith.constant 102400 : i32
    %add3A_871 = arith.addi %add3A_870, %mul3A_805 : i32
    %dma_start3A_872 = arith.constant 2048 : i32
    %dma_start3A_873 = tpu.memref_slice %arg9[%dma_start3A_872] : memref<4352xf32, #tpu.memory_space<vmem>> -> memref<256xf32, #tpu.memory_space<vmem>>
    %dma_start3A_874 = tpu.memref_slice %arg10[%add3A_871] : memref<139264xf32, #tpu.memory_space<vmem_shared>> -> memref<256xf32, #tpu.memory_space<vmem_shared>>
    %dma_start3A_875 = arith.constant 2048 : i32
    %dma_start3A_876 = tpu.memref_slice %arg9[%dma_start3A_875] : memref<4352xf32, #tpu.memory_space<vmem>> -> memref<256xf32, #tpu.memory_space<vmem>>
    %dma_start3A_877 = tpu.memref_slice %arg10[%add3A_871] : memref<139264xf32, #tpu.memory_space<vmem_shared>> -> memref<256xf32, #tpu.memory_space<vmem_shared>>
    tpu.enqueue_dma source(%dma_start3A_877 : memref<256xf32, #tpu.memory_space<vmem_shared>>) target(%dma_start3A_876 : memref<256xf32, #tpu.memory_space<vmem>>) target_semaphore(%arg11 : memref<!tpu.dma_semaphore, #tpu.memory_space<semaphore_mem>>)
    %add3A_878 = arith.constant 106496 : i32
    %add3A_879 = arith.addi %add3A_878, %mul3A_805 : i32
    %dma_start3A_880 = arith.constant 2304 : i32
    %dma_start3A_881 = tpu.memref_slice %arg9[%dma_start3A_880] : memref<4352xf32, #tpu.memory_space<vmem>> -> memref<256xf32, #tpu.memory_space<vmem>>
    %dma_start3A_882 = tpu.memref_slice %arg10[%add3A_879] : memref<139264xf32, #tpu.memory_space<vmem_shared>> -> memref<256xf32, #tpu.memory_space<vmem_shared>>
    %dma_start3A_883 = arith.constant 2304 : i32
    %dma_start3A_884 = tpu.memref_slice %arg9[%dma_start3A_883] : memref<4352xf32, #tpu.memory_space<vmem>> -> memref<256xf32, #tpu.memory_space<vmem>>
    %dma_start3A_885 = tpu.memref_slice %arg10[%add3A_879] : memref<139264xf32, #tpu.memory_space<vmem_shared>> -> memref<256xf32, #tpu.memory_space<vmem_shared>>
    tpu.enqueue_dma source(%dma_start3A_885 : memref<256xf32, #tpu.memory_space<vmem_shared>>) target(%dma_start3A_884 : memref<256xf32, #tpu.memory_space<vmem>>) target_semaphore(%arg11 : memref<!tpu.dma_semaphore, #tpu.memory_space<semaphore_mem>>)
    %add3A_886 = arith.constant 110592 : i32
    %add3A_887 = arith.addi %add3A_886, %mul3A_805 : i32
    %dma_start3A_888 = arith.constant 2560 : i32
    %dma_start3A_889 = tpu.memref_slice %arg9[%dma_start3A_888] : memref<4352xf32, #tpu.memory_space<vmem>> -> memref<256xf32, #tpu.memory_space<vmem>>
    %dma_start3A_890 = tpu.memref_slice %arg10[%add3A_887] : memref<139264xf32, #tpu.memory_space<vmem_shared>> -> memref<256xf32, #tpu.memory_space<vmem_shared>>
    %dma_start3A_891 = arith.constant 2560 : i32
    %dma_start3A_892 = tpu.memref_slice %arg9[%dma_start3A_891] : memref<4352xf32, #tpu.memory_space<vmem>> -> memref<256xf32, #tpu.memory_space<vmem>>
    %dma_start3A_893 = tpu.memref_slice %arg10[%add3A_887] : memref<139264xf32, #tpu.memory_space<vmem_shared>> -> memref<256xf32, #tpu.memory_space<vmem_shared>>
    tpu.enqueue_dma source(%dma_start3A_893 : memref<256xf32, #tpu.memory_space<vmem_shared>>) target(%dma_start3A_892 : memref<256xf32, #tpu.memory_space<vmem>>) target_semaphore(%arg11 : memref<!tpu.dma_semaphore, #tpu.memory_space<semaphore_mem>>)
    %add3A_894 = arith.constant 114688 : i32
    %add3A_895 = arith.addi %add3A_894, %mul3A_805 : i32
    %dma_start3A_896 = arith.constant 2816 : i32
    %dma_start3A_897 = tpu.memref_slice %arg9[%dma_start3A_896] : memref<4352xf32, #tpu.memory_space<vmem>> -> memref<256xf32, #tpu.memory_space<vmem>>
    %dma_start3A_898 = tpu.memref_slice %arg10[%add3A_895] : memref<139264xf32, #tpu.memory_space<vmem_shared>> -> memref<256xf32, #tpu.memory_space<vmem_shared>>
    %dma_start3A_899 = arith.constant 2816 : i32
    %dma_start3A_900 = tpu.memref_slice %arg9[%dma_start3A_899] : memref<4352xf32, #tpu.memory_space<vmem>> -> memref<256xf32, #tpu.memory_space<vmem>>
    %dma_start3A_901 = tpu.memref_slice %arg10[%add3A_895] : memref<139264xf32, #tpu.memory_space<vmem_shared>> -> memref<256xf32, #tpu.memory_space<vmem_shared>>
    tpu.enqueue_dma source(%dma_start3A_901 : memref<256xf32, #tpu.memory_space<vmem_shared>>) target(%dma_start3A_900 : memref<256xf32, #tpu.memory_space<vmem>>) target_semaphore(%arg11 : memref<!tpu.dma_semaphore, #tpu.memory_space<semaphore_mem>>)
    %add3A_902 = arith.constant 118784 : i32
    %add3A_903 = arith.addi %add3A_902, %mul3A_805 : i32
    %dma_start3A_904 = arith.constant 3072 : i32
    %dma_start3A_905 = tpu.memref_slice %arg9[%dma_start3A_904] : memref<4352xf32, #tpu.memory_space<vmem>> -> memref<256xf32, #tpu.memory_space<vmem>>
    %dma_start3A_906 = tpu.memref_slice %arg10[%add3A_903] : memref<139264xf32, #tpu.memory_space<vmem_shared>> -> memref<256xf32, #tpu.memory_space<vmem_shared>>
    %dma_start3A_907 = arith.constant 3072 : i32
    %dma_start3A_908 = tpu.memref_slice %arg9[%dma_start3A_907] : memref<4352xf32, #tpu.memory_space<vmem>> -> memref<256xf32, #tpu.memory_space<vmem>>
    %dma_start3A_909 = tpu.memref_slice %arg10[%add3A_903] : memref<139264xf32, #tpu.memory_space<vmem_shared>> -> memref<256xf32, #tpu.memory_space<vmem_shared>>
    tpu.enqueue_dma source(%dma_start3A_909 : memref<256xf32, #tpu.memory_space<vmem_shared>>) target(%dma_start3A_908 : memref<256xf32, #tpu.memory_space<vmem>>) target_semaphore(%arg11 : memref<!tpu.dma_semaphore, #tpu.memory_space<semaphore_mem>>)
    %add3A_910 = arith.constant 122880 : i32
    %add3A_911 = arith.addi %add3A_910, %mul3A_805 : i32
    %dma_start3A_912 = arith.constant 3328 : i32
    %dma_start3A_913 = tpu.memref_slice %arg9[%dma_start3A_912] : memref<4352xf32, #tpu.memory_space<vmem>> -> memref<256xf32, #tpu.memory_space<vmem>>
    %dma_start3A_914 = tpu.memref_slice %arg10[%add3A_911] : memref<139264xf32, #tpu.memory_space<vmem_shared>> -> memref<256xf32, #tpu.memory_space<vmem_shared>>
    %dma_start3A_915 = arith.constant 3328 : i32
    %dma_start3A_916 = tpu.memref_slice %arg9[%dma_start3A_915] : memref<4352xf32, #tpu.memory_space<vmem>> -> memref<256xf32, #tpu.memory_space<vmem>>
    %dma_start3A_917 = tpu.memref_slice %arg10[%add3A_911] : memref<139264xf32, #tpu.memory_space<vmem_shared>> -> memref<256xf32, #tpu.memory_space<vmem_shared>>
    tpu.enqueue_dma source(%dma_start3A_917 : memref<256xf32, #tpu.memory_space<vmem_shared>>) target(%dma_start3A_916 : memref<256xf32, #tpu.memory_space<vmem>>) target_semaphore(%arg11 : memref<!tpu.dma_semaphore, #tpu.memory_space<semaphore_mem>>)
    %add3A_918 = arith.constant 126976 : i32
    %add3A_919 = arith.addi %add3A_918, %mul3A_805 : i32
    %dma_start3A_920 = arith.constant 3584 : i32
    %dma_start3A_921 = tpu.memref_slice %arg9[%dma_start3A_920] : memref<4352xf32, #tpu.memory_space<vmem>> -> memref<256xf32, #tpu.memory_space<vmem>>
    %dma_start3A_922 = tpu.memref_slice %arg10[%add3A_919] : memref<139264xf32, #tpu.memory_space<vmem_shared>> -> memref<256xf32, #tpu.memory_space<vmem_shared>>
    %dma_start3A_923 = arith.constant 3584 : i32
    %dma_start3A_924 = tpu.memref_slice %arg9[%dma_start3A_923] : memref<4352xf32, #tpu.memory_space<vmem>> -> memref<256xf32, #tpu.memory_space<vmem>>
    %dma_start3A_925 = tpu.memref_slice %arg10[%add3A_919] : memref<139264xf32, #tpu.memory_space<vmem_shared>> -> memref<256xf32, #tpu.memory_space<vmem_shared>>
    tpu.enqueue_dma source(%dma_start3A_925 : memref<256xf32, #tpu.memory_space<vmem_shared>>) target(%dma_start3A_924 : memref<256xf32, #tpu.memory_space<vmem>>) target_semaphore(%arg11 : memref<!tpu.dma_semaphore, #tpu.memory_space<semaphore_mem>>)
    %add3A_926 = arith.constant 131072 : i32
    %add3A_927 = arith.addi %add3A_926, %mul3A_805 : i32
    %dma_start3A_928 = arith.constant 3840 : i32
    %dma_start3A_929 = tpu.memref_slice %arg9[%dma_start3A_928] : memref<4352xf32, #tpu.memory_space<vmem>> -> memref<256xf32, #tpu.memory_space<vmem>>
    %dma_start3A_930 = tpu.memref_slice %arg10[%add3A_927] : memref<139264xf32, #tpu.memory_space<vmem_shared>> -> memref<256xf32, #tpu.memory_space<vmem_shared>>
    %dma_start3A_931 = arith.constant 3840 : i32
    %dma_start3A_932 = tpu.memref_slice %arg9[%dma_start3A_931] : memref<4352xf32, #tpu.memory_space<vmem>> -> memref<256xf32, #tpu.memory_space<vmem>>
    %dma_start3A_933 = tpu.memref_slice %arg10[%add3A_927] : memref<139264xf32, #tpu.memory_space<vmem_shared>> -> memref<256xf32, #tpu.memory_space<vmem_shared>>
    tpu.enqueue_dma source(%dma_start3A_933 : memref<256xf32, #tpu.memory_space<vmem_shared>>) target(%dma_start3A_932 : memref<256xf32, #tpu.memory_space<vmem>>) target_semaphore(%arg11 : memref<!tpu.dma_semaphore, #tpu.memory_space<semaphore_mem>>)
    %mul3A_934 = arith.constant 16384 : i32
    %mul3A_935 = arith.muli %arg0, %mul3A_934 : i32
    %add3A_936 = arith.constant 12288 : i32
    %add3A_937 = arith.addi %mul3A_935, %add3A_936 : i32
    %add3A_938 = arith.addi %add3A_937, %mul3A_805 : i32
    "tpu.region"() ({
      %run_scoped3A = tpu.sem_alloc : memref<!tpu.dma_semaphore, #tpu.memory_space<semaphore_mem>>
      %dma_start3A_1046 = arith.constant 4096 : i32
      %dma_start3A_1047 = tpu.memref_slice %arg9[%dma_start3A_1046] : memref<4352xf32, #tpu.memory_space<vmem>> -> memref<256xf32, #tpu.memory_space<vmem>>
      %dma_start3A_1048 = tpu.memref_slice %arg4[%add3A_938] : memref<32768xf32, #tpu.memory_space<hbm>> -> memref<256xf32, #tpu.memory_space<hbm>>
      %dma_start3A_1049 = arith.constant 4096 : i32
      %dma_start3A_1050 = tpu.memref_slice %arg9[%dma_start3A_1049] : memref<4352xf32, #tpu.memory_space<vmem>> -> memref<256xf32, #tpu.memory_space<vmem>>
      %dma_start3A_1051 = tpu.memref_slice %arg4[%add3A_938] : memref<32768xf32, #tpu.memory_space<hbm>> -> memref<256xf32, #tpu.memory_space<hbm>>
      tpu.enqueue_dma source(%dma_start3A_1051 : memref<256xf32, #tpu.memory_space<hbm>>) target(%dma_start3A_1050 : memref<256xf32, #tpu.memory_space<vmem>>) target_semaphore(%run_scoped3A : memref<!tpu.dma_semaphore, #tpu.memory_space<semaphore_mem>>)
      %dma_wait3A_1052 = arith.constant 4096 : i32
      %dma_wait3A_1053 = tpu.memref_slice %arg9[%dma_wait3A_1052] : memref<4352xf32, #tpu.memory_space<vmem>> -> memref<256xf32, #tpu.memory_space<vmem>>
      %dma_wait3A_1054 = tpu.memref_slice %arg4[%add3A_938] : memref<32768xf32, #tpu.memory_space<hbm>> -> memref<256xf32, #tpu.memory_space<hbm>>
      %dma_wait3A_1055 = arith.constant 4096 : i32
      %dma_wait3A_1056 = tpu.memref_slice %arg9[%dma_wait3A_1055] : memref<4352xf32, #tpu.memory_space<vmem>> -> memref<256xf32, #tpu.memory_space<vmem>>
      %dma_wait3A_1057 = tpu.memref_slice %arg4[%add3A_938] : memref<32768xf32, #tpu.memory_space<hbm>> -> memref<256xf32, #tpu.memory_space<hbm>>
      tpu.wait_dma2 semaphore(%run_scoped3A : memref<!tpu.dma_semaphore, #tpu.memory_space<semaphore_mem>>) src(%dma_wait3A_1057 : memref<256xf32, #tpu.memory_space<hbm>>) dst(%dma_wait3A_1056 : memref<256xf32, #tpu.memory_space<vmem>>)
      tpu.yield
    }) : () -> ()
    %dma_wait3A_939 = arith.constant 0 : i32
    %dma_wait3A_940 = tpu.memref_slice %arg9[%dma_wait3A_939] : memref<4352xf32, #tpu.memory_space<vmem>> -> memref<256xf32, #tpu.memory_space<vmem>>
    %dma_wait3A_941 = tpu.memref_slice %arg10[%add3A_807] : memref<139264xf32, #tpu.memory_space<vmem_shared>> -> memref<256xf32, #tpu.memory_space<vmem_shared>>
    %dma_wait3A_942 = arith.constant 0 : i32
    %dma_wait3A_943 = tpu.memref_slice %arg9[%dma_wait3A_942] : memref<4352xf32, #tpu.memory_space<vmem>> -> memref<256xf32, #tpu.memory_space<vmem>>
    %dma_wait3A_944 = tpu.memref_slice %arg10[%add3A_807] : memref<139264xf32, #tpu.memory_space<vmem_shared>> -> memref<256xf32, #tpu.memory_space<vmem_shared>>
    tpu.wait_dma2 semaphore(%arg11 : memref<!tpu.dma_semaphore, #tpu.memory_space<semaphore_mem>>) src(%dma_wait3A_944 : memref<256xf32, #tpu.memory_space<vmem_shared>>) dst(%dma_wait3A_943 : memref<256xf32, #tpu.memory_space<vmem>>)
    %dma_wait3A_945 = arith.constant 256 : i32
    %dma_wait3A_946 = tpu.memref_slice %arg9[%dma_wait3A_945] : memref<4352xf32, #tpu.memory_space<vmem>> -> memref<256xf32, #tpu.memory_space<vmem>>
    %dma_wait3A_947 = tpu.memref_slice %arg10[%add3A_815] : memref<139264xf32, #tpu.memory_space<vmem_shared>> -> memref<256xf32, #tpu.memory_space<vmem_shared>>
    %dma_wait3A_948 = arith.constant 256 : i32
    %dma_wait3A_949 = tpu.memref_slice %arg9[%dma_wait3A_948] : memref<4352xf32, #tpu.memory_space<vmem>> -> memref<256xf32, #tpu.memory_space<vmem>>
    %dma_wait3A_950 = tpu.memref_slice %arg10[%add3A_815] : memref<139264xf32, #tpu.memory_space<vmem_shared>> -> memref<256xf32, #tpu.memory_space<vmem_shared>>
    tpu.wait_dma2 semaphore(%arg11 : memref<!tpu.dma_semaphore, #tpu.memory_space<semaphore_mem>>) src(%dma_wait3A_950 : memref<256xf32, #tpu.memory_space<vmem_shared>>) dst(%dma_wait3A_949 : memref<256xf32, #tpu.memory_space<vmem>>)
    %dma_wait3A_951 = arith.constant 512 : i32
    %dma_wait3A_952 = tpu.memref_slice %arg9[%dma_wait3A_951] : memref<4352xf32, #tpu.memory_space<vmem>> -> memref<256xf32, #tpu.memory_space<vmem>>
    %dma_wait3A_953 = tpu.memref_slice %arg10[%add3A_823] : memref<139264xf32, #tpu.memory_space<vmem_shared>> -> memref<256xf32, #tpu.memory_space<vmem_shared>>
    %dma_wait3A_954 = arith.constant 512 : i32
    %dma_wait3A_955 = tpu.memref_slice %arg9[%dma_wait3A_954] : memref<4352xf32, #tpu.memory_space<vmem>> -> memref<256xf32, #tpu.memory_space<vmem>>
    %dma_wait3A_956 = tpu.memref_slice %arg10[%add3A_823] : memref<139264xf32, #tpu.memory_space<vmem_shared>> -> memref<256xf32, #tpu.memory_space<vmem_shared>>
    tpu.wait_dma2 semaphore(%arg11 : memref<!tpu.dma_semaphore, #tpu.memory_space<semaphore_mem>>) src(%dma_wait3A_956 : memref<256xf32, #tpu.memory_space<vmem_shared>>) dst(%dma_wait3A_955 : memref<256xf32, #tpu.memory_space<vmem>>)
    %dma_wait3A_957 = arith.constant 768 : i32
    %dma_wait3A_958 = tpu.memref_slice %arg9[%dma_wait3A_957] : memref<4352xf32, #tpu.memory_space<vmem>> -> memref<256xf32, #tpu.memory_space<vmem>>
    %dma_wait3A_959 = tpu.memref_slice %arg10[%add3A_831] : memref<139264xf32, #tpu.memory_space<vmem_shared>> -> memref<256xf32, #tpu.memory_space<vmem_shared>>
    %dma_wait3A_960 = arith.constant 768 : i32
    %dma_wait3A_961 = tpu.memref_slice %arg9[%dma_wait3A_960] : memref<4352xf32, #tpu.memory_space<vmem>> -> memref<256xf32, #tpu.memory_space<vmem>>
    %dma_wait3A_962 = tpu.memref_slice %arg10[%add3A_831] : memref<139264xf32, #tpu.memory_space<vmem_shared>> -> memref<256xf32, #tpu.memory_space<vmem_shared>>
    tpu.wait_dma2 semaphore(%arg11 : memref<!tpu.dma_semaphore, #tpu.memory_space<semaphore_mem>>) src(%dma_wait3A_962 : memref<256xf32, #tpu.memory_space<vmem_shared>>) dst(%dma_wait3A_961 : memref<256xf32, #tpu.memory_space<vmem>>)
    %dma_wait3A_963 = arith.constant 1024 : i32
    %dma_wait3A_964 = tpu.memref_slice %arg9[%dma_wait3A_963] : memref<4352xf32, #tpu.memory_space<vmem>> -> memref<256xf32, #tpu.memory_space<vmem>>
    %dma_wait3A_965 = tpu.memref_slice %arg10[%add3A_839] : memref<139264xf32, #tpu.memory_space<vmem_shared>> -> memref<256xf32, #tpu.memory_space<vmem_shared>>
    %dma_wait3A_966 = arith.constant 1024 : i32
    %dma_wait3A_967 = tpu.memref_slice %arg9[%dma_wait3A_966] : memref<4352xf32, #tpu.memory_space<vmem>> -> memref<256xf32, #tpu.memory_space<vmem>>
    %dma_wait3A_968 = tpu.memref_slice %arg10[%add3A_839] : memref<139264xf32, #tpu.memory_space<vmem_shared>> -> memref<256xf32, #tpu.memory_space<vmem_shared>>
    tpu.wait_dma2 semaphore(%arg11 : memref<!tpu.dma_semaphore, #tpu.memory_space<semaphore_mem>>) src(%dma_wait3A_968 : memref<256xf32, #tpu.memory_space<vmem_shared>>) dst(%dma_wait3A_967 : memref<256xf32, #tpu.memory_space<vmem>>)
    %dma_wait3A_969 = arith.constant 1280 : i32
    %dma_wait3A_970 = tpu.memref_slice %arg9[%dma_wait3A_969] : memref<4352xf32, #tpu.memory_space<vmem>> -> memref<256xf32, #tpu.memory_space<vmem>>
    %dma_wait3A_971 = tpu.memref_slice %arg10[%add3A_847] : memref<139264xf32, #tpu.memory_space<vmem_shared>> -> memref<256xf32, #tpu.memory_space<vmem_shared>>
    %dma_wait3A_972 = arith.constant 1280 : i32
    %dma_wait3A_973 = tpu.memref_slice %arg9[%dma_wait3A_972] : memref<4352xf32, #tpu.memory_space<vmem>> -> memref<256xf32, #tpu.memory_space<vmem>>
    %dma_wait3A_974 = tpu.memref_slice %arg10[%add3A_847] : memref<139264xf32, #tpu.memory_space<vmem_shared>> -> memref<256xf32, #tpu.memory_space<vmem_shared>>
    tpu.wait_dma2 semaphore(%arg11 : memref<!tpu.dma_semaphore, #tpu.memory_space<semaphore_mem>>) src(%dma_wait3A_974 : memref<256xf32, #tpu.memory_space<vmem_shared>>) dst(%dma_wait3A_973 : memref<256xf32, #tpu.memory_space<vmem>>)
    %dma_wait3A_975 = arith.constant 1536 : i32
    %dma_wait3A_976 = tpu.memref_slice %arg9[%dma_wait3A_975] : memref<4352xf32, #tpu.memory_space<vmem>> -> memref<256xf32, #tpu.memory_space<vmem>>
    %dma_wait3A_977 = tpu.memref_slice %arg10[%add3A_855] : memref<139264xf32, #tpu.memory_space<vmem_shared>> -> memref<256xf32, #tpu.memory_space<vmem_shared>>
    %dma_wait3A_978 = arith.constant 1536 : i32
    %dma_wait3A_979 = tpu.memref_slice %arg9[%dma_wait3A_978] : memref<4352xf32, #tpu.memory_space<vmem>> -> memref<256xf32, #tpu.memory_space<vmem>>
    %dma_wait3A_980 = tpu.memref_slice %arg10[%add3A_855] : memref<139264xf32, #tpu.memory_space<vmem_shared>> -> memref<256xf32, #tpu.memory_space<vmem_shared>>
    tpu.wait_dma2 semaphore(%arg11 : memref<!tpu.dma_semaphore, #tpu.memory_space<semaphore_mem>>) src(%dma_wait3A_980 : memref<256xf32, #tpu.memory_space<vmem_shared>>) dst(%dma_wait3A_979 : memref<256xf32, #tpu.memory_space<vmem>>)
    %dma_wait3A_981 = arith.constant 1792 : i32
    %dma_wait3A_982 = tpu.memref_slice %arg9[%dma_wait3A_981] : memref<4352xf32, #tpu.memory_space<vmem>> -> memref<256xf32, #tpu.memory_space<vmem>>
    %dma_wait3A_983 = tpu.memref_slice %arg10[%add3A_863] : memref<139264xf32, #tpu.memory_space<vmem_shared>> -> memref<256xf32, #tpu.memory_space<vmem_shared>>
    %dma_wait3A_984 = arith.constant 1792 : i32
    %dma_wait3A_985 = tpu.memref_slice %arg9[%dma_wait3A_984] : memref<4352xf32, #tpu.memory_space<vmem>> -> memref<256xf32, #tpu.memory_space<vmem>>
    %dma_wait3A_986 = tpu.memref_slice %arg10[%add3A_863] : memref<139264xf32, #tpu.memory_space<vmem_shared>> -> memref<256xf32, #tpu.memory_space<vmem_shared>>
    tpu.wait_dma2 semaphore(%arg11 : memref<!tpu.dma_semaphore, #tpu.memory_space<semaphore_mem>>) src(%dma_wait3A_986 : memref<256xf32, #tpu.memory_space<vmem_shared>>) dst(%dma_wait3A_985 : memref<256xf32, #tpu.memory_space<vmem>>)
    %dma_wait3A_987 = arith.constant 2048 : i32
    %dma_wait3A_988 = tpu.memref_slice %arg9[%dma_wait3A_987] : memref<4352xf32, #tpu.memory_space<vmem>> -> memref<256xf32, #tpu.memory_space<vmem>>
    %dma_wait3A_989 = tpu.memref_slice %arg10[%add3A_871] : memref<139264xf32, #tpu.memory_space<vmem_shared>> -> memref<256xf32, #tpu.memory_space<vmem_shared>>
    %dma_wait3A_990 = arith.constant 2048 : i32
    %dma_wait3A_991 = tpu.memref_slice %arg9[%dma_wait3A_990] : memref<4352xf32, #tpu.memory_space<vmem>> -> memref<256xf32, #tpu.memory_space<vmem>>
    %dma_wait3A_992 = tpu.memref_slice %arg10[%add3A_871] : memref<139264xf32, #tpu.memory_space<vmem_shared>> -> memref<256xf32, #tpu.memory_space<vmem_shared>>
    tpu.wait_dma2 semaphore(%arg11 : memref<!tpu.dma_semaphore, #tpu.memory_space<semaphore_mem>>) src(%dma_wait3A_992 : memref<256xf32, #tpu.memory_space<vmem_shared>>) dst(%dma_wait3A_991 : memref<256xf32, #tpu.memory_space<vmem>>)
    %dma_wait3A_993 = arith.constant 2304 : i32
    %dma_wait3A_994 = tpu.memref_slice %arg9[%dma_wait3A_993] : memref<4352xf32, #tpu.memory_space<vmem>> -> memref<256xf32, #tpu.memory_space<vmem>>
    %dma_wait3A_995 = tpu.memref_slice %arg10[%add3A_879] : memref<139264xf32, #tpu.memory_space<vmem_shared>> -> memref<256xf32, #tpu.memory_space<vmem_shared>>
    %dma_wait3A_996 = arith.constant 2304 : i32
    %dma_wait3A_997 = tpu.memref_slice %arg9[%dma_wait3A_996] : memref<4352xf32, #tpu.memory_space<vmem>> -> memref<256xf32, #tpu.memory_space<vmem>>
    %dma_wait3A_998 = tpu.memref_slice %arg10[%add3A_879] : memref<139264xf32, #tpu.memory_space<vmem_shared>> -> memref<256xf32, #tpu.memory_space<vmem_shared>>
    tpu.wait_dma2 semaphore(%arg11 : memref<!tpu.dma_semaphore, #tpu.memory_space<semaphore_mem>>) src(%dma_wait3A_998 : memref<256xf32, #tpu.memory_space<vmem_shared>>) dst(%dma_wait3A_997 : memref<256xf32, #tpu.memory_space<vmem>>)
    %dma_wait3A_999 = arith.constant 2560 : i32
    %dma_wait3A_1000 = tpu.memref_slice %arg9[%dma_wait3A_999] : memref<4352xf32, #tpu.memory_space<vmem>> -> memref<256xf32, #tpu.memory_space<vmem>>
    %dma_wait3A_1001 = tpu.memref_slice %arg10[%add3A_887] : memref<139264xf32, #tpu.memory_space<vmem_shared>> -> memref<256xf32, #tpu.memory_space<vmem_shared>>
    %dma_wait3A_1002 = arith.constant 2560 : i32
    %dma_wait3A_1003 = tpu.memref_slice %arg9[%dma_wait3A_1002] : memref<4352xf32, #tpu.memory_space<vmem>> -> memref<256xf32, #tpu.memory_space<vmem>>
    %dma_wait3A_1004 = tpu.memref_slice %arg10[%add3A_887] : memref<139264xf32, #tpu.memory_space<vmem_shared>> -> memref<256xf32, #tpu.memory_space<vmem_shared>>
    tpu.wait_dma2 semaphore(%arg11 : memref<!tpu.dma_semaphore, #tpu.memory_space<semaphore_mem>>) src(%dma_wait3A_1004 : memref<256xf32, #tpu.memory_space<vmem_shared>>) dst(%dma_wait3A_1003 : memref<256xf32, #tpu.memory_space<vmem>>)
    %dma_wait3A_1005 = arith.constant 2816 : i32
    %dma_wait3A_1006 = tpu.memref_slice %arg9[%dma_wait3A_1005] : memref<4352xf32, #tpu.memory_space<vmem>> -> memref<256xf32, #tpu.memory_space<vmem>>
    %dma_wait3A_1007 = tpu.memref_slice %arg10[%add3A_895] : memref<139264xf32, #tpu.memory_space<vmem_shared>> -> memref<256xf32, #tpu.memory_space<vmem_shared>>
    %dma_wait3A_1008 = arith.constant 2816 : i32
    %dma_wait3A_1009 = tpu.memref_slice %arg9[%dma_wait3A_1008] : memref<4352xf32, #tpu.memory_space<vmem>> -> memref<256xf32, #tpu.memory_space<vmem>>
    %dma_wait3A_1010 = tpu.memref_slice %arg10[%add3A_895] : memref<139264xf32, #tpu.memory_space<vmem_shared>> -> memref<256xf32, #tpu.memory_space<vmem_shared>>
    tpu.wait_dma2 semaphore(%arg11 : memref<!tpu.dma_semaphore, #tpu.memory_space<semaphore_mem>>) src(%dma_wait3A_1010 : memref<256xf32, #tpu.memory_space<vmem_shared>>) dst(%dma_wait3A_1009 : memref<256xf32, #tpu.memory_space<vmem>>)
    %dma_wait3A_1011 = arith.constant 3072 : i32
    %dma_wait3A_1012 = tpu.memref_slice %arg9[%dma_wait3A_1011] : memref<4352xf32, #tpu.memory_space<vmem>> -> memref<256xf32, #tpu.memory_space<vmem>>
    %dma_wait3A_1013 = tpu.memref_slice %arg10[%add3A_903] : memref<139264xf32, #tpu.memory_space<vmem_shared>> -> memref<256xf32, #tpu.memory_space<vmem_shared>>
    %dma_wait3A_1014 = arith.constant 3072 : i32
    %dma_wait3A_1015 = tpu.memref_slice %arg9[%dma_wait3A_1014] : memref<4352xf32, #tpu.memory_space<vmem>> -> memref<256xf32, #tpu.memory_space<vmem>>
    %dma_wait3A_1016 = tpu.memref_slice %arg10[%add3A_903] : memref<139264xf32, #tpu.memory_space<vmem_shared>> -> memref<256xf32, #tpu.memory_space<vmem_shared>>
    tpu.wait_dma2 semaphore(%arg11 : memref<!tpu.dma_semaphore, #tpu.memory_space<semaphore_mem>>) src(%dma_wait3A_1016 : memref<256xf32, #tpu.memory_space<vmem_shared>>) dst(%dma_wait3A_1015 : memref<256xf32, #tpu.memory_space<vmem>>)
    %dma_wait3A_1017 = arith.constant 3328 : i32
    %dma_wait3A_1018 = tpu.memref_slice %arg9[%dma_wait3A_1017] : memref<4352xf32, #tpu.memory_space<vmem>> -> memref<256xf32, #tpu.memory_space<vmem>>
    %dma_wait3A_1019 = tpu.memref_slice %arg10[%add3A_911] : memref<139264xf32, #tpu.memory_space<vmem_shared>> -> memref<256xf32, #tpu.memory_space<vmem_shared>>
    %dma_wait3A_1020 = arith.constant 3328 : i32
    %dma_wait3A_1021 = tpu.memref_slice %arg9[%dma_wait3A_1020] : memref<4352xf32, #tpu.memory_space<vmem>> -> memref<256xf32, #tpu.memory_space<vmem>>
    %dma_wait3A_1022 = tpu.memref_slice %arg10[%add3A_911] : memref<139264xf32, #tpu.memory_space<vmem_shared>> -> memref<256xf32, #tpu.memory_space<vmem_shared>>
    tpu.wait_dma2 semaphore(%arg11 : memref<!tpu.dma_semaphore, #tpu.memory_space<semaphore_mem>>) src(%dma_wait3A_1022 : memref<256xf32, #tpu.memory_space<vmem_shared>>) dst(%dma_wait3A_1021 : memref<256xf32, #tpu.memory_space<vmem>>)
    %dma_wait3A_1023 = arith.constant 3584 : i32
    %dma_wait3A_1024 = tpu.memref_slice %arg9[%dma_wait3A_1023] : memref<4352xf32, #tpu.memory_space<vmem>> -> memref<256xf32, #tpu.memory_space<vmem>>
    %dma_wait3A_1025 = tpu.memref_slice %arg10[%add3A_919] : memref<139264xf32, #tpu.memory_space<vmem_shared>> -> memref<256xf32, #tpu.memory_space<vmem_shared>>
    %dma_wait3A_1026 = arith.constant 3584 : i32
    %dma_wait3A_1027 = tpu.memref_slice %arg9[%dma_wait3A_1026] : memref<4352xf32, #tpu.memory_space<vmem>> -> memref<256xf32, #tpu.memory_space<vmem>>
    %dma_wait3A_1028 = tpu.memref_slice %arg10[%add3A_919] : memref<139264xf32, #tpu.memory_space<vmem_shared>> -> memref<256xf32, #tpu.memory_space<vmem_shared>>
    tpu.wait_dma2 semaphore(%arg11 : memref<!tpu.dma_semaphore, #tpu.memory_space<semaphore_mem>>) src(%dma_wait3A_1028 : memref<256xf32, #tpu.memory_space<vmem_shared>>) dst(%dma_wait3A_1027 : memref<256xf32, #tpu.memory_space<vmem>>)
    %dma_wait3A_1029 = arith.constant 3840 : i32
    %dma_wait3A_1030 = tpu.memref_slice %arg9[%dma_wait3A_1029] : memref<4352xf32, #tpu.memory_space<vmem>> -> memref<256xf32, #tpu.memory_space<vmem>>
    %dma_wait3A_1031 = tpu.memref_slice %arg10[%add3A_927] : memref<139264xf32, #tpu.memory_space<vmem_shared>> -> memref<256xf32, #tpu.memory_space<vmem_shared>>
    %dma_wait3A_1032 = arith.constant 3840 : i32
    %dma_wait3A_1033 = tpu.memref_slice %arg9[%dma_wait3A_1032] : memref<4352xf32, #tpu.memory_space<vmem>> -> memref<256xf32, #tpu.memory_space<vmem>>
    %dma_wait3A_1034 = tpu.memref_slice %arg10[%add3A_927] : memref<139264xf32, #tpu.memory_space<vmem_shared>> -> memref<256xf32, #tpu.memory_space<vmem_shared>>
    tpu.wait_dma2 semaphore(%arg11 : memref<!tpu.dma_semaphore, #tpu.memory_space<semaphore_mem>>) src(%dma_wait3A_1034 : memref<256xf32, #tpu.memory_space<vmem_shared>>) dst(%dma_wait3A_1033 : memref<256xf32, #tpu.memory_space<vmem>>)
    %scan3A_1035 = arith.constant 0 : i32
    %scan3A_1036 = arith.constant 0 : i32
    %scan3A_1037 = arith.constant 16 : i32
    %scan3A_1038 = arith.addi %scan3A_1036, %scan3A_1037 : i32
    %scan3A_1039 = arith.constant 1 : i32
    scf.for %scan3A_1046 = %scan3A_1036 to %scan3A_1038 step %scan3A_1039  : i32 {
      %mul3A_1047 = arith.constant 16 : i32
      %mul3A_1048 = arith.muli %scan3A_1046, %mul3A_1047 : i32
      %add3A_1049 = arith.constant 4096 : i32
      %add3A_1050 = arith.addi %add3A_1049, %mul3A_1048 : i32
      %get3A = arith.index_cast %add3A_1050 : i32 to index
      %get3A_1051 = tpu.vector_load %arg9[%get3A] {strides = array<i32>} : memref<4352xf32, #tpu.memory_space<vmem>>, vector<16xf32>,
      %mul3A_1052 = arith.constant 16 : i32
      %mul3A_1053 = arith.muli %scan3A_1046, %mul3A_1052 : i32
      %add3A_1054 = arith.constant 0 : i32
      %add3A_1055 = arith.addi %add3A_1054, %mul3A_1053 : i32
      %get3A_1056 = arith.index_cast %add3A_1055 : i32 to index
      %get3A_1057 = tpu.vector_load %arg9[%get3A_1056] {strides = array<i32>} : memref<4352xf32, #tpu.memory_space<vmem>>, vector<16xf32>,
      %mul3A_1058 = arith.constant 16 : i32
      %mul3A_1059 = arith.muli %scan3A_1046, %mul3A_1058 : i32
      %add3A_1060 = arith.constant 256 : i32
      %add3A_1061 = arith.addi %add3A_1060, %mul3A_1059 : i32
      %get3A_1062 = arith.index_cast %add3A_1061 : i32 to index
      %get3A_1063 = tpu.vector_load %arg9[%get3A_1062] {strides = array<i32>} : memref<4352xf32, #tpu.memory_space<vmem>>, vector<16xf32>,
      %mul3A_1064 = arith.mulf %get3A_1057, %get3A_1063 : vector<16xf32>
      %add3A_1065 = arith.addf %get3A_1051, %mul3A_1064 : vector<16xf32>
      %mul3A_1066 = arith.constant 16 : i32
      %mul3A_1067 = arith.muli %scan3A_1046, %mul3A_1066 : i32
      %add3A_1068 = arith.constant 512 : i32
      %add3A_1069 = arith.addi %add3A_1068, %mul3A_1067 : i32
      %get3A_1070 = arith.index_cast %add3A_1069 : i32 to index
      %get3A_1071 = tpu.vector_load %arg9[%get3A_1070] {strides = array<i32>} : memref<4352xf32, #tpu.memory_space<vmem>>, vector<16xf32>,
      %mul3A_1072 = arith.constant 16 : i32
      %mul3A_1073 = arith.muli %scan3A_1046, %mul3A_1072 : i32
      %add3A_1074 = arith.constant 768 : i32
      %add3A_1075 = arith.addi %add3A_1074, %mul3A_1073 : i32
      %get3A_1076 = arith.index_cast %add3A_1075 : i32 to index
      %get3A_1077 = tpu.vector_load %arg9[%get3A_1076] {strides = array<i32>} : memref<4352xf32, #tpu.memory_space<vmem>>, vector<16xf32>,
      %mul3A_1078 = arith.mulf %get3A_1071, %get3A_1077 : vector<16xf32>
      %add3A_1079 = arith.addf %add3A_1065, %mul3A_1078 : vector<16xf32>
      %mul3A_1080 = arith.constant 16 : i32
      %mul3A_1081 = arith.muli %scan3A_1046, %mul3A_1080 : i32
      %add3A_1082 = arith.constant 1024 : i32
      %add3A_1083 = arith.addi %add3A_1082, %mul3A_1081 : i32
      %get3A_1084 = arith.index_cast %add3A_1083 : i32 to index
      %get3A_1085 = tpu.vector_load %arg9[%get3A_1084] {strides = array<i32>} : memref<4352xf32, #tpu.memory_space<vmem>>, vector<16xf32>,
      %mul3A_1086 = arith.constant 16 : i32
      %mul3A_1087 = arith.muli %scan3A_1046, %mul3A_1086 : i32
      %add3A_1088 = arith.constant 1280 : i32
      %add3A_1089 = arith.addi %add3A_1088, %mul3A_1087 : i32
      %get3A_1090 = arith.index_cast %add3A_1089 : i32 to index
      %get3A_1091 = tpu.vector_load %arg9[%get3A_1090] {strides = array<i32>} : memref<4352xf32, #tpu.memory_space<vmem>>, vector<16xf32>,
      %mul3A_1092 = arith.mulf %get3A_1085, %get3A_1091 : vector<16xf32>
      %add3A_1093 = arith.addf %add3A_1079, %mul3A_1092 : vector<16xf32>
      %mul3A_1094 = arith.constant 16 : i32
      %mul3A_1095 = arith.muli %scan3A_1046, %mul3A_1094 : i32
      %add3A_1096 = arith.constant 1536 : i32
      %add3A_1097 = arith.addi %add3A_1096, %mul3A_1095 : i32
      %get3A_1098 = arith.index_cast %add3A_1097 : i32 to index
      %get3A_1099 = tpu.vector_load %arg9[%get3A_1098] {strides = array<i32>} : memref<4352xf32, #tpu.memory_space<vmem>>, vector<16xf32>,
      %mul3A_1100 = arith.constant 16 : i32
      %mul3A_1101 = arith.muli %scan3A_1046, %mul3A_1100 : i32
      %add3A_1102 = arith.constant 1792 : i32
      %add3A_1103 = arith.addi %add3A_1102, %mul3A_1101 : i32
      %get3A_1104 = arith.index_cast %add3A_1103 : i32 to index
      %get3A_1105 = tpu.vector_load %arg9[%get3A_1104] {strides = array<i32>} : memref<4352xf32, #tpu.memory_space<vmem>>, vector<16xf32>,
      %mul3A_1106 = arith.mulf %get3A_1099, %get3A_1105 : vector<16xf32>
      %add3A_1107 = arith.addf %add3A_1093, %mul3A_1106 : vector<16xf32>
      %mul3A_1108 = arith.constant 16 : i32
      %mul3A_1109 = arith.muli %scan3A_1046, %mul3A_1108 : i32
      %add3A_1110 = arith.constant 2048 : i32
      %add3A_1111 = arith.addi %add3A_1110, %mul3A_1109 : i32
      %get3A_1112 = arith.index_cast %add3A_1111 : i32 to index
      %get3A_1113 = tpu.vector_load %arg9[%get3A_1112] {strides = array<i32>} : memref<4352xf32, #tpu.memory_space<vmem>>, vector<16xf32>,
      %mul3A_1114 = arith.constant 16 : i32
      %mul3A_1115 = arith.muli %scan3A_1046, %mul3A_1114 : i32
      %add3A_1116 = arith.constant 2304 : i32
      %add3A_1117 = arith.addi %add3A_1116, %mul3A_1115 : i32
      %get3A_1118 = arith.index_cast %add3A_1117 : i32 to index
      %get3A_1119 = tpu.vector_load %arg9[%get3A_1118] {strides = array<i32>} : memref<4352xf32, #tpu.memory_space<vmem>>, vector<16xf32>,
      %mul3A_1120 = arith.mulf %get3A_1113, %get3A_1119 : vector<16xf32>
      %add3A_1121 = arith.addf %add3A_1107, %mul3A_1120 : vector<16xf32>
      %mul3A_1122 = arith.constant 16 : i32
      %mul3A_1123 = arith.muli %scan3A_1046, %mul3A_1122 : i32
      %add3A_1124 = arith.constant 2560 : i32
      %add3A_1125 = arith.addi %add3A_1124, %mul3A_1123 : i32
      %get3A_1126 = arith.index_cast %add3A_1125 : i32 to index
      %get3A_1127 = tpu.vector_load %arg9[%get3A_1126] {strides = array<i32>} : memref<4352xf32, #tpu.memory_space<vmem>>, vector<16xf32>,
      %mul3A_1128 = arith.constant 16 : i32
      %mul3A_1129 = arith.muli %scan3A_1046, %mul3A_1128 : i32
      %add3A_1130 = arith.constant 2816 : i32
      %add3A_1131 = arith.addi %add3A_1130, %mul3A_1129 : i32
      %get3A_1132 = arith.index_cast %add3A_1131 : i32 to index
      %get3A_1133 = tpu.vector_load %arg9[%get3A_1132] {strides = array<i32>} : memref<4352xf32, #tpu.memory_space<vmem>>, vector<16xf32>,
      %mul3A_1134 = arith.mulf %get3A_1127, %get3A_1133 : vector<16xf32>
      %add3A_1135 = arith.addf %add3A_1121, %mul3A_1134 : vector<16xf32>
      %mul3A_1136 = arith.constant 16 : i32
      %mul3A_1137 = arith.muli %scan3A_1046, %mul3A_1136 : i32
      %add3A_1138 = arith.constant 3072 : i32
      %add3A_1139 = arith.addi %add3A_1138, %mul3A_1137 : i32
      %get3A_1140 = arith.index_cast %add3A_1139 : i32 to index
      %get3A_1141 = tpu.vector_load %arg9[%get3A_1140] {strides = array<i32>} : memref<4352xf32, #tpu.memory_space<vmem>>, vector<16xf32>,
      %mul3A_1142 = arith.constant 16 : i32
      %mul3A_1143 = arith.muli %scan3A_1046, %mul3A_1142 : i32
      %add3A_1144 = arith.constant 3328 : i32
      %add3A_1145 = arith.addi %add3A_1144, %mul3A_1143 : i32
      %get3A_1146 = arith.index_cast %add3A_1145 : i32 to index
      %get3A_1147 = tpu.vector_load %arg9[%get3A_1146] {strides = array<i32>} : memref<4352xf32, #tpu.memory_space<vmem>>, vector<16xf32>,
      %mul3A_1148 = arith.mulf %get3A_1141, %get3A_1147 : vector<16xf32>
      %add3A_1149 = arith.addf %add3A_1135, %mul3A_1148 : vector<16xf32>
      %mul3A_1150 = arith.constant 16 : i32
      %mul3A_1151 = arith.muli %scan3A_1046, %mul3A_1150 : i32
      %add3A_1152 = arith.constant 3584 : i32
      %add3A_1153 = arith.addi %add3A_1152, %mul3A_1151 : i32
      %get3A_1154 = arith.index_cast %add3A_1153 : i32 to index
      %get3A_1155 = tpu.vector_load %arg9[%get3A_1154] {strides = array<i32>} : memref<4352xf32, #tpu.memory_space<vmem>>, vector<16xf32>,
      %mul3A_1156 = arith.constant 16 : i32
      %mul3A_1157 = arith.muli %scan3A_1046, %mul3A_1156 : i32
      %add3A_1158 = arith.constant 3840 : i32
      %add3A_1159 = arith.addi %add3A_1158, %mul3A_1157 : i32
      %get3A_1160 = arith.index_cast %add3A_1159 : i32 to index
      %get3A_1161 = tpu.vector_load %arg9[%get3A_1160] {strides = array<i32>} : memref<4352xf32, #tpu.memory_space<vmem>>, vector<16xf32>,
      %mul3A_1162 = arith.mulf %get3A_1155, %get3A_1161 : vector<16xf32>
      %add3A_1163 = arith.addf %add3A_1149, %mul3A_1162 : vector<16xf32>
      %mul3A_1164 = arith.constant 16 : i32
      %mul3A_1165 = arith.muli %scan3A_1046, %mul3A_1164 : i32
      %add3A_1166 = arith.constant 4096 : i32
      %add3A_1167 = arith.addi %add3A_1166, %mul3A_1165 : i32
      %swap3A = arith.index_cast %add3A_1167 : i32 to index
      %swap3A_1168 = tpu.vector_load %arg9[%swap3A] {strides = array<i32>} : memref<4352xf32, #tpu.memory_space<vmem>>, vector<16xf32>,
      tpu.vector_store %arg9[%swap3A], %add3A_1163 {strides = array<i32>} : memref<4352xf32, #tpu.memory_space<vmem>>, vector<16xf32>,
    }
    %scan3A_1040 = arith.constant 16 : i32
    %mul3A_1041 = arith.constant 16384 : i32
    %mul3A_1042 = arith.muli %arg0, %mul3A_1041 : i32
    %add3A_1043 = arith.constant 12288 : i32
    %add3A_1044 = arith.addi %mul3A_1042, %add3A_1043 : i32
    %add3A_1045 = arith.addi %add3A_1044, %mul3A_805 : i32
    "tpu.region"() ({
      %run_scoped3A = tpu.sem_alloc : memref<!tpu.dma_semaphore, #tpu.memory_space<semaphore_mem>>
      %dma_start3A_1046 = arith.constant 4096 : i32
      %dma_start3A_1047 = tpu.memref_slice %arg9[%dma_start3A_1046] : memref<4352xf32, #tpu.memory_space<vmem>> -> memref<256xf32, #tpu.memory_space<vmem>>
      %dma_start3A_1048 = tpu.memref_slice %arg5[%add3A_1045] : memref<32768xf32, #tpu.memory_space<hbm>> -> memref<256xf32, #tpu.memory_space<hbm>>
      %dma_start3A_1049 = tpu.memref_slice %arg5[%add3A_1045] : memref<32768xf32, #tpu.memory_space<hbm>> -> memref<256xf32, #tpu.memory_space<hbm>>
      %dma_start3A_1050 = arith.constant 4096 : i32
      %dma_start3A_1051 = tpu.memref_slice %arg9[%dma_start3A_1050] : memref<4352xf32, #tpu.memory_space<vmem>> -> memref<256xf32, #tpu.memory_space<vmem>>
      tpu.enqueue_dma source(%dma_start3A_1051 : memref<256xf32, #tpu.memory_space<vmem>>) target(%dma_start3A_1049 : memref<256xf32, #tpu.memory_space<hbm>>) target_semaphore(%run_scoped3A : memref<!tpu.dma_semaphore, #tpu.memory_space<semaphore_mem>>)
      %dma_wait3A_1052 = arith.constant 4096 : i32
      %dma_wait3A_1053 = tpu.memref_slice %arg9[%dma_wait3A_1052] : memref<4352xf32, #tpu.memory_space<vmem>> -> memref<256xf32, #tpu.memory_space<vmem>>
      %dma_wait3A_1054 = tpu.memref_slice %arg5[%add3A_1045] : memref<32768xf32, #tpu.memory_space<hbm>> -> memref<256xf32, #tpu.memory_space<hbm>>
      %dma_wait3A_1055 = tpu.memref_slice %arg5[%add3A_1045] : memref<32768xf32, #tpu.memory_space<hbm>> -> memref<256xf32, #tpu.memory_space<hbm>>
      %dma_wait3A_1056 = arith.constant 4096 : i32
      %dma_wait3A_1057 = tpu.memref_slice %arg9[%dma_wait3A_1056] : memref<4352xf32, #tpu.memory_space<vmem>> -> memref<256xf32, #tpu.memory_space<vmem>>
      tpu.wait_dma2 semaphore(%run_scoped3A : memref<!tpu.dma_semaphore, #tpu.memory_space<semaphore_mem>>) src(%dma_wait3A_1057 : memref<256xf32, #tpu.memory_space<vmem>>) dst(%dma_wait3A_1055 : memref<256xf32, #tpu.memory_space<hbm>>)
      tpu.yield
    }) : () -> ()
    return
  }
}

</mosaic_0001>

<sc_bundles>
// kernel: _run.3.cloned.1.call-start
scs
__scs_entry_jumppad:
0x0: {  	(pc) =	sbr.rel $0x88, $3  }
0x1: {  	(tag) =	ssettag $0x0;
	lr =	simm.s32 $0x1  }
0x2: {  	[smem:$0x3F9E] =	sst lr;
	_ =	strace $0xD0000000  }
0x3: {  	_ = 	snop  }
0x4: {  	_ = 	snop  }
0x5: {  	_ = 	snop  }
0x6: {  	_ = 	snop  }
0x7: {  	_ = 	snop  }
__scs_overlays_trampoline_lowered:
0x8: {  	[smem:$0x3FAD] =	sst s0  }
0x9: {  	[smem:$0x3FAE] =	sst s1  }
0xa: {  	[smem:$0x3FAF] =	sst s2  }
0xb: {  	[smem:$0x3FB0] =	sst s3  }
0xc: {  	[smem:$0x3FB1] =	sst s4  }
0xd: {  	[smem:$0x3FB2] =	sst s5  }
0xe: {  	[smem:$0x3FB3] =	sst s6  }
0xf: {  	[smem:$0x3FB4] =	sst s7  }
0x10: {  	[smem:$0x3FB5] =	sst s8  }
0x11: {  	[smem:$0x3FB6] =	sst s9;
	s0 =	simm.s32 @!p0 $0x0  }
0x12: {  	s1 =	sld [smem:$0x3F9C];
	s0 =	simm.s32 @p0 $0x1  }
0x13: {  	[smem:$0x3FB7] =	sst s0;
	s0 =	simm.s32 @!p1 $0x0  }
0x14: {  	s2 =	sld [smem:$0x3F9B];
	s0 =	simm.s32 @p1 $0x1  }
0x15: {  	[smem:$0x3FB8] =	sst s0;
	s0 =	simm.s32 @!p2 $0x0  }
0x16: {  	s3 =	sld [smem:$0x3FDB];
	s0 =	simm.s32 @p2 $0x1  }
0x17: {  	s4 =	simm.s32 $0x1BF5;
	[smem:$0x3FBA] =	sst s0  }
0x18: {  	s0 =	sld [smem:$0x3F9D];
	_ =	swait.ge [sflag:s4], $0x0  }
0x19: {  	s7 =	sld [smem:$0x3F9E]  }
0x1a: {  	s8 =	sadd.s32 $0xFFFFE003, lr  }
0x1b: {  	s9 =	sadd.s32 $0xFFFFFEF7, lr;
	s5 =	simm.s32 $0xFFFFFFFF;
	p2 =	slt.u32 s8, $0xFFFFF086  }
0x1c: {  	p1 =	slt.u32 s9, $0xF7A;
	s5 =	simm.s32 @!p2 $0x0  }
0x1d: {  	s5 =	simm.s32 @p1 $0x1;
	p0 =	seq.s32 s7, s2  }
0x1e: {  	s7 =	smul.u32 @!p0 $0xF7A, s2;
	p2 =	seq.s32 @!p0 s5, $0x0  }
0x1f: {  	s9 =	smul.u32 $0xF7A, s1;
	s8 =	simm.s32 @!p0 $0x1BF5;
	p2 =	por !p2, p0  }
0x20: {  	[sflag:s8] =	ssyncset.s32 @!p0 $0xFFFFF086;
	s6 =	sadd.s32 @!p0 s3, s7;
	s7 =	simm.s32 @!p0 $0x108  }
0x21: {  	s3 =	sadd.s32 s3, s9;
	s6 =	sadd.s32 @!p0 $0x88, s6;
	s7 =	simm.s32 @p2 $0x1082  }
0x22: {  	[simem:s7], [sflag:s8] =	dma.local @!p0 [hbm:s6], $0xF7A  }
0x23: {  	s9 =	sor.u32 $0xD0000000, s2;
	s6 =	simm.s32 $0x108;
	_ =	swait.ge @!p0 [sflag:s8], $0x0  }
0x24: {  	s3 =	sadd.s32 $0x88, s3;
	s6 =	simm.s32 @!p1 $0x1082;
	[sflag:s4] =	ssyncset.s32 $0xFFFFF086  }
0x25: {  	[simem:s6], [sflag:s4] =	dma.local [hbm:s3], $0xF7A  }
0x26: {  	[smem:$0x3F9E] =	sst s1;
	(tag) =	ssettag s2;
	_ =	strace s9  }
0x27: {  	s1 =	sld [smem:$0x3FAE]  }
0x28: {  	s2 =	sld [smem:$0x3FAF]  }
0x29: {  	s4 =	sld [smem:$0x3FB1]  }
0x2a: {  	p0 =	seq.s32 s5, $0x0;
	s5 =	sld [smem:$0x3FB2]  }
0x2b: {  	s6 =	sld [smem:$0x3FB3]  }
0x2c: {  	s7 =	sld [smem:$0x3FB4]  }
0x2d: {  	s3 =	simm.s32 $0x108;
	s8 =	sld [smem:$0x3FB5]  }
0x2e: {  	s3 =	simm.s32 @!p0 $0x1082;
	s9 =	sld [smem:$0x3FB6]  }
0x2f: {  	lr =	sadd.s32 s0, s3;
	s0 =	sld [smem:$0x3FAD]  }
0x30: {  	s3 =	sld [smem:$0x3FB0]  }
0x31: {  	[smem:$0x3FB9] =	sst s10  }
0x32: {  	s10 =	sld [smem:$0x3FB7];
	_ =	sdelay $0x3  }
0x33: {  	p0 =	seq.s32 s10, $0x1;
	s10 =	sld [smem:$0x3FB9];
	_ =	sdelay $0x3  }
0x34: {  	[smem:$0x3FB9] =	sst s10  }
0x35: {  	s10 =	sld [smem:$0x3FB8];
	_ =	sdelay $0x3  }
0x36: {  	p1 =	seq.s32 s10, $0x1;
	s10 =	sld [smem:$0x3FB9];
	_ =	sdelay $0x3  }
0x37: {  	[smem:$0x3FB9] =	sst s10  }
0x38: {  	s10 =	sld [smem:$0x3FBA]  }
0x39: {  	_ = 	snop;
	(pc) =	sbr.ind lr, $3  }
0x3a: {  	_ = 	snop  }
0x3b: {  	_ = 	snop  }
0x3c: {  	p2 =	seq.s32 s10, $0x1;
	s10 =	sld [smem:$0x3FB9]  }
0x3d: {  	_ =	shalt  }
0x3e: {  	_ =	shalt  }
0x3f: {  	_ =	shalt  }
0x40: {  	_ =	shalt  }
0x41: {  	_ =	shalt  }
0x42: {  	_ =	shalt  }
0x43: {  	_ =	shalt  }
0x44: {  	_ =	shalt  }
0x45: {  	_ =	shalt  }
0x46: {  	_ =	shalt  }
0x47: {  	_ =	shalt  }
0x48: {  	_ =	shalt  }
0x49: {  	_ =	shalt  }
0x4a: {  	_ =	shalt  }
0x4b: {  	_ =	shalt  }
0x4c: {  	_ =	shalt  }
0x4d: {  	_ =	shalt  }
0x4e: {  	_ =	shalt  }
0x4f: {  	_ =	shalt  }
0x50: {  	_ =	shalt  }
0x51: {  	_ =	shalt  }
0x52: {  	_ =	shalt  }
0x53: {  	_ =	shalt  }
0x54: {  	_ =	shalt  }
0x55: {  	_ =	shalt  }
0x56: {  	_ =	shalt  }
0x57: {  	_ =	shalt  }
0x58: {  	_ =	shalt  }
0x59: {  	_ =	shalt  }
0x5a: {  	_ =	shalt  }
0x5b: {  	_ =	shalt  }
0x5c: {  	_ =	shalt  }
0x5d: {  	_ =	shalt  }
0x5e: {  	_ =	shalt  }
0x5f: {  	_ =	shalt  }
0x60: {  	_ =	shalt  }
0x61: {  	_ =	shalt  }
0x62: {  	_ =	shalt  }
0x63: {  	_ =	shalt  }
0x64: {  	_ =	shalt  }
0x65: {  	_ =	shalt  }
0x66: {  	_ =	shalt  }
0x67: {  	_ =	shalt  }
0x68: {  	_ =	shalt  }
0x69: {  	_ =	shalt  }
0x6a: {  	_ =	shalt  }
0x6b: {  	_ =	shalt  }
0x6c: {  	_ =	shalt  }
0x6d: {  	_ =	shalt  }
0x6e: {  	_ =	shalt  }
0x6f: {  	_ =	shalt  }
0x70: {  	_ =	shalt  }
0x71: {  	_ =	shalt  }
0x72: {  	_ =	shalt  }
0x73: {  	_ =	shalt  }
0x74: {  	_ =	shalt  }
0x75: {  	_ =	shalt  }
0x76: {  	_ =	shalt  }
0x77: {  	_ =	shalt  }
0x78: {  	_ =	shalt  }
0x79: {  	_ =	shalt  }
0x7a: {  	_ =	shalt  }
0x7b: {  	_ =	shalt  }
0x7c: {  	_ =	shalt  }
0x7d: {  	_ =	shalt  }
0x7e: {  	_ =	shalt  }
0x7f: {  	_ =	shalt  }
0x80: {  	_ =	shalt  }
0x81: {  	_ =	shalt  }
0x82: {  	_ =	shalt  }
0x83: {  	_ =	shalt  }
0x84: {  	_ =	shalt  }
0x85: {  	_ =	shalt  }
0x86: {  	_ =	shalt  }
0x87: {  	_ =	shalt  }
.Lfunc_end0:
.L_simem_size_0:
called_computation_lowered:
.L_overlay_start_0:
0x88: {  	s2 =	sld [smem:$0x3FD9]  }
0x89: {  	s3 =	sld [smem:$0x3FFE];
	_ =	sdelay $0x1  }
0x8a: {  	s1 =	srdreg.scid  }
0x8b: {  	s0 =	sand.u32 $0x1, s1  }
0x8c: {  	s17 =	sshll.u32 s0, $0xA;
	s2 =	sadd.s32 s3, s2  }
0x8d: {  	s2 =	sadd.s32 s2, s17  }
0x8e: {  	[smem:$0x3FC5] =	sst s2  }
0x8f: {  	_ = 	snop  }
0x90: {  	s2 =	sld [smem:$0x3FC9]  }
0x91: {  	s18 =	sld [smem:$0x3FC8]  }
0x92: {  	s4 =	sld [smem:$0x3FC7];
	(tm) =	ssettm $0x1  }
0x93: {  	s5 =	sld [smem:$0x3FFB];
	_ =	sdelay $0x3  }
0x94: {  	_ =	strace s5  }
0x95: {  	s5 =	sld [smem:$0x3FFC];
	_ =	sdelay $0x3  }
0x96: {  	_ =	strace s5  }
0x97: {  	s5 =	sld [smem:$0x3FFD];
	_ =	sdelay $0x3  }
0x98: {  	_ =	strace s5  }
0x99: {  	_ =	strace $0x8FFFFFFF  }
0x9a: {  	s19 =	sld [smem:$0x3FDB];
	_ =	sdelay $0x1  }
0x9b: {  	s6 =	simm.s32 $_scs_section_size  }
0x9c: {  	s7 =	simm.s32 $_size__tile_overlayer_lowered;
	s8 =	simm.s32 $_tile_overlayer_lowered  }
0x9d: {  	s22 =	simm.s32 $0x1BFF;
	s21 =	sshll.u32 s8, $0x1;
	s5 =	sadd.s32 s6, s19  }
0x9e: {  	s9 =	simm.s32 $0x0;
	s20 =	sshll.u32 s7, $0x1;
	s7 =	sadd.s32 s21, s5  }
0x9f: {  	[timem:s9], [sflag:s22] =	dma.local [hbm:s7], s20  }
0xa0: {  	_ =	swait.ge [sflag:s22], s20  }
0xa1: {  	s6 =	ssub.s32 $0x0, s20;
	[sflag:s22] =	ssyncset.done $0x0  }
0xa2: {  	[sflag:s22] =	ssyncadd.s32 s6;
	_ =	sdelay $0x1  }
0xa3: {  	s23 =	simm.s32 $0x1B8B  }
0xa4: {  	_ =	swait.ge [sflag:s23], $0x1  }
0xa5: {  	[sflag:s23] =	ssyncset.done $0x0  }
0xa6: {  	s25 =	simm.s32 $0x1B8E;
	s24 =	sld [smem:$0x3FFE];
	[sflag:s23] =	ssyncadd.s32 $0xFFFFFFFF  }
0xa7: {  	s26 =	simm.s32 $execute0_lowered;
	[smem:$0x3FD2] =	sst s25  }
0xa8: {  	s7 =	sshll.u32 s26, $0x1;
	_ =	strace $0x80000046;
	[dreg:$0x1] =	wrdreg $0xFFFFFFFF  }
0xa9: {  	s28 =	simm.s32 $_size_execute0_lowered;
	s5 =	sadd.s32 s5, s7;
	[dreg:$0x0] =	wrdreg $0x0  }
0xaa: {  	s7 =	sshll.u32 s28, $0x1;
	[dreg:$0x2] =	wrdreg s5  }
0xab: {  	[dreg:$0x3] =	wrdreg s7  }
0xac: {  	[dreg:$0x4] =	wrdreg $0xC0  }
0xad: {  	_ =	task [dreg:s9], $0x5FFFF  }
0xae: {  	[dreg:$0x1] =	wrdreg $0xFFFFFFFF  }
0xaf: {  	[dreg:$0x0] =	wrdreg $0x60  }
0xb0: {  	[dreg:$0x2] =	wrdreg s2  }
0xb1: {  	[dreg:$0x3] =	wrdreg s18  }
0xb2: {  	[dreg:$0x4] =	wrdreg s4  }
0xb3: {  	[dreg:$0x5] =	wrdreg s24  }
0xb4: {  	[dreg:$0x6] =	wrdreg $0x1B8000  }
0xb5: {  	[dreg:$0x7] =	wrdreg $0x9  }
0xb6: {  	_ =	task.clear_ibuf [dreg:s9], $0x8FFFF;
	_ =	strace $0x90000046  }
0xb7: {  	s29 =	simm.s32 $0x9;
	_ =	strace $0x80000048  }
0xb8: {  	_ =	swait.ge [sflag:s29], $0x1  }
0xb9: {  	[sflag:s29] =	ssyncadd.s32 $0xFFFFFFFF  }
0xba: {  	_ =	strace $0x90000048  }
0xbb: {  	_ =	sfence  }
0xbc: {  	s30 =	sld [smem:$0x0];
	_ =	sdelay $0x2  }
0xbd: {  	s31 =	sshll.u32 s1, $0xD;
	s1 =	sshrl.u32 s1, $0x2  }
0xbe: {  	s3 =	sand.u32 $0x4000, s31;
	s1 =	sadd.s32 s1, s30  }
0xbf: {  	s0 =	sor.u32 s3, s0;
	s1 =	sshll.u32 s1, $0x11  }
0xc0: {  	s0 =	sor.u32 s1, s0  }
0xc1: {  	s0 =	sadd.s32 $0x8F2B, s0  }
0xc2: {  	[sflag:s0] =	ssyncadd.remote.s32 $0x1  }
0xc3: {  	_ =	sfence.sel $0xFFFF  }
0xc4: {  	[dreg:$0x0] =	wrdreg $0xFFFFFFFF;
	(pc) =	sbr.abs _section_cstart, $3  }
0xc5: {  	[dreg:$0x1] =	wrdreg $0xFFFFFFFF  }
0xc6: {  	_ =	task.clear_ibuf [dreg:s9], $0x2FFFF;
	_ =	strace $0x9FFFFFFF  }
0xc7: {  	(tm) =	ssettm $0x7FFFFFFF  }
tec
execute0_lowered:
.L_overlay_start_1:
0x0: {  	(tag) =	ssettag $0x1  }
0x1: {  	s0 =	rddreg [dreg:$0x0]  }
0x2: {  	s1 =	rddreg [dreg:$0x1]  }
0x3: {  	s3 =	rddreg [dreg:$0x2]  }
0x4: {  	s11 =	stileid.u32;
	s4 =	rddreg [dreg:$0x3]  }
0x5: {  	s2 =	srdreg.scid;
	s6 =	rddreg [dreg:$0x4];
	s5 =	sand.u32 $0x1, s11  }
0x6: {  	s7 =	sand.u32 $0x1, s2;
	s2 =	simm.s32 $0x0;
	s9 =	sshll.u32 s11, $0x6  }
0x7: {  	s24 =	sshll.u32 s11, $0x8;
	s25 =	sshll.u32 s11, $0xC;
	s22 =	sshll.u32 s5, $0x1  }
0x8: {  	[smem:$0x7FF] =	sst s2;
	s9 =	sand.u32 $0x380, s9;
	s10 =	ssub.s32 $0x2, s7  }
0x9: {  	s5 =	sshll.u32 s5, $0xB;
	s12 =	sshll.u32 s7, $0xE;
	s8 =	sor.u32 s7, s22  }
0xa: {  	_ =	strace $0x80000047;
	s5 =	sadd.s32 s0, s5;
	s0 =	sor.u32 s24, s12  }
0xb: {  	s23 =	sshrl.u32 s10, $0x1;
	s8 =	smul.u32 $0xC3800, s8;
	s0 =	sshrl.u32 s0, $0x3  }
0xc: {  	s10 =	ssub.s32 s10, s23;
	[dreg:$0x7] =	wrdreg s5;
	s19 =	sor.u32 $0x200, s0  }
0xd: {  	s20 =	sadd.s32 s3, s0;
	s23 =	sor.u32 $0x400, s0;
	s8 =	sor.u32 s9, s8  }
0xe: {  	s9 =	sadd.s32 $0x400, s4;
	[dreg:$0x12] =	wrdreg s20;
	s22 =	sadd.s32 s3, s19  }
0xf: {  	s4 =	sadd.s32 s24, s6;
	s24 =	sadd.s32 s3, s23;
	[dreg:$0x14] =	wrdreg s22  }
0x10: {  	s6 =	sadd.s32 s25, s6;
	[dreg:$0x16] =	wrdreg s24  }
0x11: {  	s26 =	sadd.s32 $0x1000, s4;
	[dreg:$0x8] =	wrdreg s6  }
0x12: {  	s11 =	sadd.s32 $0x3000, s4;
	[dreg:$0x9] =	wrdreg s26  }
0x13: {  	s13 =	sadd.s32 $0x4000, s4;
	[dreg:$0xb] =	wrdreg s11  }
0x14: {  	s14 =	sadd.s32 $0x5000, s4;
	[dreg:$0xc] =	wrdreg s13  }
0x15: {  	s15 =	sadd.s32 $0x6000, s4;
	[dreg:$0xd] =	wrdreg s14  }
0x16: {  	s16 =	sadd.s32 $0x7000, s4;
	[dreg:$0xe] =	wrdreg s15  }
0x17: {  	s17 =	sadd.s32 $0x8000, s4;
	[dreg:$0xf] =	wrdreg s16  }
0x18: {  	s18 =	sadd.s32 $0x9000, s4;
	[dreg:$0x10] =	wrdreg s17  }
0x19: {  	s21 =	sadd.s32 s9, s0;
	[dreg:$0x11] =	wrdreg s18  }
0x1a: {  	s7 =	sadd.s32 $0xC000, s4;
	[dreg:$0x13] =	wrdreg s21  }
0x1b: {  	s12 =	sadd.s32 $0x11000, s6;
	[dreg:$0x1d] =	wrdreg s7  }
0x1c: {  	s20 =	sadd.s32 $0x18000, s4;
	[smem:$0x7EF] =	sst s12  }
0x1d: {  	s22 =	sadd.s32 $0x1A000, s4;
	[smem:$0x7F7] =	sst s20  }
0x1e: {  	s8 =	sshrl.u32 s8, $0x3;
	s24 =	sadd.s32 $0x1C000, s4;
	[smem:$0x7F9] =	sst s22  }
0x1f: {  	s28 =	simm.s32 $0x1AD00;
	s1 =	sadd.s32 s1, s8;
	[smem:$0x7FB] =	sst s24  }
0x20: {  	s0 =	sor.u32 $0x600, s0;
	s8 =	sadd.s32 $0x2000, s4;
	[dreg:$0x6] =	wrdreg s1  }
0x21: {  	s29 =	simm.s32 $0x1AE00;
	s25 =	sadd.s32 s3, s0;
	[dreg:$0xa] =	wrdreg s8  }
0x22: {  	s30 =	simm.s32 $0x1AF00;
	s0 =	sadd.s32 s9, s0;
	[dreg:$0x18] =	wrdreg s25  }
0x23: {  	s31 =	simm.s32 $0x1B000;
	s26 =	sadd.s32 $0xA000, s4;
	[dreg:$0x19] =	wrdreg s0  }
0x24: {  	s6 =	simm.s32 $0x1AA00;
	s3 =	sadd.s32 $0xB000, s4;
	[dreg:$0x1a] =	wrdreg s26  }
0x25: {  	s11 =	sadd.s32 $0x200, s5;
	s13 =	sadd.s32 $0x11000, s4;
	[dreg:$0x1c] =	wrdreg s3  }
0x26: {  	s14 =	sadd.s32 $0x12000, s4;
	s15 =	sadd.s32 $0x13000, s4;
	[smem:$0x7EE] =	sst s11  }
0x27: {  	s16 =	sadd.s32 $0x14000, s4;
	s17 =	sadd.s32 $0x15000, s4;
	[smem:$0x7F0] =	sst s13  }
0x28: {  	s18 =	sadd.s32 $0x16000, s4;
	s21 =	sadd.s32 $0x19000, s4;
	[smem:$0x7F1] =	sst s14  }
0x29: {  	s7 =	sadd.s32 $0x1D000, s4;
	s12 =	simm.s32 $0x18700;
	[smem:$0x7F2] =	sst s15  }
0x2a: {  	s24 =	simm.s32 $0x1AB00;
	s20 =	simm.s32 $0x1B700;
	[smem:$0x7F3] =	sst s16  }
0x2b: {  	s22 =	simm.s32 $0x0;
	s1 =	sadd.s32 s9, s19;
	[smem:$0x7F4] =	sst s17  }
0x2c: {  	s8 =	sadd.s32 $0xD000, s4;
	[smem:$0x7F5] =	sst s18;
	s19 =	sadd.s32 $0x17000, s4  }
0x2d: {  	[smem:$0x7F8] =	sst s21;
	s25 =	sadd.s32 $0x400, s5;
	s26 =	sadd.s32 $0x600, s5  }
0x2e: {  	s11 =	simm.s32 $0x2;
	s13 =	simm.s32 $0x19700;
	[dreg:$0x15] =	wrdreg s1  }
0x2f: {  	s14 =	simm.s32 $0x1A800;
	s15 =	simm.s32 $0x1A900;
	[dreg:$0x1e] =	wrdreg s8  }
0x30: {  	s0 =	simm.s32 $0x1B100;
	s3 =	simm.s32 $0x1B200;
	[smem:$0x7F6] =	sst s19  }
0x31: {  	s16 =	simm.s32 $0x1B300;
	s17 =	simm.s32 $0x1B400;
	[smem:$0x7FC] =	sst s25  }
0x32: {  	s18 =	simm.s32 $0x1B500;
	s1 =	sadd.s32 s9, s23;
	[smem:$0x7FD] =	sst s26  }
0x33: {  	s21 =	simm.s32 $0x1;
	s9 =	sadd.s32 $0xE000, s4;
	[dreg:$0x17] =	wrdreg s1  }
0x34: {  	s23 =	sadd.s32 $0x1B000, s4;
	s8 =	sadd.s32 $0x1E000, s4;
	[dreg:$0x1f] =	wrdreg s9  }
0x35: {  	s26 =	simm.s32 $0x1AC00;
	s1 =	smax.u32 s10, $0x1;
	[smem:$0x7FA] =	sst s23  }
0x36: {  	s19 =	simm.s32 $0x1B600;
	s10 =	sadd.s32 $0xF000, s4;
	[dreg:$0x1b] =	wrdreg s1  }
0x37: {  	s9 =	sadd.s32 $0x1F000, s4;
	[smem:$0x7ED] =	sst s10;
	s10 =	sadd.s32 $0x20000, s4  }
.LBB2_1:
0x38: {  	s1 =	rddreg [dreg:$0x6];
	s5 =	simm.s32 $0x80;
	s23 =	simm.s32 $0x400  }
0x39: {  	[tilespmem:s2], [sflag:$0x2] =	stream.strided.gather [hbm4b:s1+s5], $0x18700, s23, s5, $0x38;
	[tilespmem:$0x1DA00] =	vst v63  }
0x3a: {  	_ =	swait.ge [sflag:s11], $0x18700  }
0x3b: {  	[sflag:s11] =	ssyncset.done $0x0  }
0x3c: {  	s25 =	rddreg [dreg:$0x7];
	[sflag:s11] =	ssyncadd.s32 $0xFFFE7900  }
0x3d: {  	[tilespmem:s12], [sflag:$0x2] =	stream.linear.gather [hbm4b:s25+s2], $0x1000, $0x38;
	[tilespmem:$0x1DA00] =	vst v63  }
0x3e: {  	_ =	swait.ge [sflag:s11], $0x1000  }
0x3f: {  	[sflag:s11] =	ssyncset.done $0x0  }
0x40: {  	s1 =	simm.s32 $0x0;
	[sflag:s11] =	ssyncadd.s32 $0xFFFFF000  }
0x41: {  	v0 =	vld [tilespmem:s1+$0x18700];
	_ =	sdelay $0x7  }
0x42: {  	s23 =	simm.s32 $0x10;
	s25 =	simm.s32 $0x80;
	v0 =	vld.idx.msk [tilespmem:v0+s2+$0x0], $0xffff  }
.LBB2_2:
0x43: {  	p0 =	sne.s32 s25, $0x3FC0;
	v1 =	vld [tilespmem:s23+$0x18700];
	_ =	sdelay $0x3  }
.Ltmp0:
0x44: {  	(pc) =	sbr.rel @p0 .LBB2_2-.Ltmp0, $2  }
0x45: {  	[tilespmem:s1+$0x19700] =	vst v0;
	s1 =	smov.u32 s23;
	_ =	sdelay $0x2  }
0x46: {  	s23 =	sshra.s32 s25, $0x2;
	s25 =	sadd.s32 $0x40, s25;
	v0 =	vld.idx.msk [tilespmem:v1+s2+$0x0], $0xffff  }
0x47: {  	v1 =	vld [tilespmem:s23+$0x18700];
	_ =	sdelay $0x6  }
0x48: {  	[tilespmem:s1+$0x19700] =	vst v0  }
0x49: {  	v0 =	vld.idx.msk [tilespmem:v1+s2+$0x0], $0xffff;
	_ =	sdelay $0x4  }
0x4a: {  	s25 =	rddreg [dreg:$0x8];
	[tilespmem:s23+$0x19700] =	vst v0  }
0x4b: {  	[spmem:s25] =	stream.linear.scatter [tilespmem:s13], [sflag:$0x2], $0x1000, $0x38;
	[tilespmem:$0x1DA00] =	vst v63  }
0x4c: {  	_ =	swait.ge [sflag:s11], $0x1000  }
0x4d: {  	[sflag:s11] =	ssyncset.done $0x0  }
0x4e: {  	[sflag:s11] =	ssyncadd.s32 $0xFFFFF000  }
0x4f: {  	s23 =	simm.s32 $0x1A700;
	[bflag:$0x0] =	sbarrier.arrive $0xFFFF  }
0x50: {  	[tilespmem:s23], [sflag:$0x1] =	stream.linear.gather [spmem:s4], $0x100, $0x38;
	[tilespmem:$0x1DA00] =	vst v63  }
0x51: {  	s5 =	rddreg [dreg:$0x9]  }
0x52: {  	s25 =	rddreg [dreg:$0xa]  }
0x53: {  	[tilespmem:s14], [sflag:$0x1] =	stream.linear.gather [spmem:s5], $0x100, $0x38;
	[tilespmem:$0x1DA00] =	vst v63  }
0x54: {  	s5 =	rddreg [dreg:$0xb]  }
0x55: {  	[tilespmem:s15], [sflag:$0x1] =	stream.linear.gather [spmem:s25], $0x100, $0x38;
	[tilespmem:$0x1DA00] =	vst v63  }
0x56: {  	s25 =	rddreg [dreg:$0xc]  }
0x57: {  	[tilespmem:s6], [sflag:$0x1] =	stream.linear.gather [spmem:s5], $0x100, $0x38;
	[tilespmem:$0x1DA00] =	vst v63  }
0x58: {  	s5 =	rddreg [dreg:$0xd]  }
0x59: {  	[tilespmem:s24], [sflag:$0x1] =	stream.linear.gather [spmem:s25], $0x100, $0x38;
	[tilespmem:$0x1DA00] =	vst v63  }
0x5a: {  	s25 =	rddreg [dreg:$0xe]  }
0x5b: {  	[tilespmem:s26], [sflag:$0x1] =	stream.linear.gather [spmem:s5], $0x100, $0x38;
	[tilespmem:$0x1DA00] =	vst v63  }
0x5c: {  	s5 =	rddreg [dreg:$0xf]  }
0x5d: {  	[tilespmem:s28], [sflag:$0x1] =	stream.linear.gather [spmem:s25], $0x100, $0x38;
	[tilespmem:$0x1DA00] =	vst v63  }
0x5e: {  	s25 =	rddreg [dreg:$0x10]  }
0x5f: {  	[tilespmem:s29], [sflag:$0x1] =	stream.linear.gather [spmem:s5], $0x100, $0x38;
	[tilespmem:$0x1DA00] =	vst v63  }
0x60: {  	s5 =	rddreg [dreg:$0x11]  }
0x61: {  	[tilespmem:s30], [sflag:$0x1] =	stream.linear.gather [spmem:s25], $0x100, $0x38;
	[tilespmem:$0x1DA00] =	vst v63  }
0x62: {  	s25 =	rddreg [dreg:$0x1a]  }
0x63: {  	[tilespmem:s31], [sflag:$0x1] =	stream.linear.gather [spmem:s5], $0x100, $0x38;
	[tilespmem:$0x1DA00] =	vst v63  }
0x64: {  	s5 =	rddreg [dreg:$0x1c]  }
0x65: {  	[tilespmem:s0], [sflag:$0x1] =	stream.linear.gather [spmem:s25], $0x100, $0x38;
	[tilespmem:$0x1DA00] =	vst v63  }
0x66: {  	s25 =	rddreg [dreg:$0x1d]  }
0x67: {  	[tilespmem:s3], [sflag:$0x1] =	stream.linear.gather [spmem:s5], $0x100, $0x38;
	[tilespmem:$0x1DA00] =	vst v63  }
0x68: {  	s5 =	rddreg [dreg:$0x1e]  }
0x69: {  	[tilespmem:s16], [sflag:$0x1] =	stream.linear.gather [spmem:s25], $0x100, $0x38;
	[tilespmem:$0x1DA00] =	vst v63  }
0x6a: {  	s25 =	rddreg [dreg:$0x1f]  }
0x6b: {  	[tilespmem:s17], [sflag:$0x1] =	stream.linear.gather [spmem:s5], $0x100, $0x38;
	[tilespmem:$0x1DA00] =	vst v63  }
0x6c: {  	s5 =	sld [smem:$0x7ED]  }
0x6d: {  	[tilespmem:s18], [sflag:$0x1] =	stream.linear.gather [spmem:s25], $0x100, $0x38;
	[tilespmem:$0x1DA00] =	vst v63  }
0x6e: {  	_ = 	snop  }
0x6f: {  	[tilespmem:s19], [sflag:$0x1] =	stream.linear.gather [spmem:s5], $0x100, $0x38;
	[tilespmem:$0x1DA00] =	vst v63  }
0x70: {  	s25 =	simm.s32 $0x0;
	s5 =	rddreg [dreg:$0x12]  }
0x71: {  	[tilespmem:s20], [sflag:$0x2] =	stream.linear.gather [hbm4b:s5+s25], $0x100, $0x38;
	[tilespmem:$0x1DA00] =	vst v63  }
0x72: {  	_ =	swait.ge [sflag:s11], $0x100  }
0x73: {  	[sflag:s11] =	ssyncset.done $0x0  }
0x74: {  	[sflag:s11] =	ssyncadd.s32 $0xFFFFFF00  }
0x75: {  	_ =	swait.ge [sflag:s21], $0x100  }
0x76: {  	[sflag:s21] =	ssyncset.done $0x0  }
0x77: {  	[sflag:s21] =	ssyncadd.s32 $0xFFFFFF00  }
0x78: {  	_ =	swait.ge [sflag:s21], $0x100  }
0x79: {  	[sflag:s21] =	ssyncset.done $0x0  }
0x7a: {  	[sflag:s21] =	ssyncadd.s32 $0xFFFFFF00  }
0x7b: {  	_ =	swait.ge [sflag:s21], $0x100  }
0x7c: {  	[sflag:s21] =	ssyncset.done $0x0  }
0x7d: {  	[sflag:s21] =	ssyncadd.s32 $0xFFFFFF00  }
0x7e: {  	_ =	swait.ge [sflag:s21], $0x100  }
0x7f: {  	[sflag:s21] =	ssyncset.done $0x0  }
0x80: {  	[sflag:s21] =	ssyncadd.s32 $0xFFFFFF00  }
0x81: {  	_ =	swait.ge [sflag:s21], $0x100  }
0x82: {  	[sflag:s21] =	ssyncset.done $0x0  }
0x83: {  	[sflag:s21] =	ssyncadd.s32 $0xFFFFFF00  }
0x84: {  	_ =	swait.ge [sflag:s21], $0x100  }
0x85: {  	[sflag:s21] =	ssyncset.done $0x0  }
0x86: {  	[sflag:s21] =	ssyncadd.s32 $0xFFFFFF00  }
0x87: {  	_ =	swait.ge [sflag:s21], $0x100  }
0x88: {  	[sflag:s21] =	ssyncset.done $0x0  }
0x89: {  	[sflag:s21] =	ssyncadd.s32 $0xFFFFFF00  }
0x8a: {  	_ =	swait.ge [sflag:s21], $0x100  }
0x8b: {  	[sflag:s21] =	ssyncset.done $0x0  }
0x8c: {  	[sflag:s21] =	ssyncadd.s32 $0xFFFFFF00  }
0x8d: {  	_ =	swait.ge [sflag:s21], $0x100  }
0x8e: {  	[sflag:s21] =	ssyncset.done $0x0  }
0x8f: {  	[sflag:s21] =	ssyncadd.s32 $0xFFFFFF00  }
0x90: {  	_ =	swait.ge [sflag:s21], $0x100  }
0x91: {  	[sflag:s21] =	ssyncset.done $0x0  }
0x92: {  	[sflag:s21] =	ssyncadd.s32 $0xFFFFFF00  }
0x93: {  	_ =	swait.ge [sflag:s21], $0x100  }
0x94: {  	[sflag:s21] =	ssyncset.done $0x0  }
0x95: {  	[sflag:s21] =	ssyncadd.s32 $0xFFFFFF00  }
0x96: {  	_ =	swait.ge [sflag:s21], $0x100  }
0x97: {  	[sflag:s21] =	ssyncset.done $0x0  }
0x98: {  	[sflag:s21] =	ssyncadd.s32 $0xFFFFFF00  }
0x99: {  	_ =	swait.ge [sflag:s21], $0x100  }
0x9a: {  	[sflag:s21] =	ssyncset.done $0x0  }
0x9b: {  	[sflag:s21] =	ssyncadd.s32 $0xFFFFFF00  }
0x9c: {  	_ =	swait.ge [sflag:s21], $0x100  }
0x9d: {  	[sflag:s21] =	ssyncset.done $0x0  }
0x9e: {  	[sflag:s21] =	ssyncadd.s32 $0xFFFFFF00  }
0x9f: {  	_ =	swait.ge [sflag:s21], $0x100  }
0xa0: {  	[sflag:s21] =	ssyncset.done $0x0  }
0xa1: {  	[sflag:s21] =	ssyncadd.s32 $0xFFFFFF00  }
0xa2: {  	_ =	swait.ge [sflag:s21], $0x100  }
0xa3: {  	[sflag:s21] =	ssyncset.done $0x0  }
0xa4: {  	s25 =	sand.u32 $0xF0, s25;
	[sflag:s21] =	ssyncadd.s32 $0xFFFFFF00  }
0xa5: {  	v0 =	vld [tilespmem:s25+$0x1A900]  }
0xa6: {  	s1 =	simm.s32 $0x10;
	v1 =	vld [tilespmem:s25+$0x1A800]  }
.LBB2_4:
0xa7: {  	p0 =	sne.s32 s1, $0xF0;
	v2 =	vld [tilespmem:s23+$0x0]  }
0xa8: {  	v3 =	vld [tilespmem:s25+$0x1AA00]  }
0xa9: {  	v4 =	vld [tilespmem:s25+$0x1B700]  }
0xaa: {  	v5 =	vld [tilespmem:s25+$0x1AB00]  }
0xab: {  	v6 =	vld [tilespmem:s25+$0x1AC00]  }
0xac: {  	v1 =	vmul.f32 v1, v2;
	v2 =	vld [tilespmem:s25+$0x1AD00]  }
0xad: {  	v7 =	vld [tilespmem:s25+$0x1AE00]  }
0xae: {  	v0 =	vmul.f32 v3, v0;
	v1 =	vadd.f32 v1, v4;
	v3 =	vld [tilespmem:s25+$0x1AF00]  }
0xaf: {  	v4 =	vld [tilespmem:s25+$0x1B000]  }
0xb0: {  	v0 =	vadd.f32 v0, v1;
	v1 =	vmul.f32 v6, v5;
	v5 =	vld [tilespmem:s25+$0x1B100]  }
0xb1: {  	v6 =	vld [tilespmem:s25+$0x1B200]  }
0xb2: {  	v0 =	vadd.f32 v1, v0;
	v1 =	vmul.f32 v7, v2;
	v2 =	vld [tilespmem:s25+$0x1B300]  }
0xb3: {  	v7 =	vld [tilespmem:s25+$0x1B400]  }
0xb4: {  	v0 =	vadd.f32 v1, v0;
	v1 =	vmul.f32 v4, v3;
	v3 =	vld [tilespmem:s25+$0x1B500]  }
0xb5: {  	v4 =	vld [tilespmem:s25+$0x1B600]  }
0xb6: {  	v0 =	vadd.f32 v1, v0;
	v1 =	vmul.f32 v6, v5;
	_ =	sdelay $0x1  }
0xb7: {  	v0 =	vadd.f32 v1, v0;
	v1 =	vmul.f32 v7, v2;
	_ =	sdelay $0x1  }
.Ltmp1:
0xb8: {  	v0 =	vadd.f32 v1, v0;
	v1 =	vmul.f32 v4, v3;
	(pc) =	sbr.rel @p0 .LBB2_4-.Ltmp1, $4  }
0xb9: {  	_ = 	snop  }
0xba: {  	s5 =	sand.u32 $0xF0, s1;
	v2 =	vadd.f32 v1, v0  }
0xbb: {  	v0 =	vld [tilespmem:s5+$0x1A900]  }
0xbc: {  	s1 =	sadd.s32 $0x10, s1;
	s23 =	sadd.s32 $0x10, s23;
	v1 =	vld [tilespmem:s5+$0x1A800];
	[tilespmem:s25+$0x1B700] =	vst v2;
	s25 =	smov.u32 s5  }
0xbd: {  	v2 =	vld [tilespmem:s23+$0x0]  }
0xbe: {  	v3 =	vld [tilespmem:s25+$0x1AA00]  }
0xbf: {  	v4 =	vld [tilespmem:s25+$0x1B700]  }
0xc0: {  	v5 =	vld [tilespmem:s25+$0x1AB00]  }
0xc1: {  	v6 =	vld [tilespmem:s25+$0x1AC00]  }
0xc2: {  	v7 =	vld [tilespmem:s25+$0x1AE00];
	v1 =	vmul.f32 v1, v2  }
0xc3: {  	v2 =	vld [tilespmem:s25+$0x1AD00]  }
0xc4: {  	v59 =	vld [tilespmem:s25+$0x1B000];
	v0 =	vmul.f32 v3, v0;
	v1 =	vadd.f32 v1, v4  }
0xc5: {  	v3 =	vld [tilespmem:s25+$0x1AF00]  }
0xc6: {  	v60 =	vld [tilespmem:s25+$0x1B100];
	v0 =	vadd.f32 v0, v1;
	v1 =	vmul.f32 v6, v5  }
0xc7: {  	v61 =	vld [tilespmem:s25+$0x1B200]  }
0xc8: {  	v62 =	vld [tilespmem:s25+$0x1B400];
	v0 =	vadd.f32 v1, v0;
	v1 =	vmul.f32 v7, v2  }
0xc9: {  	v2 =	vld [tilespmem:s25+$0x1B300]  }
0xca: {  	v63 =	vld [tilespmem:s25+$0x1B600];
	v0 =	vadd.f32 v1, v0;
	v1 =	vmul.f32 v59, v3  }
0xcb: {  	v3 =	vld [tilespmem:s25+$0x1B500]  }
0xcc: {  	v0 =	vadd.f32 v1, v0;
	v1 =	vmul.f32 v61, v60;
	_ =	sdelay $0x1  }
0xcd: {  	v0 =	vadd.f32 v1, v0;
	v1 =	vmul.f32 v62, v2;
	_ =	sdelay $0x1  }
0xce: {  	v0 =	vadd.f32 v1, v0;
	v1 =	vmul.f32 v63, v3;
	_ =	sdelay $0x1  }
0xcf: {  	v0 =	vadd.f32 v1, v0;
	_ =	sdelay $0x1  }
0xd0: {  	s1 =	simm.s32 $0x0;
	s5 =	rddreg [dreg:$0x13];
	[tilespmem:s25+$0x1B700] =	vst v0  }
0xd1: {  	[hbm4b:s5+s1] =	stream.linear.scatter [tilespmem:s20], [sflag:$0x2], $0x100, $0x38;
	[tilespmem:$0x1DA00] =	vst v63  }
0xd2: {  	_ =	swait.ge [sflag:s11], $0x100  }
0xd3: {  	s25 =	sld [smem:$0x7EE]  }
0xd4: {  	[sflag:s11] =	ssyncset.done $0x0  }
0xd5: {  	[sflag:s11] =	ssyncadd.s32 $0xFFFFFF00  }
0xd6: {  	[tilespmem:s12], [sflag:$0x2] =	stream.linear.gather [hbm4b:s25+s1], $0x1000, $0x38;
	[tilespmem:$0x1DA00] =	vst v63  }
0xd7: {  	_ =	swait.ge [sflag:s11], $0x1000  }
0xd8: {  	[sflag:s11] =	ssyncset.done $0x0  }
0xd9: {  	s1 =	simm.s32 $0x0;
	[sflag:s11] =	ssyncadd.s32 $0xFFFFF000  }
0xda: {  	v0 =	vld [tilespmem:s1+$0x18700];
	_ =	sdelay $0x7  }
0xdb: {  	s23 =	simm.s32 $0x10;
	s25 =	simm.s32 $0x80;
	v0 =	vld.idx.msk [tilespmem:v0+s2+$0x0], $0xffff  }
.LBB2_6:
0xdc: {  	p0 =	sne.s32 s25, $0x3FC0;
	v1 =	vld [tilespmem:s23+$0x18700];
	_ =	sdelay $0x3  }
.Ltmp2:
0xdd: {  	(pc) =	sbr.rel @p0 .LBB2_6-.Ltmp2, $2  }
0xde: {  	[tilespmem:s1+$0x19700] =	vst v0;
	s1 =	smov.u32 s23;
	_ =	sdelay $0x2  }
0xdf: {  	s23 =	sshra.s32 s25, $0x2;
	s25 =	sadd.s32 $0x40, s25;
	v0 =	vld.idx.msk [tilespmem:v1+s2+$0x0], $0xffff  }
0xe0: {  	v1 =	vld [tilespmem:s23+$0x18700];
	_ =	sdelay $0x6  }
0xe1: {  	[tilespmem:s1+$0x19700] =	vst v0  }
0xe2: {  	v0 =	vld.idx.msk [tilespmem:v1+s2+$0x0], $0xffff;
	_ =	sdelay $0x4  }
0xe3: {  	[tilespmem:s23+$0x19700] =	vst v0;
	s23 =	sld [smem:$0x7EF];
	_ =	sdelay $0x2  }
0xe4: {  	[spmem:s23] =	stream.linear.scatter [tilespmem:s13], [sflag:$0x2], $0x1000, $0x38;
	[tilespmem:$0x1DA00] =	vst v63  }
0xe5: {  	_ =	swait.ge [sflag:s11], $0x1000  }
0xe6: {  	[sflag:s11] =	ssyncset.done $0x0  }
0xe7: {  	[sflag:s11] =	ssyncadd.s32 $0xFFFFF000  }
0xe8: {  	[bflag:$0x0] =	sbarrier.arrive $0xFFFF  }
0xe9: {  	s25 =	sld [smem:$0x7F0];
	_ =	sdelay $0x1  }
0xea: {  	s23 =	simm.s32 $0x1A700;
	s5 =	sld [smem:$0x7F1]  }
0xeb: {  	[tilespmem:s23], [sflag:$0x1] =	stream.linear.gather [spmem:s25], $0x100, $0x38;
	[tilespmem:$0x1DA00] =	vst v63  }
0xec: {  	s25 =	sld [smem:$0x7F2]  }
0xed: {  	[tilespmem:s14], [sflag:$0x1] =	stream.linear.gather [spmem:s5], $0x100, $0x38;
	[tilespmem:$0x1DA00] =	vst v63  }
0xee: {  	s5 =	sld [smem:$0x7F3]  }
0xef: {  	[tilespmem:s15], [sflag:$0x1] =	stream.linear.gather [spmem:s25], $0x100, $0x38;
	[tilespmem:$0x1DA00] =	vst v63  }
0xf0: {  	s25 =	sld [smem:$0x7F4]  }
0xf1: {  	[tilespmem:s6], [sflag:$0x1] =	stream.linear.gather [spmem:s5], $0x100, $0x38;
	[tilespmem:$0x1DA00] =	vst v63  }
0xf2: {  	s5 =	sld [smem:$0x7F5]  }
0xf3: {  	[tilespmem:s24], [sflag:$0x1] =	stream.linear.gather [spmem:s25], $0x100, $0x38;
	[tilespmem:$0x1DA00] =	vst v63  }
0xf4: {  	s25 =	sld [smem:$0x7F6]  }
0xf5: {  	[tilespmem:s26], [sflag:$0x1] =	stream.linear.gather [spmem:s5], $0x100, $0x38;
	[tilespmem:$0x1DA00] =	vst v63  }
0xf6: {  	s5 =	sld [smem:$0x7F7]  }
0xf7: {  	[tilespmem:s28], [sflag:$0x1] =	stream.linear.gather [spmem:s25], $0x100, $0x38;
	[tilespmem:$0x1DA00] =	vst v63  }
0xf8: {  	s25 =	sld [smem:$0x7F8]  }
0xf9: {  	[tilespmem:s29], [sflag:$0x1] =	stream.linear.gather [spmem:s5], $0x100, $0x38;
	[tilespmem:$0x1DA00] =	vst v63  }
0xfa: {  	s5 =	sld [smem:$0x7F9]  }
0xfb: {  	[tilespmem:s30], [sflag:$0x1] =	stream.linear.gather [spmem:s25], $0x100, $0x38;
	[tilespmem:$0x1DA00] =	vst v63  }
0xfc: {  	s25 =	sld [smem:$0x7FA]  }
0xfd: {  	[tilespmem:s31], [sflag:$0x1] =	stream.linear.gather [spmem:s5], $0x100, $0x38;
	[tilespmem:$0x1DA00] =	vst v63  }
0xfe: {  	s5 =	sld [smem:$0x7FB]  }
0xff: {  	[tilespmem:s0], [sflag:$0x1] =	stream.linear.gather [spmem:s25], $0x100, $0x38;
	[tilespmem:$0x1DA00] =	vst v63  }
0x100: {  	_ = 	snop  }
0x101: {  	[tilespmem:s3], [sflag:$0x1] =	stream.linear.gather [spmem:s5], $0x100, $0x38;
	[tilespmem:$0x1DA00] =	vst v63  }
0x102: {  	_ = 	snop  }
0x103: {  	[tilespmem:s16], [sflag:$0x1] =	stream.linear.gather [spmem:s7], $0x100, $0x38;
	[tilespmem:$0x1DA00] =	vst v63  }
0x104: {  	_ = 	snop  }
0x105: {  	[tilespmem:s17], [sflag:$0x1] =	stream.linear.gather [spmem:s8], $0x100, $0x38;
	[tilespmem:$0x1DA00] =	vst v63  }
0x106: {  	_ = 	snop  }
0x107: {  	[tilespmem:s18], [sflag:$0x1] =	stream.linear.gather [spmem:s9], $0x100, $0x38;
	[tilespmem:$0x1DA00] =	vst v63  }
0x108: {  	_ = 	snop  }
0x109: {  	[tilespmem:s19], [sflag:$0x1] =	stream.linear.gather [spmem:s10], $0x100, $0x38;
	[tilespmem:$0x1DA00] =	vst v63  }
0x10a: {  	s25 =	simm.s32 $0x0;
	s5 =	rddreg [dreg:$0x14]  }
0x10b: {  	[tilespmem:s20], [sflag:$0x2] =	stream.linear.gather [hbm4b:s5+s25], $0x100, $0x38;
	[tilespmem:$0x1DA00] =	vst v63  }
0x10c: {  	_ =	swait.ge [sflag:s11], $0x100  }
0x10d: {  	[sflag:s11] =	ssyncset.done $0x0  }
0x10e: {  	[sflag:s11] =	ssyncadd.s32 $0xFFFFFF00  }
0x10f: {  	_ =	swait.ge [sflag:s21], $0x100  }
0x110: {  	[sflag:s21] =	ssyncset.done $0x0  }
0x111: {  	[sflag:s21] =	ssyncadd.s32 $0xFFFFFF00  }
0x112: {  	_ =	swait.ge [sflag:s21], $0x100  }
0x113: {  	[sflag:s21] =	ssyncset.done $0x0  }
0x114: {  	[sflag:s21] =	ssyncadd.s32 $0xFFFFFF00  }
0x115: {  	_ =	swait.ge [sflag:s21], $0x100  }
0x116: {  	[sflag:s21] =	ssyncset.done $0x0  }
0x117: {  	[sflag:s21] =	ssyncadd.s32 $0xFFFFFF00  }
0x118: {  	_ =	swait.ge [sflag:s21], $0x100  }
0x119: {  	[sflag:s21] =	ssyncset.done $0x0  }
0x11a: {  	[sflag:s21] =	ssyncadd.s32 $0xFFFFFF00  }
0x11b: {  	_ =	swait.ge [sflag:s21], $0x100  }
0x11c: {  	[sflag:s21] =	ssyncset.done $0x0  }
0x11d: {  	[sflag:s21] =	ssyncadd.s32 $0xFFFFFF00  }
0x11e: {  	_ =	swait.ge [sflag:s21], $0x100  }
0x11f: {  	[sflag:s21] =	ssyncset.done $0x0  }
0x120: {  	[sflag:s21] =	ssyncadd.s32 $0xFFFFFF00  }
0x121: {  	_ =	swait.ge [sflag:s21], $0x100  }
0x122: {  	[sflag:s21] =	ssyncset.done $0x0  }
0x123: {  	[sflag:s21] =	ssyncadd.s32 $0xFFFFFF00  }
0x124: {  	_ =	swait.ge [sflag:s21], $0x100  }
0x125: {  	[sflag:s21] =	ssyncset.done $0x0  }
0x126: {  	[sflag:s21] =	ssyncadd.s32 $0xFFFFFF00  }
0x127: {  	_ =	swait.ge [sflag:s21], $0x100  }
0x128: {  	[sflag:s21] =	ssyncset.done $0x0  }
0x129: {  	[sflag:s21] =	ssyncadd.s32 $0xFFFFFF00  }
0x12a: {  	_ =	swait.ge [sflag:s21], $0x100  }
0x12b: {  	[sflag:s21] =	ssyncset.done $0x0  }
0x12c: {  	[sflag:s21] =	ssyncadd.s32 $0xFFFFFF00  }
0x12d: {  	_ =	swait.ge [sflag:s21], $0x100  }
0x12e: {  	[sflag:s21] =	ssyncset.done $0x0  }
0x12f: {  	[sflag:s21] =	ssyncadd.s32 $0xFFFFFF00  }
0x130: {  	_ =	swait.ge [sflag:s21], $0x100  }
0x131: {  	[sflag:s21] =	ssyncset.done $0x0  }
0x132: {  	[sflag:s21] =	ssyncadd.s32 $0xFFFFFF00  }
0x133: {  	_ =	swait.ge [sflag:s21], $0x100  }
0x134: {  	[sflag:s21] =	ssyncset.done $0x0  }
0x135: {  	[sflag:s21] =	ssyncadd.s32 $0xFFFFFF00  }
0x136: {  	_ =	swait.ge [sflag:s21], $0x100  }
0x137: {  	[sflag:s21] =	ssyncset.done $0x0  }
0x138: {  	[sflag:s21] =	ssyncadd.s32 $0xFFFFFF00  }
0x139: {  	_ =	swait.ge [sflag:s21], $0x100  }
0x13a: {  	[sflag:s21] =	ssyncset.done $0x0  }
0x13b: {  	[sflag:s21] =	ssyncadd.s32 $0xFFFFFF00  }
0x13c: {  	_ =	swait.ge [sflag:s21], $0x100  }
0x13d: {  	[sflag:s21] =	ssyncset.done $0x0  }
0x13e: {  	s25 =	sand.u32 $0xF0, s25;
	[sflag:s21] =	ssyncadd.s32 $0xFFFFFF00  }
0x13f: {  	v0 =	vld [tilespmem:s25+$0x1A900]  }
0x140: {  	s1 =	simm.s32 $0x10;
	v1 =	vld [tilespmem:s25+$0x1A800]  }
.LBB2_8:
0x141: {  	p0 =	sne.s32 s1, $0xF0;
	v2 =	vld [tilespmem:s23+$0x0]  }
0x142: {  	v3 =	vld [tilespmem:s25+$0x1AA00]  }
0x143: {  	v4 =	vld [tilespmem:s25+$0x1B700]  }
0x144: {  	v5 =	vld [tilespmem:s25+$0x1AB00]  }
0x145: {  	v6 =	vld [tilespmem:s25+$0x1AC00]  }
0x146: {  	v1 =	vmul.f32 v1, v2;
	v2 =	vld [tilespmem:s25+$0x1AD00]  }
0x147: {  	v7 =	vld [tilespmem:s25+$0x1AE00]  }
0x148: {  	v0 =	vmul.f32 v3, v0;
	v1 =	vadd.f32 v1, v4;
	v3 =	vld [tilespmem:s25+$0x1AF00]  }
0x149: {  	v4 =	vld [tilespmem:s25+$0x1B000]  }
0x14a: {  	v0 =	vadd.f32 v0, v1;
	v1 =	vmul.f32 v6, v5;
	v5 =	vld [tilespmem:s25+$0x1B100]  }
0x14b: {  	v6 =	vld [tilespmem:s25+$0x1B200]  }
0x14c: {  	v0 =	vadd.f32 v1, v0;
	v1 =	vmul.f32 v7, v2;
	v2 =	vld [tilespmem:s25+$0x1B300]  }
0x14d: {  	v7 =	vld [tilespmem:s25+$0x1B400]  }
0x14e: {  	v0 =	vadd.f32 v1, v0;
	v1 =	vmul.f32 v4, v3;
	v3 =	vld [tilespmem:s25+$0x1B500]  }
0x14f: {  	v4 =	vld [tilespmem:s25+$0x1B600]  }
0x150: {  	v0 =	vadd.f32 v1, v0;
	v1 =	vmul.f32 v6, v5;
	_ =	sdelay $0x1  }
0x151: {  	v0 =	vadd.f32 v1, v0;
	v1 =	vmul.f32 v7, v2;
	_ =	sdelay $0x1  }
.Ltmp3:
0x152: {  	v0 =	vadd.f32 v1, v0;
	v1 =	vmul.f32 v4, v3;
	(pc) =	sbr.rel @p0 .LBB2_8-.Ltmp3, $4  }
0x153: {  	_ = 	snop  }
0x154: {  	s5 =	sand.u32 $0xF0, s1;
	v2 =	vadd.f32 v1, v0  }
0x155: {  	v0 =	vld [tilespmem:s5+$0x1A900]  }
0x156: {  	s1 =	sadd.s32 $0x10, s1;
	s23 =	sadd.s32 $0x10, s23;
	v1 =	vld [tilespmem:s5+$0x1A800];
	[tilespmem:s25+$0x1B700] =	vst v2;
	s25 =	smov.u32 s5  }
0x157: {  	v2 =	vld [tilespmem:s23+$0x0]  }
0x158: {  	v3 =	vld [tilespmem:s25+$0x1AA00]  }
0x159: {  	v4 =	vld [tilespmem:s25+$0x1B700]  }
0x15a: {  	v5 =	vld [tilespmem:s25+$0x1AB00]  }
0x15b: {  	v6 =	vld [tilespmem:s25+$0x1AC00]  }
0x15c: {  	v7 =	vld [tilespmem:s25+$0x1AE00];
	v1 =	vmul.f32 v1, v2  }
0x15d: {  	v2 =	vld [tilespmem:s25+$0x1AD00]  }
0x15e: {  	v59 =	vld [tilespmem:s25+$0x1B000];
	v0 =	vmul.f32 v3, v0;
	v1 =	vadd.f32 v1, v4  }
0x15f: {  	v3 =	vld [tilespmem:s25+$0x1AF00]  }
0x160: {  	v60 =	vld [tilespmem:s25+$0x1B100];
	v0 =	vadd.f32 v0, v1;
	v1 =	vmul.f32 v6, v5  }
0x161: {  	v61 =	vld [tilespmem:s25+$0x1B200]  }
0x162: {  	v62 =	vld [tilespmem:s25+$0x1B400];
	v0 =	vadd.f32 v1, v0;
	v1 =	vmul.f32 v7, v2  }
0x163: {  	v2 =	vld [tilespmem:s25+$0x1B300]  }
0x164: {  	v63 =	vld [tilespmem:s25+$0x1B600];
	v0 =	vadd.f32 v1, v0;
	v1 =	vmul.f32 v59, v3  }
0x165: {  	v3 =	vld [tilespmem:s25+$0x1B500]  }
0x166: {  	v0 =	vadd.f32 v1, v0;
	v1 =	vmul.f32 v61, v60;
	_ =	sdelay $0x1  }
0x167: {  	v0 =	vadd.f32 v1, v0;
	v1 =	vmul.f32 v62, v2;
	_ =	sdelay $0x1  }
0x168: {  	v0 =	vadd.f32 v1, v0;
	v1 =	vmul.f32 v63, v3;
	_ =	sdelay $0x1  }
0x169: {  	v0 =	vadd.f32 v1, v0;
	_ =	sdelay $0x1  }
0x16a: {  	s1 =	simm.s32 $0x0;
	s5 =	rddreg [dreg:$0x15];
	[tilespmem:s25+$0x1B700] =	vst v0  }
0x16b: {  	[hbm4b:s5+s1] =	stream.linear.scatter [tilespmem:s20], [sflag:$0x2], $0x100, $0x38;
	[tilespmem:$0x1DA00] =	vst v63  }
0x16c: {  	_ =	swait.ge [sflag:s11], $0x100  }
0x16d: {  	s25 =	sld [smem:$0x7FC]  }
0x16e: {  	[sflag:s11] =	ssyncset.done $0x0  }
0x16f: {  	[sflag:s11] =	ssyncadd.s32 $0xFFFFFF00  }
0x170: {  	[tilespmem:s12], [sflag:$0x2] =	stream.linear.gather [hbm4b:s25+s1], $0x1000, $0x38;
	[tilespmem:$0x1DA00] =	vst v63  }
0x171: {  	_ =	swait.ge [sflag:s11], $0x1000  }
0x172: {  	[sflag:s11] =	ssyncset.done $0x0  }
0x173: {  	s1 =	simm.s32 $0x0;
	[sflag:s11] =	ssyncadd.s32 $0xFFFFF000  }
0x174: {  	v0 =	vld [tilespmem:s1+$0x18700];
	_ =	sdelay $0x7  }
0x175: {  	s23 =	simm.s32 $0x10;
	s25 =	simm.s32 $0x80;
	v0 =	vld.idx.msk [tilespmem:v0+s2+$0x0], $0xffff  }
.LBB2_10:
0x176: {  	p0 =	sne.s32 s25, $0x3FC0;
	v1 =	vld [tilespmem:s23+$0x18700];
	_ =	sdelay $0x3  }
.Ltmp4:
0x177: {  	(pc) =	sbr.rel @p0 .LBB2_10-.Ltmp4, $2  }
0x178: {  	[tilespmem:s1+$0x19700] =	vst v0;
	s1 =	smov.u32 s23;
	_ =	sdelay $0x2  }
0x179: {  	s23 =	sshra.s32 s25, $0x2;
	s25 =	sadd.s32 $0x40, s25;
	v0 =	vld.idx.msk [tilespmem:v1+s2+$0x0], $0xffff  }
0x17a: {  	v1 =	vld [tilespmem:s23+$0x18700];
	_ =	sdelay $0x6  }
0x17b: {  	[tilespmem:s1+$0x19700] =	vst v0  }
0x17c: {  	v0 =	vld.idx.msk [tilespmem:v1+s2+$0x0], $0xffff;
	_ =	sdelay $0x4  }
0x17d: {  	s25 =	rddreg [dreg:$0x8];
	[tilespmem:s23+$0x19700] =	vst v0  }
0x17e: {  	[spmem:s25] =	stream.linear.scatter [tilespmem:s13], [sflag:$0x2], $0x1000, $0x38;
	[tilespmem:$0x1DA00] =	vst v63  }
0x17f: {  	_ =	swait.ge [sflag:s11], $0x1000  }
0x180: {  	[sflag:s11] =	ssyncset.done $0x0  }
0x181: {  	[sflag:s11] =	ssyncadd.s32 $0xFFFFF000  }
0x182: {  	s23 =	simm.s32 $0x1A700;
	[bflag:$0x0] =	sbarrier.arrive $0xFFFF  }
0x183: {  	[tilespmem:s23], [sflag:$0x1] =	stream.linear.gather [spmem:s4], $0x100, $0x38;
	[tilespmem:$0x1DA00] =	vst v63  }
0x184: {  	s5 =	rddreg [dreg:$0x9]  }
0x185: {  	s25 =	rddreg [dreg:$0xa]  }
0x186: {  	[tilespmem:s14], [sflag:$0x1] =	stream.linear.gather [spmem:s5], $0x100, $0x38;
	[tilespmem:$0x1DA00] =	vst v63  }
0x187: {  	s5 =	rddreg [dreg:$0xb]  }
0x188: {  	[tilespmem:s15], [sflag:$0x1] =	stream.linear.gather [spmem:s25], $0x100, $0x38;
	[tilespmem:$0x1DA00] =	vst v63  }
0x189: {  	s25 =	rddreg [dreg:$0xc]  }
0x18a: {  	[tilespmem:s6], [sflag:$0x1] =	stream.linear.gather [spmem:s5], $0x100, $0x38;
	[tilespmem:$0x1DA00] =	vst v63  }
0x18b: {  	s5 =	rddreg [dreg:$0xd]  }
0x18c: {  	[tilespmem:s24], [sflag:$0x1] =	stream.linear.gather [spmem:s25], $0x100, $0x38;
	[tilespmem:$0x1DA00] =	vst v63  }
0x18d: {  	s25 =	rddreg [dreg:$0xe]  }
0x18e: {  	[tilespmem:s26], [sflag:$0x1] =	stream.linear.gather [spmem:s5], $0x100, $0x38;
	[tilespmem:$0x1DA00] =	vst v63  }
0x18f: {  	s5 =	rddreg [dreg:$0xf]  }
0x190: {  	[tilespmem:s28], [sflag:$0x1] =	stream.linear.gather [spmem:s25], $0x100, $0x38;
	[tilespmem:$0x1DA00] =	vst v63  }
0x191: {  	s25 =	rddreg [dreg:$0x10]  }
0x192: {  	[tilespmem:s29], [sflag:$0x1] =	stream.linear.gather [spmem:s5], $0x100, $0x38;
	[tilespmem:$0x1DA00] =	vst v63  }
0x193: {  	s5 =	rddreg [dreg:$0x11]  }
0x194: {  	[tilespmem:s30], [sflag:$0x1] =	stream.linear.gather [spmem:s25], $0x100, $0x38;
	[tilespmem:$0x1DA00] =	vst v63  }
0x195: {  	s25 =	rddreg [dreg:$0x1a]  }
0x196: {  	[tilespmem:s31], [sflag:$0x1] =	stream.linear.gather [spmem:s5], $0x100, $0x38;
	[tilespmem:$0x1DA00] =	vst v63  }
0x197: {  	s5 =	rddreg [dreg:$0x1c]  }
0x198: {  	[tilespmem:s0], [sflag:$0x1] =	stream.linear.gather [spmem:s25], $0x100, $0x38;
	[tilespmem:$0x1DA00] =	vst v63  }
0x199: {  	s25 =	rddreg [dreg:$0x1d]  }
0x19a: {  	[tilespmem:s3], [sflag:$0x1] =	stream.linear.gather [spmem:s5], $0x100, $0x38;
	[tilespmem:$0x1DA00] =	vst v63  }
0x19b: {  	s5 =	rddreg [dreg:$0x1e]  }
0x19c: {  	[tilespmem:s16], [sflag:$0x1] =	stream.linear.gather [spmem:s25], $0x100, $0x38;
	[tilespmem:$0x1DA00] =	vst v63  }
0x19d: {  	s25 =	rddreg [dreg:$0x1f]  }
0x19e: {  	[tilespmem:s17], [sflag:$0x1] =	stream.linear.gather [spmem:s5], $0x100, $0x38;
	[tilespmem:$0x1DA00] =	vst v63  }
0x19f: {  	s5 =	sld [smem:$0x7ED]  }
0x1a0: {  	[tilespmem:s18], [sflag:$0x1] =	stream.linear.gather [spmem:s25], $0x100, $0x38;
	[tilespmem:$0x1DA00] =	vst v63  }
0x1a1: {  	_ = 	snop  }
0x1a2: {  	[tilespmem:s19], [sflag:$0x1] =	stream.linear.gather [spmem:s5], $0x100, $0x38;
	[tilespmem:$0x1DA00] =	vst v63  }
0x1a3: {  	s25 =	simm.s32 $0x0;
	s5 =	rddreg [dreg:$0x16]  }
0x1a4: {  	[tilespmem:s20], [sflag:$0x2] =	stream.linear.gather [hbm4b:s5+s25], $0x100, $0x38;
	[tilespmem:$0x1DA00] =	vst v63  }
0x1a5: {  	_ =	swait.ge [sflag:s11], $0x100  }
0x1a6: {  	[sflag:s11] =	ssyncset.done $0x0  }
0x1a7: {  	[sflag:s11] =	ssyncadd.s32 $0xFFFFFF00  }
0x1a8: {  	_ =	swait.ge [sflag:s21], $0x100  }
0x1a9: {  	[sflag:s21] =	ssyncset.done $0x0  }
0x1aa: {  	[sflag:s21] =	ssyncadd.s32 $0xFFFFFF00  }
0x1ab: {  	_ =	swait.ge [sflag:s21], $0x100  }
0x1ac: {  	[sflag:s21] =	ssyncset.done $0x0  }
0x1ad: {  	[sflag:s21] =	ssyncadd.s32 $0xFFFFFF00  }
0x1ae: {  	_ =	swait.ge [sflag:s21], $0x100  }
0x1af: {  	[sflag:s21] =	ssyncset.done $0x0  }
0x1b0: {  	[sflag:s21] =	ssyncadd.s32 $0xFFFFFF00  }
0x1b1: {  	_ =	swait.ge [sflag:s21], $0x100  }
0x1b2: {  	[sflag:s21] =	ssyncset.done $0x0  }
0x1b3: {  	[sflag:s21] =	ssyncadd.s32 $0xFFFFFF00  }
0x1b4: {  	_ =	swait.ge [sflag:s21], $0x100  }
0x1b5: {  	[sflag:s21] =	ssyncset.done $0x0  }
0x1b6: {  	[sflag:s21] =	ssyncadd.s32 $0xFFFFFF00  }
0x1b7: {  	_ =	swait.ge [sflag:s21], $0x100  }
0x1b8: {  	[sflag:s21] =	ssyncset.done $0x0  }
0x1b9: {  	[sflag:s21] =	ssyncadd.s32 $0xFFFFFF00  }
0x1ba: {  	_ =	swait.ge [sflag:s21], $0x100  }
0x1bb: {  	[sflag:s21] =	ssyncset.done $0x0  }
0x1bc: {  	[sflag:s21] =	ssyncadd.s32 $0xFFFFFF00  }
0x1bd: {  	_ =	swait.ge [sflag:s21], $0x100  }
0x1be: {  	[sflag:s21] =	ssyncset.done $0x0  }
0x1bf: {  	[sflag:s21] =	ssyncadd.s32 $0xFFFFFF00  }
0x1c0: {  	_ =	swait.ge [sflag:s21], $0x100  }
0x1c1: {  	[sflag:s21] =	ssyncset.done $0x0  }
0x1c2: {  	[sflag:s21] =	ssyncadd.s32 $0xFFFFFF00  }
0x1c3: {  	_ =	swait.ge [sflag:s21], $0x100  }
0x1c4: {  	[sflag:s21] =	ssyncset.done $0x0  }
0x1c5: {  	[sflag:s21] =	ssyncadd.s32 $0xFFFFFF00  }
0x1c6: {  	_ =	swait.ge [sflag:s21], $0x100  }
0x1c7: {  	[sflag:s21] =	ssyncset.done $0x0  }
0x1c8: {  	[sflag:s21] =	ssyncadd.s32 $0xFFFFFF00  }
0x1c9: {  	_ =	swait.ge [sflag:s21], $0x100  }
0x1ca: {  	[sflag:s21] =	ssyncset.done $0x0  }
0x1cb: {  	[sflag:s21] =	ssyncadd.s32 $0xFFFFFF00  }
0x1cc: {  	_ =	swait.ge [sflag:s21], $0x100  }
0x1cd: {  	[sflag:s21] =	ssyncset.done $0x0  }
0x1ce: {  	[sflag:s21] =	ssyncadd.s32 $0xFFFFFF00  }
0x1cf: {  	_ =	swait.ge [sflag:s21], $0x100  }
0x1d0: {  	[sflag:s21] =	ssyncset.done $0x0  }
0x1d1: {  	[sflag:s21] =	ssyncadd.s32 $0xFFFFFF00  }
0x1d2: {  	_ =	swait.ge [sflag:s21], $0x100  }
0x1d3: {  	[sflag:s21] =	ssyncset.done $0x0  }
0x1d4: {  	[sflag:s21] =	ssyncadd.s32 $0xFFFFFF00  }
0x1d5: {  	_ =	swait.ge [sflag:s21], $0x100  }
0x1d6: {  	[sflag:s21] =	ssyncset.done $0x0  }
0x1d7: {  	s25 =	sand.u32 $0xF0, s25;
	[sflag:s21] =	ssyncadd.s32 $0xFFFFFF00  }
0x1d8: {  	v0 =	vld [tilespmem:s25+$0x1A900]  }
0x1d9: {  	s1 =	simm.s32 $0x10;
	v1 =	vld [tilespmem:s25+$0x1A800]  }
.LBB2_12:
0x1da: {  	p0 =	sne.s32 s1, $0xF0;
	v2 =	vld [tilespmem:s23+$0x0]  }
0x1db: {  	v3 =	vld [tilespmem:s25+$0x1AA00]  }
0x1dc: {  	v4 =	vld [tilespmem:s25+$0x1B700]  }
0x1dd: {  	v5 =	vld [tilespmem:s25+$0x1AB00]  }
0x1de: {  	v6 =	vld [tilespmem:s25+$0x1AC00]  }
0x1df: {  	v1 =	vmul.f32 v1, v2;
	v2 =	vld [tilespmem:s25+$0x1AD00]  }
0x1e0: {  	v7 =	vld [tilespmem:s25+$0x1AE00]  }
0x1e1: {  	v0 =	vmul.f32 v3, v0;
	v1 =	vadd.f32 v1, v4;
	v3 =	vld [tilespmem:s25+$0x1AF00]  }
0x1e2: {  	v4 =	vld [tilespmem:s25+$0x1B000]  }
0x1e3: {  	v0 =	vadd.f32 v0, v1;
	v1 =	vmul.f32 v6, v5;
	v5 =	vld [tilespmem:s25+$0x1B100]  }
0x1e4: {  	v6 =	vld [tilespmem:s25+$0x1B200]  }
0x1e5: {  	v0 =	vadd.f32 v1, v0;
	v1 =	vmul.f32 v7, v2;
	v2 =	vld [tilespmem:s25+$0x1B300]  }
0x1e6: {  	v7 =	vld [tilespmem:s25+$0x1B400]  }
0x1e7: {  	v0 =	vadd.f32 v1, v0;
	v1 =	vmul.f32 v4, v3;
	v3 =	vld [tilespmem:s25+$0x1B500]  }
0x1e8: {  	v4 =	vld [tilespmem:s25+$0x1B600]  }
0x1e9: {  	v0 =	vadd.f32 v1, v0;
	v1 =	vmul.f32 v6, v5;
	_ =	sdelay $0x1  }
0x1ea: {  	v0 =	vadd.f32 v1, v0;
	v1 =	vmul.f32 v7, v2;
	_ =	sdelay $0x1  }
.Ltmp5:
0x1eb: {  	v0 =	vadd.f32 v1, v0;
	v1 =	vmul.f32 v4, v3;
	(pc) =	sbr.rel @p0 .LBB2_12-.Ltmp5, $4  }
0x1ec: {  	_ = 	snop  }
0x1ed: {  	s5 =	sand.u32 $0xF0, s1;
	v2 =	vadd.f32 v1, v0  }
0x1ee: {  	v0 =	vld [tilespmem:s5+$0x1A900]  }
0x1ef: {  	s1 =	sadd.s32 $0x10, s1;
	s23 =	sadd.s32 $0x10, s23;
	v1 =	vld [tilespmem:s5+$0x1A800];
	[tilespmem:s25+$0x1B700] =	vst v2;
	s25 =	smov.u32 s5  }
0x1f0: {  	v2 =	vld [tilespmem:s23+$0x0]  }
0x1f1: {  	v3 =	vld [tilespmem:s25+$0x1AA00]  }
0x1f2: {  	v4 =	vld [tilespmem:s25+$0x1B700]  }
0x1f3: {  	v5 =	vld [tilespmem:s25+$0x1AB00]  }
0x1f4: {  	v6 =	vld [tilespmem:s25+$0x1AC00]  }
0x1f5: {  	v7 =	vld [tilespmem:s25+$0x1AE00];
	v1 =	vmul.f32 v1, v2  }
0x1f6: {  	v2 =	vld [tilespmem:s25+$0x1AD00]  }
0x1f7: {  	v59 =	vld [tilespmem:s25+$0x1B000];
	v0 =	vmul.f32 v3, v0;
	v1 =	vadd.f32 v1, v4  }
0x1f8: {  	v3 =	vld [tilespmem:s25+$0x1AF00]  }
0x1f9: {  	v60 =	vld [tilespmem:s25+$0x1B100];
	v0 =	vadd.f32 v0, v1;
	v1 =	vmul.f32 v6, v5  }
0x1fa: {  	v61 =	vld [tilespmem:s25+$0x1B200]  }
0x1fb: {  	v62 =	vld [tilespmem:s25+$0x1B400];
	v0 =	vadd.f32 v1, v0;
	v1 =	vmul.f32 v7, v2  }
0x1fc: {  	v2 =	vld [tilespmem:s25+$0x1B300]  }
0x1fd: {  	v63 =	vld [tilespmem:s25+$0x1B600];
	v0 =	vadd.f32 v1, v0;
	v1 =	vmul.f32 v59, v3  }
0x1fe: {  	v3 =	vld [tilespmem:s25+$0x1B500]  }
0x1ff: {  	v0 =	vadd.f32 v1, v0;
	v1 =	vmul.f32 v61, v60;
	_ =	sdelay $0x1  }
0x200: {  	v0 =	vadd.f32 v1, v0;
	v1 =	vmul.f32 v62, v2;
	_ =	sdelay $0x1  }
0x201: {  	v0 =	vadd.f32 v1, v0;
	v1 =	vmul.f32 v63, v3;
	_ =	sdelay $0x1  }
0x202: {  	v0 =	vadd.f32 v1, v0;
	_ =	sdelay $0x1  }
0x203: {  	s1 =	simm.s32 $0x0;
	s5 =	rddreg [dreg:$0x17];
	[tilespmem:s25+$0x1B700] =	vst v0  }
0x204: {  	[hbm4b:s5+s1] =	stream.linear.scatter [tilespmem:s20], [sflag:$0x2], $0x100, $0x38;
	[tilespmem:$0x1DA00] =	vst v63  }
0x205: {  	_ =	swait.ge [sflag:s11], $0x100  }
0x206: {  	s25 =	sld [smem:$0x7FD]  }
0x207: {  	[sflag:s11] =	ssyncset.done $0x0  }
0x208: {  	[sflag:s11] =	ssyncadd.s32 $0xFFFFFF00  }
0x209: {  	[tilespmem:s12], [sflag:$0x2] =	stream.linear.gather [hbm4b:s25+s1], $0x1000, $0x38;
	[tilespmem:$0x1DA00] =	vst v63  }
0x20a: {  	_ =	swait.ge [sflag:s11], $0x1000  }
0x20b: {  	[sflag:s11] =	ssyncset.done $0x0  }
0x20c: {  	s1 =	simm.s32 $0x0;
	[sflag:s11] =	ssyncadd.s32 $0xFFFFF000  }
0x20d: {  	v0 =	vld [tilespmem:s1+$0x18700];
	_ =	sdelay $0x7  }
0x20e: {  	s23 =	simm.s32 $0x10;
	s25 =	simm.s32 $0x80;
	v0 =	vld.idx.msk [tilespmem:v0+s2+$0x0], $0xffff  }
.LBB2_14:
0x20f: {  	p0 =	sne.s32 s25, $0x3FC0;
	v1 =	vld [tilespmem:s23+$0x18700];
	_ =	sdelay $0x3  }
.Ltmp6:
0x210: {  	(pc) =	sbr.rel @p0 .LBB2_14-.Ltmp6, $2  }
0x211: {  	[tilespmem:s1+$0x19700] =	vst v0;
	s1 =	smov.u32 s23;
	_ =	sdelay $0x2  }
0x212: {  	s23 =	sshra.s32 s25, $0x2;
	s25 =	sadd.s32 $0x40, s25;
	v0 =	vld.idx.msk [tilespmem:v1+s2+$0x0], $0xffff  }
0x213: {  	v1 =	vld [tilespmem:s23+$0x18700];
	_ =	sdelay $0x6  }
0x214: {  	[tilespmem:s1+$0x19700] =	vst v0  }
0x215: {  	v0 =	vld.idx.msk [tilespmem:v1+s2+$0x0], $0xffff;
	_ =	sdelay $0x4  }
0x216: {  	[tilespmem:s23+$0x19700] =	vst v0;
	s23 =	sld [smem:$0x7EF];
	_ =	sdelay $0x2  }
0x217: {  	[spmem:s23] =	stream.linear.scatter [tilespmem:s13], [sflag:$0x2], $0x1000, $0x38;
	[tilespmem:$0x1DA00] =	vst v63  }
0x218: {  	_ =	swait.ge [sflag:s11], $0x1000  }
0x219: {  	[sflag:s11] =	ssyncset.done $0x0  }
0x21a: {  	[sflag:s11] =	ssyncadd.s32 $0xFFFFF000  }
0x21b: {  	[bflag:$0x0] =	sbarrier.arrive $0xFFFF  }
0x21c: {  	s25 =	sld [smem:$0x7F0];
	_ =	sdelay $0x1  }
0x21d: {  	s23 =	simm.s32 $0x1A700;
	s5 =	sld [smem:$0x7F1]  }
0x21e: {  	[tilespmem:s23], [sflag:$0x1] =	stream.linear.gather [spmem:s25], $0x100, $0x38;
	[tilespmem:$0x1DA00] =	vst v63  }
0x21f: {  	s25 =	sld [smem:$0x7F2]  }
0x220: {  	[tilespmem:s14], [sflag:$0x1] =	stream.linear.gather [spmem:s5], $0x100, $0x38;
	[tilespmem:$0x1DA00] =	vst v63  }
0x221: {  	s5 =	sld [smem:$0x7F3]  }
0x222: {  	[tilespmem:s15], [sflag:$0x1] =	stream.linear.gather [spmem:s25], $0x100, $0x38;
	[tilespmem:$0x1DA00] =	vst v63  }
0x223: {  	s25 =	sld [smem:$0x7F4]  }
0x224: {  	[tilespmem:s6], [sflag:$0x1] =	stream.linear.gather [spmem:s5], $0x100, $0x38;
	[tilespmem:$0x1DA00] =	vst v63  }
0x225: {  	s5 =	sld [smem:$0x7F5]  }
0x226: {  	[tilespmem:s24], [sflag:$0x1] =	stream.linear.gather [spmem:s25], $0x100, $0x38;
	[tilespmem:$0x1DA00] =	vst v63  }
0x227: {  	s25 =	sld [smem:$0x7F6]  }
0x228: {  	[tilespmem:s26], [sflag:$0x1] =	stream.linear.gather [spmem:s5], $0x100, $0x38;
	[tilespmem:$0x1DA00] =	vst v63  }
0x229: {  	s5 =	sld [smem:$0x7F7]  }
0x22a: {  	[tilespmem:s28], [sflag:$0x1] =	stream.linear.gather [spmem:s25], $0x100, $0x38;
	[tilespmem:$0x1DA00] =	vst v63  }
0x22b: {  	s25 =	sld [smem:$0x7F8]  }
0x22c: {  	[tilespmem:s29], [sflag:$0x1] =	stream.linear.gather [spmem:s5], $0x100, $0x38;
	[tilespmem:$0x1DA00] =	vst v63  }
0x22d: {  	s5 =	sld [smem:$0x7F9]  }
0x22e: {  	[tilespmem:s30], [sflag:$0x1] =	stream.linear.gather [spmem:s25], $0x100, $0x38;
	[tilespmem:$0x1DA00] =	vst v63  }
0x22f: {  	s25 =	sld [smem:$0x7FA]  }
0x230: {  	[tilespmem:s31], [sflag:$0x1] =	stream.linear.gather [spmem:s5], $0x100, $0x38;
	[tilespmem:$0x1DA00] =	vst v63  }
0x231: {  	s5 =	sld [smem:$0x7FB]  }
0x232: {  	[tilespmem:s0], [sflag:$0x1] =	stream.linear.gather [spmem:s25], $0x100, $0x38;
	[tilespmem:$0x1DA00] =	vst v63  }
0x233: {  	_ = 	snop  }
0x234: {  	[tilespmem:s3], [sflag:$0x1] =	stream.linear.gather [spmem:s5], $0x100, $0x38;
	[tilespmem:$0x1DA00] =	vst v63  }
0x235: {  	_ = 	snop  }
0x236: {  	[tilespmem:s16], [sflag:$0x1] =	stream.linear.gather [spmem:s7], $0x100, $0x38;
	[tilespmem:$0x1DA00] =	vst v63  }
0x237: {  	_ = 	snop  }
0x238: {  	[tilespmem:s17], [sflag:$0x1] =	stream.linear.gather [spmem:s8], $0x100, $0x38;
	[tilespmem:$0x1DA00] =	vst v63  }
0x239: {  	_ = 	snop  }
0x23a: {  	[tilespmem:s18], [sflag:$0x1] =	stream.linear.gather [spmem:s9], $0x100, $0x38;
	[tilespmem:$0x1DA00] =	vst v63  }
0x23b: {  	_ = 	snop  }
0x23c: {  	[tilespmem:s19], [sflag:$0x1] =	stream.linear.gather [spmem:s10], $0x100, $0x38;
	[tilespmem:$0x1DA00] =	vst v63  }
0x23d: {  	s25 =	simm.s32 $0x0;
	s5 =	rddreg [dreg:$0x18]  }
0x23e: {  	[tilespmem:s20], [sflag:$0x2] =	stream.linear.gather [hbm4b:s5+s25], $0x100, $0x38;
	[tilespmem:$0x1DA00] =	vst v63  }
0x23f: {  	_ =	swait.ge [sflag:s11], $0x100  }
0x240: {  	[sflag:s11] =	ssyncset.done $0x0  }
0x241: {  	[sflag:s11] =	ssyncadd.s32 $0xFFFFFF00  }
0x242: {  	_ =	swait.ge [sflag:s21], $0x100  }
0x243: {  	[sflag:s21] =	ssyncset.done $0x0  }
0x244: {  	[sflag:s21] =	ssyncadd.s32 $0xFFFFFF00  }
0x245: {  	_ =	swait.ge [sflag:s21], $0x100  }
0x246: {  	[sflag:s21] =	ssyncset.done $0x0  }
0x247: {  	[sflag:s21] =	ssyncadd.s32 $0xFFFFFF00  }
0x248: {  	_ =	swait.ge [sflag:s21], $0x100  }
0x249: {  	[sflag:s21] =	ssyncset.done $0x0  }
0x24a: {  	[sflag:s21] =	ssyncadd.s32 $0xFFFFFF00  }
0x24b: {  	_ =	swait.ge [sflag:s21], $0x100  }
0x24c: {  	[sflag:s21] =	ssyncset.done $0x0  }
0x24d: {  	[sflag:s21] =	ssyncadd.s32 $0xFFFFFF00  }
0x24e: {  	_ =	swait.ge [sflag:s21], $0x100  }
0x24f: {  	[sflag:s21] =	ssyncset.done $0x0  }
0x250: {  	[sflag:s21] =	ssyncadd.s32 $0xFFFFFF00  }
0x251: {  	_ =	swait.ge [sflag:s21], $0x100  }
0x252: {  	[sflag:s21] =	ssyncset.done $0x0  }
0x253: {  	[sflag:s21] =	ssyncadd.s32 $0xFFFFFF00  }
0x254: {  	_ =	swait.ge [sflag:s21], $0x100  }
0x255: {  	[sflag:s21] =	ssyncset.done $0x0  }
0x256: {  	[sflag:s21] =	ssyncadd.s32 $0xFFFFFF00  }
0x257: {  	_ =	swait.ge [sflag:s21], $0x100  }
0x258: {  	[sflag:s21] =	ssyncset.done $0x0  }
0x259: {  	[sflag:s21] =	ssyncadd.s32 $0xFFFFFF00  }
0x25a: {  	_ =	swait.ge [sflag:s21], $0x100  }
0x25b: {  	[sflag:s21] =	ssyncset.done $0x0  }
0x25c: {  	[sflag:s21] =	ssyncadd.s32 $0xFFFFFF00  }
0x25d: {  	_ =	swait.ge [sflag:s21], $0x100  }
0x25e: {  	[sflag:s21] =	ssyncset.done $0x0  }
0x25f: {  	[sflag:s21] =	ssyncadd.s32 $0xFFFFFF00  }
0x260: {  	_ =	swait.ge [sflag:s21], $0x100  }
0x261: {  	[sflag:s21] =	ssyncset.done $0x0  }
0x262: {  	[sflag:s21] =	ssyncadd.s32 $0xFFFFFF00  }
0x263: {  	_ =	swait.ge [sflag:s21], $0x100  }
0x264: {  	[sflag:s21] =	ssyncset.done $0x0  }
0x265: {  	[sflag:s21] =	ssyncadd.s32 $0xFFFFFF00  }
0x266: {  	_ =	swait.ge [sflag:s21], $0x100  }
0x267: {  	[sflag:s21] =	ssyncset.done $0x0  }
0x268: {  	[sflag:s21] =	ssyncadd.s32 $0xFFFFFF00  }
0x269: {  	_ =	swait.ge [sflag:s21], $0x100  }
0x26a: {  	[sflag:s21] =	ssyncset.done $0x0  }
0x26b: {  	[sflag:s21] =	ssyncadd.s32 $0xFFFFFF00  }
0x26c: {  	_ =	swait.ge [sflag:s21], $0x100  }
0x26d: {  	[sflag:s21] =	ssyncset.done $0x0  }
0x26e: {  	[sflag:s21] =	ssyncadd.s32 $0xFFFFFF00  }
0x26f: {  	_ =	swait.ge [sflag:s21], $0x100  }
0x270: {  	[sflag:s21] =	ssyncset.done $0x0  }
0x271: {  	s25 =	sand.u32 $0xF0, s25;
	[sflag:s21] =	ssyncadd.s32 $0xFFFFFF00  }
0x272: {  	v0 =	vld [tilespmem:s25+$0x1A900]  }
0x273: {  	s1 =	simm.s32 $0x10;
	v1 =	vld [tilespmem:s25+$0x1A800]  }
.LBB2_16:
0x274: {  	p0 =	sne.s32 s1, $0xF0;
	v2 =	vld [tilespmem:s23+$0x0]  }
0x275: {  	v3 =	vld [tilespmem:s25+$0x1AA00]  }
0x276: {  	v4 =	vld [tilespmem:s25+$0x1B700]  }
0x277: {  	v5 =	vld [tilespmem:s25+$0x1AB00]  }
0x278: {  	v6 =	vld [tilespmem:s25+$0x1AC00]  }
0x279: {  	v1 =	vmul.f32 v1, v2;
	v2 =	vld [tilespmem:s25+$0x1AD00]  }
0x27a: {  	v7 =	vld [tilespmem:s25+$0x1AE00]  }
0x27b: {  	v0 =	vmul.f32 v3, v0;
	v1 =	vadd.f32 v1, v4;
	v3 =	vld [tilespmem:s25+$0x1AF00]  }
0x27c: {  	v4 =	vld [tilespmem:s25+$0x1B000]  }
0x27d: {  	v0 =	vadd.f32 v0, v1;
	v1 =	vmul.f32 v6, v5;
	v5 =	vld [tilespmem:s25+$0x1B100]  }
0x27e: {  	v6 =	vld [tilespmem:s25+$0x1B200]  }
0x27f: {  	v0 =	vadd.f32 v1, v0;
	v1 =	vmul.f32 v7, v2;
	v2 =	vld [tilespmem:s25+$0x1B300]  }
0x280: {  	v7 =	vld [tilespmem:s25+$0x1B400]  }
0x281: {  	v0 =	vadd.f32 v1, v0;
	v1 =	vmul.f32 v4, v3;
	v3 =	vld [tilespmem:s25+$0x1B500]  }
0x282: {  	v4 =	vld [tilespmem:s25+$0x1B600]  }
0x283: {  	v0 =	vadd.f32 v1, v0;
	v1 =	vmul.f32 v6, v5;
	_ =	sdelay $0x1  }
0x284: {  	v0 =	vadd.f32 v1, v0;
	v1 =	vmul.f32 v7, v2;
	_ =	sdelay $0x1  }
.Ltmp7:
0x285: {  	v0 =	vadd.f32 v1, v0;
	v1 =	vmul.f32 v4, v3;
	(pc) =	sbr.rel @p0 .LBB2_16-.Ltmp7, $4  }
0x286: {  	_ = 	snop  }
0x287: {  	s5 =	sand.u32 $0xF0, s1;
	v2 =	vadd.f32 v1, v0  }
0x288: {  	v0 =	vld [tilespmem:s5+$0x1A900]  }
0x289: {  	s1 =	sadd.s32 $0x10, s1;
	s23 =	sadd.s32 $0x10, s23;
	v1 =	vld [tilespmem:s5+$0x1A800];
	[tilespmem:s25+$0x1B700] =	vst v2;
	s25 =	smov.u32 s5  }
0x28a: {  	v2 =	vld [tilespmem:s23+$0x0]  }
0x28b: {  	v3 =	vld [tilespmem:s25+$0x1AA00]  }
0x28c: {  	v4 =	vld [tilespmem:s25+$0x1B700]  }
0x28d: {  	v5 =	vld [tilespmem:s25+$0x1AB00]  }
0x28e: {  	v6 =	vld [tilespmem:s25+$0x1AC00]  }
0x28f: {  	v49 =	vld [tilespmem:s25+$0x1AD00];
	v1 =	vmul.f32 v1, v2  }
0x290: {  	v7 =	vld [tilespmem:s25+$0x1AE00]  }
0x291: {  	v50 =	vld [tilespmem:s25+$0x1AF00];
	v0 =	vmul.f32 v3, v0;
	v1 =	vadd.f32 v1, v4  }
0x292: {  	v51 =	vld [tilespmem:s25+$0x1B000]  }
0x293: {  	v53 =	vld [tilespmem:s25+$0x1B100];
	v52 =	vmul.f32 v6, v5;
	v0 =	vadd.f32 v0, v1  }
0x294: {  	v54 =	vld [tilespmem:s25+$0x1B200]  }
0x295: {  	v56 =	vld [tilespmem:s25+$0x1B300];
	v55 =	vmul.f32 v7, v49;
	v0 =	vadd.f32 v52, v0  }
0x296: {  	v57 =	vld [tilespmem:s25+$0x1B400]  }
0x297: {  	v59 =	vld [tilespmem:s25+$0x1B500];
	v58 =	vmul.f32 v51, v50;
	v0 =	vadd.f32 v55, v0  }
0x298: {  	v60 =	vld [tilespmem:s25+$0x1B600]  }
0x299: {  	v61 =	vmul.f32 v54, v53;
	v0 =	vadd.f32 v58, v0;
	_ =	sdelay $0x1  }
0x29a: {  	v62 =	vmul.f32 v57, v56;
	v0 =	vadd.f32 v61, v0;
	_ =	sdelay $0x1  }
0x29b: {  	v63 =	vmul.f32 v60, v59;
	v0 =	vadd.f32 v62, v0;
	_ =	sdelay $0x1  }
0x29c: {  	v0 =	vadd.f32 v63, v0;
	_ =	sdelay $0x1  }
0x29d: {  	s1 =	rddreg [dreg:$0x19];
	[tilespmem:s25+$0x1B700] =	vst v0  }
0x29e: {  	[hbm4b:s1+s2] =	stream.linear.scatter [tilespmem:s20], [sflag:$0x2], $0x100, $0x38;
	[tilespmem:$0x1DA00] =	vst v63  }
0x29f: {  	_ =	swait.ge [sflag:s11], $0x100  }
0x2a0: {  	s22 =	sadd.s32 $0x1, s22;
	s25 =	rddreg [dreg:$0x1b]  }
0x2a1: {  	p0 =	sne.s32 s22, s25  }
.Ltmp8:
0x2a2: {  	_ = 	snop;
	(pc) =	sbr.rel @p0 .LBB2_1-.Ltmp8, $3  }
0x2a3: {  	_ =	sdelay $0x1  }
0x2a4: {  	[sflag:s11] =	ssyncset.done $0x0  }
0x2a5: {  	[sflag:s11] =	ssyncadd.s32 $0xFFFFFF00  }
0x2a6: {  	_ =	sfence.sel $0x180000  }
0x2a7: {  	[bflag:$0x0] =	sbarrier.arrive $0xFFFF  }
0x2a8: {  	_ =	strace $0x90000047  }
0x2a9: {  	s0 =	stileid.u32;
	[bflag:$0x2] =	sbarrier.arrive $0xFFFF  }
0x2aa: {  	p0 =	sne.s32 s0, $0x0;
	s0 =	rddreg [dreg:$0x5]  }
0x2ab: {  	s0 =	sadd.s32 @!p0 $0x100000, s0  }
0x2ac: {  	[sflag:s0] =	ssyncadd.tile.s32 @!p0 $0x1;
	_ =	shalt  }
.Lfunc_end2:
_tile_overlayer_lowered:
.L_overlay_start_2:
0x2ad: {  	(tag) =	ssettag $0x2  }
0x2ae: {  	s0 =	rddreg [dreg:$0x0];
	s2 =	stileid.u32  }
0x2af: {  	s1 =	rddreg [dreg:$0x1];
	p0 =	sne.s32 s2, $0x0  }
0x2b0: {  	s3 =	rddreg [dreg:$0x2];
	[bflag:$0x3] =	sbarrier.arrive $0xFFFF;
	s2 =	simm.s32 @!p0 $0x1C02  }
0x2b1: {  	[timem:s3], [sflag:s2] =	dma.local @!p0 [hbm:s0], s1  }
0x2b2: {  	s0 =	simm.s32 @!p0 $0x2  }
0x2b3: {  	_ =	swait.ge @!p0 [sflag:s0], s1  }
0x2b4: {  	s1 =	ssub.s32 @!p0 $0x0, s1;
	[sflag:s0] =	ssyncset.done @!p0 $0x0  }
0x2b5: {  	[sflag:s0] =	ssyncadd.s32 @!p0 s1  }
0x2b6: {  	[bflag:$0x3] =	sbarrier.arrive $0xFFFF  }
0x2b7: {  	_ =	shalt  }

</sc_bundles>
